<compile_context>
chip_gen: v7x
topology: tpu7x:2x2x1
jax: 0.10.2.dev20260603
libtpu: 0.0.44.dev20260713+nightly
codegen_flags: <defaults>
</compile_context>

<pallas_src>
import functools

import jax
import jax.numpy as jnp
from jax import lax
from jax.experimental import pallas as pl
from jax.experimental.pallas import tpu as pltpu
from jax.experimental.pallas import tpu_sc as plsc

N = 10000
NP = 10000
D = 128
H = 64
OUT = 8
OUTP = 16
B = 1024
NC = 2
NS = 16
NW = NC * NS
L = 16
RB = 1000
SPT = 8
RPS = 125
CH = SPT * RPS
SPH = 2
HC = SPH * RPS
AGW = 80


def _dense1_body(xf_ref, wl_ref, wr_ref, b1_ref, y1_ref, z1_ref):
    xf = xf_ref[...]
    y1 = jnp.dot(xf, wl_ref[...], preferred_element_type=jnp.float32)
    y1p = jnp.concatenate([y1, jnp.zeros((RB, AGW - H), jnp.float32)], axis=1)
    col = lax.broadcasted_iota(jnp.int32, (RB, AGW), 1)
    y1_ref[...] = jnp.where(col == H, 1.0, y1p)
    z1_ref[...] = (
        jnp.dot(xf, wr_ref[...], preferred_element_type=jnp.float32)
        + b1_ref[...]
    )


def _dense1(xf, W1l, W1r, b1):
    return pl.pallas_call(
        _dense1_body,
        grid=(NP // RB,),
        in_specs=[
            pl.BlockSpec((RB, D), lambda i: (i, 0)),
            pl.BlockSpec((D, H), lambda i: (0, 0)),
            pl.BlockSpec((D, H), lambda i: (0, 0)),
            pl.BlockSpec((1, H), lambda i: (0, 0)),
        ],
        out_specs=[
            pl.BlockSpec((RB, AGW), lambda i: (i, 0)),
            pl.BlockSpec((RB, H), lambda i: (i, 0)),
        ],
        out_shape=[
            jax.ShapeDtypeStruct((NP, AGW), jnp.float32),
            jax.ShapeDtypeStruct((NP, H), jnp.float32),
        ],
    )(xf, W1l, W1r, b1.reshape(1, H))


def _dense2_body(aggp_ref, z1_ref, wl_ref, wr_ref, b2_ref,
                 y2_ref, z2_ref, dinv_ref):
    asum = aggp_ref[0] + aggp_ref[1]
    d = asum[:, H:H + 1]
    dinv = 1.0 / jnp.maximum(d, 1.0)
    agg = asum[:, :H] * dinv
    h = jnp.maximum(agg + z1_ref[...], 0.0)
    y2 = jnp.dot(h, wl_ref[...], preferred_element_type=jnp.float32)
    z2 = (jnp.dot(h, wr_ref[...], preferred_element_type=jnp.float32)
          + b2_ref[...])
    pad = jnp.zeros_like(y2)
    y2_ref[...] = jnp.concatenate([y2, pad], axis=1)
    z2_ref[...] = jnp.concatenate([z2, pad], axis=1)
    dinv_ref[...] = jnp.broadcast_to(dinv, (RB, OUTP))


def _dense2(aggp, z1, W2l, W2r, b2):
    return pl.pallas_call(
        _dense2_body,
        grid=(NP // RB,),
        in_specs=[
            pl.BlockSpec((NC, RB, 128), lambda i: (0, i, 0)),
            pl.BlockSpec((RB, H), lambda i: (i, 0)),
            pl.BlockSpec((H, OUT), lambda i: (0, 0)),
            pl.BlockSpec((H, OUT), lambda i: (0, 0)),
            pl.BlockSpec((1, OUT), lambda i: (0, 0)),
        ],
        out_specs=[
            pl.BlockSpec((RB, OUTP), lambda i: (i, 0)),
            pl.BlockSpec((RB, OUTP), lambda i: (i, 0)),
            pl.BlockSpec((RB, OUTP), lambda i: (i, 0)),
        ],
        out_shape=[
            jax.ShapeDtypeStruct((NP, OUTP), jnp.float32),
            jax.ShapeDtypeStruct((NP, OUTP), jnp.float32),
            jax.ShapeDtypeStruct((NP, OUTP), jnp.float32),
        ],
    )(aggp, z1, W2l, W2r, b2.reshape(1, OUT))


def _seg_sum(y, src_r, dst_r, width, n_chunks):
    mesh = plsc.VectorSubcoreMesh(core_axis_name="c", subcore_axis_name="s")
    rows_pt = NP // NS
    zrows = 125
    ept = n_chunks * CH
    irows = ept // RPS
    nhalf = n_chunks * (CH // HC) // 2
    wout = 128
    out_type = [jax.ShapeDtypeStruct((NC, NP, wout), jnp.float32)]
    nbuf = 5 if width > 32 else 10
    scratch = (
        [pltpu.VMEM((RPS, width), jnp.float32) for _ in range(nbuf)]
        + [
            pltpu.VMEM((irows, RPS), jnp.int32),
            pltpu.VMEM((irows, RPS), jnp.int32),
            pltpu.VMEM((zrows, width), jnp.float32),
            pltpu.VMEM_SHARED((NP, width), jnp.float32),
        ]
        + [pltpu.SemaphoreType.DMA for _ in range(2 * nbuf)]
    )

    @functools.partial(
        pl.kernel, mesh=mesh, out_type=tuple(out_type),
        scratch_types=scratch,
        compiler_params=pltpu.CompilerParams(use_tc_tiling_on_sc=False))
    def k(*refs):
        y_hbm, srcr_hbm, dstr_hbm, aggp_hbm = refs[:4]
        rest = refs[4:]
        bufs = rest[:nbuf]
        srcall, dstall, zb, sh_agg = rest[nbuf:nbuf + 4]
        gs = rest[nbuf + 4:2 * nbuf + 4]
        ss = rest[2 * nbuf + 4:]
        c = lax.axis_index("c")
        s = lax.axis_index("s")
        wid = c * NS + s
        zvec = jnp.zeros((L,), jnp.float32)

        pltpu.sync_copy(srcr_hbm.at[pl.ds(wid * irows, irows)], srcall)
        pltpu.sync_copy(dstr_hbm.at[pl.ds(wid * irows, irows)], dstall)

        def fire_gather(t, row):
            pltpu.async_copy(y_hbm.at[srcall.at[row]], bufs[t], gs[t])

        def drain_gather(t):
            pltpu.make_async_copy(y_hbm.at[pl.ds(0, RPS)], bufs[t],
                                  gs[t]).wait()

        def fire_scatter(t, row):
            pltpu.async_copy(bufs[t], sh_agg.at[dstall.at[row]], ss[t],
                             add=True)

        def drain_scatter(t):
            pltpu.make_async_copy(bufs[t], sh_agg.at[pl.ds(0, RPS)],
                                  ss[t]).wait()

        def zb_body(r, _):
            for j in range(width // L):
                zb[r, pl.ds(j * L, L)] = zvec
            return 0
        lax.fori_loop(0, zrows, zb_body, 0)
        for m in range(rows_pt // zrows):
            pltpu.sync_copy(zb, sh_agg.at[pl.ds(s * rows_pt + m * zrows,
                                                zrows)])
        ahead = (nbuf + 1) // 2
        lag = nbuf - ahead
        for t in range(ahead):
            fire_gather(t, t)
        plsc.subcore_barrier()

        nst = irows
        def body(m, _):
            for t in range(nbuf):
                q = m * nbuf + t
                j = (t + ahead) % nbuf
                drain_gather(t)
                fire_scatter(t, q)
                drain_scatter(t)
                @pl.when(q + ahead < nst)
                def _():
                    fire_gather(j, q + ahead)
            return 0
        lax.fori_loop(0, nst // nbuf, body, 0)
        plsc.subcore_barrier()

        for m in range(rows_pt // zrows):
            r0 = s * rows_pt + m * zrows
            pltpu.sync_copy(sh_agg.at[pl.ds(r0, zrows)],
                            aggp_hbm.at[c, pl.ds(r0, zrows), pl.ds(0, width)])

    return k(y, src_r, dst_r)


def _final_gather(aggp2, dinv, z2, x):
    mesh = plsc.VectorSubcoreMesh(core_axis_name="c", subcore_axis_name="s")
    bpt = B // NW

    @functools.partial(
        pl.kernel, mesh=mesh,
        out_type=jax.ShapeDtypeStruct((B, OUTP), jnp.float32),
        scratch_types=[
            pltpu.VMEM((bpt,), jnp.int32),
            pltpu.VMEM((bpt, 128), jnp.float32),
            pltpu.VMEM((bpt, 128), jnp.float32),
            pltpu.VMEM((bpt, OUTP), jnp.float32),
            pltpu.VMEM((bpt, OUTP), jnp.float32),
            pltpu.VMEM((bpt, OUTP), jnp.float32),
            pltpu.SemaphoreType.DMA,
        ],
        compiler_params=pltpu.CompilerParams(use_tc_tiling_on_sc=False))
    def k(p_hbm, dinv_hbm, z2_hbm, x_hbm, out_hbm,
          xc, p0v, p1v, dv, z2v, outv, sem):
        c = lax.axis_index("c")
        s = lax.axis_index("s")
        wid = c * NS + s
        pltpu.sync_copy(x_hbm.at[pl.ds(wid * bpt, bpt)], xc)
        cps = [pltpu.async_copy(p_hbm.at[0].at[xc], p0v, sem),
               pltpu.async_copy(p_hbm.at[1].at[xc], p1v, sem),
               pltpu.async_copy(dinv_hbm.at[xc], dv, sem),
               pltpu.async_copy(z2_hbm.at[xc], z2v, sem)]
        for cp in cps:
            cp.wait()

        def body(r, _):
            psum = p0v[r, pl.ds(0, OUTP)] + p1v[r, pl.ds(0, OUTP)]
            outv[r, :] = psum * dv[r, :] + z2v[r, :]
            return 0
        lax.fori_loop(0, bpt, body, 0)
        pltpu.sync_copy(outv, out_hbm.at[pl.ds(wid * bpt, bpt)])

    return k(aggp2, dinv, z2, x)


def kernel(x_feat, edge_index, x, W1l, W1r, b1, W2l, W2r, b2):
    E = edge_index.shape[1]
    n_chunks = E // (NW * CH)

    xf = x_feat
    src = edge_index[0]
    dst = edge_index[1]
    src_r = src.reshape(E // RPS, RPS)
    dst_r = dst.reshape(E // RPS, RPS)

    y1, z1 = _dense1(xf, W1l, W1r, b1)
    aggp1, = _seg_sum(y1, src_r, dst_r, AGW, n_chunks)
    y2, z2, dinv = _dense2(aggp1, z1, W2l, W2r, b2)
    aggp2, = _seg_sum(y2, src_r, dst_r, OUTP, n_chunks)
    out = _final_gather(aggp2, dinv, z2, x)
    return out[:, :OUT]

# --- scband reference (transcript-rebuilt; emitter-appended) ---
"""Pipeline reference for scband-graph-69277822484549 (READ-ONLY COPY).

The authoritative reference and input builder live on the scoring server;
editing this copy changes nothing except your own understanding.
"""

import jax, jax.numpy as jnp
import numpy as np

N = 10000
E = 320000
D = 128
H = 64
OUT = 8
B = 1024


def setup_inputs(seed: int = 0) -> dict:
    key = jax.random.key(seed)
    ks = jax.random.split(key, 10)
    x_feat = jax.random.normal(ks[0], (N, D), dtype=jnp.float32)
    edge_index = jax.random.randint(ks[1], (2, E), 0, N, dtype=jnp.int32)
    x = jax.random.randint(ks[2], (B,), 0, N, dtype=jnp.int32)
    W1l = jax.random.normal(ks[3], (D, H), dtype=jnp.float32) / np.sqrt(D)
    W1r = jax.random.normal(ks[4], (D, H), dtype=jnp.float32) / np.sqrt(D)
    b1 = jnp.zeros((H,), dtype=jnp.float32)
    W2l = jax.random.normal(ks[5], (H, OUT), dtype=jnp.float32) / np.sqrt(H)
    W2r = jax.random.normal(ks[6], (H, OUT), dtype=jnp.float32) / np.sqrt(H)
    b2 = jnp.zeros((OUT,), dtype=jnp.float32)
    return {"x_feat": x_feat, "edge_index": edge_index, "x": x,
            "W1l": W1l, "W1r": W1r, "b1": b1,
            "W2l": W2l, "W2r": W2r, "b2": b2}


def sage_conv(feat, edge_index, Wl, Wr, b):
    # PyG SAGEConv with mean aggregation:
    # out_i = Wl @ mean_{j in N(i)} feat_j + Wr @ feat_i + b
    src = edge_index[0]
    dst = edge_index[1]
    msgs = jnp.take(feat, src, axis=0)                      # gather (SparseCore)
    agg = jax.ops.segment_sum(msgs, dst, num_segments=feat.shape[0])  # scatter-add
    deg = jax.ops.segment_sum(jnp.ones((edge_index.shape[1],), dtype=feat.dtype), dst,
                              num_segments=feat.shape[0])
    agg = agg / jnp.maximum(deg, 1.0)[:, None]
    return agg @ Wl + feat @ Wr + b


def reference(x_feat, edge_index, x, W1l, W1r, b1, W2l, W2r, b2):
    # training branch of Graph.forward (dropout omitted for determinism)
    h = jax.nn.relu(sage_conv(x_feat, edge_index, W1l, W1r, b1))
    embeddings = sage_conv(h, edge_index, W2l, W2r, b2)
    return jnp.take(embeddings, x, axis=0)

if __name__ == "__main__":
    import jax
    _d = setup_inputs()
    print(jax.jit(kernel)(*tuple(_d.values())))

</pallas_src>

<mosaic_0001>
#map = affine_map<(d0, d1) -> (0, 0)>
#map1 = affine_map<(d0, d1) -> (0, 0, 0)>
module attributes {stable_mosaic.version = 14 : i64} {
  func.func @k(%arg0: i32, %arg1: i32, %arg2: memref<10000x16xf32, #tpu.memory_space<hbm>>, %arg3: memref<2560x125xi32, #tpu.memory_space<hbm>>, %arg4: memref<2560x125xi32, #tpu.memory_space<hbm>>, %arg5: memref<2x10000x128xf32, #tpu.memory_space<hbm>>, %arg6: memref<125x16xf32, #tpu.memory_space<vmem>>, %arg7: memref<125x16xf32, #tpu.memory_space<vmem>>, %arg8: memref<125x16xf32, #tpu.memory_space<vmem>>, %arg9: memref<125x16xf32, #tpu.memory_space<vmem>>, %arg10: memref<125x16xf32, #tpu.memory_space<vmem>>, %arg11: memref<125x16xf32, #tpu.memory_space<vmem>>, %arg12: memref<125x16xf32, #tpu.memory_space<vmem>>, %arg13: memref<125x16xf32, #tpu.memory_space<vmem>>, %arg14: memref<125x16xf32, #tpu.memory_space<vmem>>, %arg15: memref<125x16xf32, #tpu.memory_space<vmem>>, %arg16: memref<80x125xi32, #tpu.memory_space<vmem>>, %arg17: memref<80x125xi32, #tpu.memory_space<vmem>>, %arg18: memref<125x16xf32, #tpu.memory_space<vmem>>, %arg19: memref<10000x16xf32, #tpu.memory_space<vmem_shared>>, %arg20: memref<!tpu.dma_semaphore, #tpu.memory_space<semaphore_mem>>, %arg21: memref<!tpu.dma_semaphore, #tpu.memory_space<semaphore_mem>>, %arg22: memref<!tpu.dma_semaphore, #tpu.memory_space<semaphore_mem>>, %arg23: memref<!tpu.dma_semaphore, #tpu.memory_space<semaphore_mem>>, %arg24: memref<!tpu.dma_semaphore, #tpu.memory_space<semaphore_mem>>, %arg25: memref<!tpu.dma_semaphore, #tpu.memory_space<semaphore_mem>>, %arg26: memref<!tpu.dma_semaphore, #tpu.memory_space<semaphore_mem>>, %arg27: memref<!tpu.dma_semaphore, #tpu.memory_space<semaphore_mem>>, %arg28: memref<!tpu.dma_semaphore, #tpu.memory_space<semaphore_mem>>, %arg29: memref<!tpu.dma_semaphore, #tpu.memory_space<semaphore_mem>>, %arg30: memref<!tpu.dma_semaphore, #tpu.memory_space<semaphore_mem>>, %arg31: memref<!tpu.dma_semaphore, #tpu.memory_space<semaphore_mem>>, %arg32: memref<!tpu.dma_semaphore, #tpu.memory_space<semaphore_mem>>, %arg33: memref<!tpu.dma_semaphore, #tpu.memory_space<semaphore_mem>>, %arg34: memref<!tpu.dma_semaphore, #tpu.memory_space<semaphore_mem>>, %arg35: memref<!tpu.dma_semaphore, #tpu.memory_space<semaphore_mem>>, %arg36: memref<!tpu.dma_semaphore, #tpu.memory_space<semaphore_mem>>, %arg37: memref<!tpu.dma_semaphore, #tpu.memory_space<semaphore_mem>>, %arg38: memref<!tpu.dma_semaphore, #tpu.memory_space<semaphore_mem>>, %arg39: memref<!tpu.dma_semaphore, #tpu.memory_space<semaphore_mem>>) attributes {dimension_semantics = [#tpu.dimension_semantics<core_parallel>, #tpu.dimension_semantics<subcore_parallel>], iteration_bounds = array<i64: 2, 16>, scalar_prefetch = 0 : i64, scratch_operands = 34 : i64, tpu.core_type = #tpu.core_type<sc_vector_subcore>, window_params = [{transform_indices = #map}, {transform_indices = #map}, {transform_indices = #map}, {transform_indices = #map1}]} {
    %mul3A = arith.constant 16 : i32
    %mul3A_0 = arith.muli %arg0, %mul3A : i32
    %add3A = arith.addi %mul3A_0, %arg1 : i32
    %broadcast_in_dim3A = arith.constant 0.000000e+00 : f32
    %broadcast_in_dim3A_1 = vector.broadcast %broadcast_in_dim3A : f32 to vector<16xf32>
    %mul3A_2 = arith.constant 80 : i32
    %mul3A_3 = arith.muli %add3A, %mul3A_2 : i32
    "tpu.region"() ({
      %run_scoped3A = tpu.sem_alloc : memref<!tpu.dma_semaphore, #tpu.memory_space<semaphore_mem>>
      %dma_start3A_94 = arith.constant 0 : i32
      %dma_start3A_95 = tpu.memref_slice %arg3[%mul3A_3, %dma_start3A_94] : memref<2560x125xi32, #tpu.memory_space<hbm>> -> memref<80x125xi32, #tpu.memory_space<hbm>>
      %dma_start3A_96 = arith.constant 0 : i32
      %dma_start3A_97 = tpu.memref_slice %arg3[%mul3A_3, %dma_start3A_96] : memref<2560x125xi32, #tpu.memory_space<hbm>> -> memref<80x125xi32, #tpu.memory_space<hbm>>
      tpu.enqueue_dma source(%dma_start3A_97 : memref<80x125xi32, #tpu.memory_space<hbm>>) target(%arg16 : memref<80x125xi32, #tpu.memory_space<vmem>>) target_semaphore(%run_scoped3A : memref<!tpu.dma_semaphore, #tpu.memory_space<semaphore_mem>>)
      %dma_wait3A = arith.constant 0 : i32
      %dma_wait3A_98 = tpu.memref_slice %arg3[%mul3A_3, %dma_wait3A] : memref<2560x125xi32, #tpu.memory_space<hbm>> -> memref<80x125xi32, #tpu.memory_space<hbm>>
      %dma_wait3A_99 = arith.constant 0 : i32
      %dma_wait3A_100 = tpu.memref_slice %arg3[%mul3A_3, %dma_wait3A_99] : memref<2560x125xi32, #tpu.memory_space<hbm>> -> memref<80x125xi32, #tpu.memory_space<hbm>>
      tpu.wait_dma2 semaphore(%run_scoped3A : memref<!tpu.dma_semaphore, #tpu.memory_space<semaphore_mem>>) src(%dma_wait3A_100 : memref<80x125xi32, #tpu.memory_space<hbm>>) dst(%arg16 : memref<80x125xi32, #tpu.memory_space<vmem>>)
      tpu.yield
    }) : () -> ()
    %mul3A_4 = arith.constant 80 : i32
    %mul3A_5 = arith.muli %add3A, %mul3A_4 : i32
    "tpu.region"() ({
      %run_scoped3A = tpu.sem_alloc : memref<!tpu.dma_semaphore, #tpu.memory_space<semaphore_mem>>
      %dma_start3A_94 = arith.constant 0 : i32
      %dma_start3A_95 = tpu.memref_slice %arg4[%mul3A_5, %dma_start3A_94] : memref<2560x125xi32, #tpu.memory_space<hbm>> -> memref<80x125xi32, #tpu.memory_space<hbm>>
      %dma_start3A_96 = arith.constant 0 : i32
      %dma_start3A_97 = tpu.memref_slice %arg4[%mul3A_5, %dma_start3A_96] : memref<2560x125xi32, #tpu.memory_space<hbm>> -> memref<80x125xi32, #tpu.memory_space<hbm>>
      tpu.enqueue_dma source(%dma_start3A_97 : memref<80x125xi32, #tpu.memory_space<hbm>>) target(%arg17 : memref<80x125xi32, #tpu.memory_space<vmem>>) target_semaphore(%run_scoped3A : memref<!tpu.dma_semaphore, #tpu.memory_space<semaphore_mem>>)
      %dma_wait3A = arith.constant 0 : i32
      %dma_wait3A_98 = tpu.memref_slice %arg4[%mul3A_5, %dma_wait3A] : memref<2560x125xi32, #tpu.memory_space<hbm>> -> memref<80x125xi32, #tpu.memory_space<hbm>>
      %dma_wait3A_99 = arith.constant 0 : i32
      %dma_wait3A_100 = tpu.memref_slice %arg4[%mul3A_5, %dma_wait3A_99] : memref<2560x125xi32, #tpu.memory_space<hbm>> -> memref<80x125xi32, #tpu.memory_space<hbm>>
      tpu.wait_dma2 semaphore(%run_scoped3A : memref<!tpu.dma_semaphore, #tpu.memory_space<semaphore_mem>>) src(%dma_wait3A_100 : memref<80x125xi32, #tpu.memory_space<hbm>>) dst(%arg17 : memref<80x125xi32, #tpu.memory_space<vmem>>)
      tpu.yield
    }) : () -> ()
    %scan3A = arith.constant 0 : i32
    %scan3A_6 = arith.constant 0 : i32
    %scan3A_7 = arith.constant 125 : i32
    %scan3A_8 = arith.addi %scan3A_6, %scan3A_7 : i32
    %scan3A_9 = arith.constant 1 : i32
    %scan3A_10 = scf.for %scan3A_94 = %scan3A_6 to %scan3A_8 step %scan3A_9 iter_args(%scan3A_95 = %scan3A) -> (i32)  : i32 {
      %swap3A = arith.index_cast %scan3A_94 : i32 to index
      %swap3A_96 = arith.constant 0 : index
      %swap3A_97 = tpu.vector_load %arg18[%swap3A, %swap3A_96] {strides = array<i32>} : memref<125x16xf32, #tpu.memory_space<vmem>>, vector<1x16xf32>,
      %swap3A_98 = vector.shape_cast %swap3A_97 : vector<1x16xf32> to vector<16xf32>
      %swap3A_99 = vector.shape_cast %broadcast_in_dim3A_1 : vector<16xf32> to vector<1x16xf32>
      tpu.vector_store %arg18[%swap3A, %swap3A_96], %swap3A_99 {strides = array<i32>} : memref<125x16xf32, #tpu.memory_space<vmem>>, vector<1x16xf32>,
      %scan3A_100 = arith.constant 0 : i32
      scf.yield %scan3A_100 : i32
    }
    %scan3A_11 = arith.constant 125 : i32
    %mul3A_12 = arith.constant 625 : i32
    %mul3A_13 = arith.muli %arg1, %mul3A_12 : i32
    %add3A_14 = arith.constant 0 : i32
    %add3A_15 = arith.addi %mul3A_13, %add3A_14 : i32
    "tpu.region"() ({
      %run_scoped3A = tpu.sem_alloc : memref<!tpu.dma_semaphore, #tpu.memory_space<semaphore_mem>>
      %dma_start3A_94 = arith.constant 0 : i32
      %dma_start3A_95 = tpu.memref_slice %arg19[%add3A_15, %dma_start3A_94] : memref<10000x16xf32, #tpu.memory_space<vmem_shared>> -> memref<125x16xf32, #tpu.memory_space<vmem_shared>>
      %dma_start3A_96 = arith.constant 0 : i32
      %dma_start3A_97 = tpu.memref_slice %arg19[%add3A_15, %dma_start3A_96] : memref<10000x16xf32, #tpu.memory_space<vmem_shared>> -> memref<125x16xf32, #tpu.memory_space<vmem_shared>>
      tpu.enqueue_dma source(%arg18 : memref<125x16xf32, #tpu.memory_space<vmem>>) target(%dma_start3A_97 : memref<125x16xf32, #tpu.memory_space<vmem_shared>>) target_semaphore(%run_scoped3A : memref<!tpu.dma_semaphore, #tpu.memory_space<semaphore_mem>>)
      %dma_wait3A = arith.constant 0 : i32
      %dma_wait3A_98 = tpu.memref_slice %arg19[%add3A_15, %dma_wait3A] : memref<10000x16xf32, #tpu.memory_space<vmem_shared>> -> memref<125x16xf32, #tpu.memory_space<vmem_shared>>
      %dma_wait3A_99 = arith.constant 0 : i32
      %dma_wait3A_100 = tpu.memref_slice %arg19[%add3A_15, %dma_wait3A_99] : memref<10000x16xf32, #tpu.memory_space<vmem_shared>> -> memref<125x16xf32, #tpu.memory_space<vmem_shared>>
      tpu.wait_dma2 semaphore(%run_scoped3A : memref<!tpu.dma_semaphore, #tpu.memory_space<semaphore_mem>>) src(%arg18 : memref<125x16xf32, #tpu.memory_space<vmem>>) dst(%dma_wait3A_100 : memref<125x16xf32, #tpu.memory_space<vmem_shared>>)
      tpu.yield
    }) : () -> ()
    %mul3A_16 = arith.constant 625 : i32
    %mul3A_17 = arith.muli %arg1, %mul3A_16 : i32
    %add3A_18 = arith.constant 125 : i32
    %add3A_19 = arith.addi %mul3A_17, %add3A_18 : i32
    "tpu.region"() ({
      %run_scoped3A = tpu.sem_alloc : memref<!tpu.dma_semaphore, #tpu.memory_space<semaphore_mem>>
      %dma_start3A_94 = arith.constant 0 : i32
      %dma_start3A_95 = tpu.memref_slice %arg19[%add3A_19, %dma_start3A_94] : memref<10000x16xf32, #tpu.memory_space<vmem_shared>> -> memref<125x16xf32, #tpu.memory_space<vmem_shared>>
      %dma_start3A_96 = arith.constant 0 : i32
      %dma_start3A_97 = tpu.memref_slice %arg19[%add3A_19, %dma_start3A_96] : memref<10000x16xf32, #tpu.memory_space<vmem_shared>> -> memref<125x16xf32, #tpu.memory_space<vmem_shared>>
      tpu.enqueue_dma source(%arg18 : memref<125x16xf32, #tpu.memory_space<vmem>>) target(%dma_start3A_97 : memref<125x16xf32, #tpu.memory_space<vmem_shared>>) target_semaphore(%run_scoped3A : memref<!tpu.dma_semaphore, #tpu.memory_space<semaphore_mem>>)
      %dma_wait3A = arith.constant 0 : i32
      %dma_wait3A_98 = tpu.memref_slice %arg19[%add3A_19, %dma_wait3A] : memref<10000x16xf32, #tpu.memory_space<vmem_shared>> -> memref<125x16xf32, #tpu.memory_space<vmem_shared>>
      %dma_wait3A_99 = arith.constant 0 : i32
      %dma_wait3A_100 = tpu.memref_slice %arg19[%add3A_19, %dma_wait3A_99] : memref<10000x16xf32, #tpu.memory_space<vmem_shared>> -> memref<125x16xf32, #tpu.memory_space<vmem_shared>>
      tpu.wait_dma2 semaphore(%run_scoped3A : memref<!tpu.dma_semaphore, #tpu.memory_space<semaphore_mem>>) src(%arg18 : memref<125x16xf32, #tpu.memory_space<vmem>>) dst(%dma_wait3A_100 : memref<125x16xf32, #tpu.memory_space<vmem_shared>>)
      tpu.yield
    }) : () -> ()
    %mul3A_20 = arith.constant 625 : i32
    %mul3A_21 = arith.muli %arg1, %mul3A_20 : i32
    %add3A_22 = arith.constant 250 : i32
    %add3A_23 = arith.addi %mul3A_21, %add3A_22 : i32
    "tpu.region"() ({
      %run_scoped3A = tpu.sem_alloc : memref<!tpu.dma_semaphore, #tpu.memory_space<semaphore_mem>>
      %dma_start3A_94 = arith.constant 0 : i32
      %dma_start3A_95 = tpu.memref_slice %arg19[%add3A_23, %dma_start3A_94] : memref<10000x16xf32, #tpu.memory_space<vmem_shared>> -> memref<125x16xf32, #tpu.memory_space<vmem_shared>>
      %dma_start3A_96 = arith.constant 0 : i32
      %dma_start3A_97 = tpu.memref_slice %arg19[%add3A_23, %dma_start3A_96] : memref<10000x16xf32, #tpu.memory_space<vmem_shared>> -> memref<125x16xf32, #tpu.memory_space<vmem_shared>>
      tpu.enqueue_dma source(%arg18 : memref<125x16xf32, #tpu.memory_space<vmem>>) target(%dma_start3A_97 : memref<125x16xf32, #tpu.memory_space<vmem_shared>>) target_semaphore(%run_scoped3A : memref<!tpu.dma_semaphore, #tpu.memory_space<semaphore_mem>>)
      %dma_wait3A = arith.constant 0 : i32
      %dma_wait3A_98 = tpu.memref_slice %arg19[%add3A_23, %dma_wait3A] : memref<10000x16xf32, #tpu.memory_space<vmem_shared>> -> memref<125x16xf32, #tpu.memory_space<vmem_shared>>
      %dma_wait3A_99 = arith.constant 0 : i32
      %dma_wait3A_100 = tpu.memref_slice %arg19[%add3A_23, %dma_wait3A_99] : memref<10000x16xf32, #tpu.memory_space<vmem_shared>> -> memref<125x16xf32, #tpu.memory_space<vmem_shared>>
      tpu.wait_dma2 semaphore(%run_scoped3A : memref<!tpu.dma_semaphore, #tpu.memory_space<semaphore_mem>>) src(%arg18 : memref<125x16xf32, #tpu.memory_space<vmem>>) dst(%dma_wait3A_100 : memref<125x16xf32, #tpu.memory_space<vmem_shared>>)
      tpu.yield
    }) : () -> ()
    %mul3A_24 = arith.constant 625 : i32
    %mul3A_25 = arith.muli %arg1, %mul3A_24 : i32
    %add3A_26 = arith.constant 375 : i32
    %add3A_27 = arith.addi %mul3A_25, %add3A_26 : i32
    "tpu.region"() ({
      %run_scoped3A = tpu.sem_alloc : memref<!tpu.dma_semaphore, #tpu.memory_space<semaphore_mem>>
      %dma_start3A_94 = arith.constant 0 : i32
      %dma_start3A_95 = tpu.memref_slice %arg19[%add3A_27, %dma_start3A_94] : memref<10000x16xf32, #tpu.memory_space<vmem_shared>> -> memref<125x16xf32, #tpu.memory_space<vmem_shared>>
      %dma_start3A_96 = arith.constant 0 : i32
      %dma_start3A_97 = tpu.memref_slice %arg19[%add3A_27, %dma_start3A_96] : memref<10000x16xf32, #tpu.memory_space<vmem_shared>> -> memref<125x16xf32, #tpu.memory_space<vmem_shared>>
      tpu.enqueue_dma source(%arg18 : memref<125x16xf32, #tpu.memory_space<vmem>>) target(%dma_start3A_97 : memref<125x16xf32, #tpu.memory_space<vmem_shared>>) target_semaphore(%run_scoped3A : memref<!tpu.dma_semaphore, #tpu.memory_space<semaphore_mem>>)
      %dma_wait3A = arith.constant 0 : i32
      %dma_wait3A_98 = tpu.memref_slice %arg19[%add3A_27, %dma_wait3A] : memref<10000x16xf32, #tpu.memory_space<vmem_shared>> -> memref<125x16xf32, #tpu.memory_space<vmem_shared>>
      %dma_wait3A_99 = arith.constant 0 : i32
      %dma_wait3A_100 = tpu.memref_slice %arg19[%add3A_27, %dma_wait3A_99] : memref<10000x16xf32, #tpu.memory_space<vmem_shared>> -> memref<125x16xf32, #tpu.memory_space<vmem_shared>>
      tpu.wait_dma2 semaphore(%run_scoped3A : memref<!tpu.dma_semaphore, #tpu.memory_space<semaphore_mem>>) src(%arg18 : memref<125x16xf32, #tpu.memory_space<vmem>>) dst(%dma_wait3A_100 : memref<125x16xf32, #tpu.memory_space<vmem_shared>>)
      tpu.yield
    }) : () -> ()
    %mul3A_28 = arith.constant 625 : i32
    %mul3A_29 = arith.muli %arg1, %mul3A_28 : i32
    %add3A_30 = arith.constant 500 : i32
    %add3A_31 = arith.addi %mul3A_29, %add3A_30 : i32
    "tpu.region"() ({
      %run_scoped3A = tpu.sem_alloc : memref<!tpu.dma_semaphore, #tpu.memory_space<semaphore_mem>>
      %dma_start3A_94 = arith.constant 0 : i32
      %dma_start3A_95 = tpu.memref_slice %arg19[%add3A_31, %dma_start3A_94] : memref<10000x16xf32, #tpu.memory_space<vmem_shared>> -> memref<125x16xf32, #tpu.memory_space<vmem_shared>>
      %dma_start3A_96 = arith.constant 0 : i32
      %dma_start3A_97 = tpu.memref_slice %arg19[%add3A_31, %dma_start3A_96] : memref<10000x16xf32, #tpu.memory_space<vmem_shared>> -> memref<125x16xf32, #tpu.memory_space<vmem_shared>>
      tpu.enqueue_dma source(%arg18 : memref<125x16xf32, #tpu.memory_space<vmem>>) target(%dma_start3A_97 : memref<125x16xf32, #tpu.memory_space<vmem_shared>>) target_semaphore(%run_scoped3A : memref<!tpu.dma_semaphore, #tpu.memory_space<semaphore_mem>>)
      %dma_wait3A = arith.constant 0 : i32
      %dma_wait3A_98 = tpu.memref_slice %arg19[%add3A_31, %dma_wait3A] : memref<10000x16xf32, #tpu.memory_space<vmem_shared>> -> memref<125x16xf32, #tpu.memory_space<vmem_shared>>
      %dma_wait3A_99 = arith.constant 0 : i32
      %dma_wait3A_100 = tpu.memref_slice %arg19[%add3A_31, %dma_wait3A_99] : memref<10000x16xf32, #tpu.memory_space<vmem_shared>> -> memref<125x16xf32, #tpu.memory_space<vmem_shared>>
      tpu.wait_dma2 semaphore(%run_scoped3A : memref<!tpu.dma_semaphore, #tpu.memory_space<semaphore_mem>>) src(%arg18 : memref<125x16xf32, #tpu.memory_space<vmem>>) dst(%dma_wait3A_100 : memref<125x16xf32, #tpu.memory_space<vmem_shared>>)
      tpu.yield
    }) : () -> ()
    %dma_start3A = arith.constant 0 : i32
    %dma_start3A_32 = arith.constant 0 : i32
    %dma_start3A_33 = tpu.memref_slice %arg16[%dma_start3A, %dma_start3A_32] : memref<80x125xi32, #tpu.memory_space<vmem>> -> memref<1x125xi32, #tpu.memory_space<vmem>>
    %dma_start3A_34 = tpu.memref_squeeze %dma_start3A_33 : memref<1x125xi32, #tpu.memory_space<vmem>> -> memref<125xi32, #tpu.memory_space<vmem>>
    %dma_start3A_35 = arith.constant 0 : i32
    %dma_start3A_36 = arith.constant 0 : i32
    %dma_start3A_37 = tpu.memref_slice %arg2[%dma_start3A_35, %dma_start3A_36] : memref<10000x16xf32, #tpu.memory_space<hbm>> -> memref<10000x16xf32, #tpu.memory_space<hbm>>
    tpu.enqueue_indirect_dma source(%dma_start3A_37 : memref<10000x16xf32, #tpu.memory_space<hbm>>) target(%arg6 : memref<125x16xf32, #tpu.memory_space<vmem>>) offsets(%dma_start3A_34 : memref<125xi32, #tpu.memory_space<vmem>>) semaphore(%arg20 : memref<!tpu.dma_semaphore, #tpu.memory_space<semaphore_mem>>)
    %dma_start3A_38 = arith.constant 1 : i32
    %dma_start3A_39 = arith.constant 0 : i32
    %dma_start3A_40 = tpu.memref_slice %arg16[%dma_start3A_38, %dma_start3A_39] : memref<80x125xi32, #tpu.memory_space<vmem>> -> memref<1x125xi32, #tpu.memory_space<vmem>>
    %dma_start3A_41 = tpu.memref_squeeze %dma_start3A_40 : memref<1x125xi32, #tpu.memory_space<vmem>> -> memref<125xi32, #tpu.memory_space<vmem>>
    %dma_start3A_42 = arith.constant 0 : i32
    %dma_start3A_43 = arith.constant 0 : i32
    %dma_start3A_44 = tpu.memref_slice %arg2[%dma_start3A_42, %dma_start3A_43] : memref<10000x16xf32, #tpu.memory_space<hbm>> -> memref<10000x16xf32, #tpu.memory_space<hbm>>
    tpu.enqueue_indirect_dma source(%dma_start3A_44 : memref<10000x16xf32, #tpu.memory_space<hbm>>) target(%arg7 : memref<125x16xf32, #tpu.memory_space<vmem>>) offsets(%dma_start3A_41 : memref<125xi32, #tpu.memory_space<vmem>>) semaphore(%arg21 : memref<!tpu.dma_semaphore, #tpu.memory_space<semaphore_mem>>)
    %dma_start3A_45 = arith.constant 2 : i32
    %dma_start3A_46 = arith.constant 0 : i32
    %dma_start3A_47 = tpu.memref_slice %arg16[%dma_start3A_45, %dma_start3A_46] : memref<80x125xi32, #tpu.memory_space<vmem>> -> memref<1x125xi32, #tpu.memory_space<vmem>>
    %dma_start3A_48 = tpu.memref_squeeze %dma_start3A_47 : memref<1x125xi32, #tpu.memory_space<vmem>> -> memref<125xi32, #tpu.memory_space<vmem>>
    %dma_start3A_49 = arith.constant 0 : i32
    %dma_start3A_50 = arith.constant 0 : i32
    %dma_start3A_51 = tpu.memref_slice %arg2[%dma_start3A_49, %dma_start3A_50] : memref<10000x16xf32, #tpu.memory_space<hbm>> -> memref<10000x16xf32, #tpu.memory_space<hbm>>
    tpu.enqueue_indirect_dma source(%dma_start3A_51 : memref<10000x16xf32, #tpu.memory_space<hbm>>) target(%arg8 : memref<125x16xf32, #tpu.memory_space<vmem>>) offsets(%dma_start3A_48 : memref<125xi32, #tpu.memory_space<vmem>>) semaphore(%arg22 : memref<!tpu.dma_semaphore, #tpu.memory_space<semaphore_mem>>)
    %dma_start3A_52 = arith.constant 3 : i32
    %dma_start3A_53 = arith.constant 0 : i32
    %dma_start3A_54 = tpu.memref_slice %arg16[%dma_start3A_52, %dma_start3A_53] : memref<80x125xi32, #tpu.memory_space<vmem>> -> memref<1x125xi32, #tpu.memory_space<vmem>>
    %dma_start3A_55 = tpu.memref_squeeze %dma_start3A_54 : memref<1x125xi32, #tpu.memory_space<vmem>> -> memref<125xi32, #tpu.memory_space<vmem>>
    %dma_start3A_56 = arith.constant 0 : i32
    %dma_start3A_57 = arith.constant 0 : i32
    %dma_start3A_58 = tpu.memref_slice %arg2[%dma_start3A_56, %dma_start3A_57] : memref<10000x16xf32, #tpu.memory_space<hbm>> -> memref<10000x16xf32, #tpu.memory_space<hbm>>
    tpu.enqueue_indirect_dma source(%dma_start3A_58 : memref<10000x16xf32, #tpu.memory_space<hbm>>) target(%arg9 : memref<125x16xf32, #tpu.memory_space<vmem>>) offsets(%dma_start3A_55 : memref<125xi32, #tpu.memory_space<vmem>>) semaphore(%arg23 : memref<!tpu.dma_semaphore, #tpu.memory_space<semaphore_mem>>)
    %dma_start3A_59 = arith.constant 4 : i32
    %dma_start3A_60 = arith.constant 0 : i32
    %dma_start3A_61 = tpu.memref_slice %arg16[%dma_start3A_59, %dma_start3A_60] : memref<80x125xi32, #tpu.memory_space<vmem>> -> memref<1x125xi32, #tpu.memory_space<vmem>>
    %dma_start3A_62 = tpu.memref_squeeze %dma_start3A_61 : memref<1x125xi32, #tpu.memory_space<vmem>> -> memref<125xi32, #tpu.memory_space<vmem>>
    %dma_start3A_63 = arith.constant 0 : i32
    %dma_start3A_64 = arith.constant 0 : i32
    %dma_start3A_65 = tpu.memref_slice %arg2[%dma_start3A_63, %dma_start3A_64] : memref<10000x16xf32, #tpu.memory_space<hbm>> -> memref<10000x16xf32, #tpu.memory_space<hbm>>
    tpu.enqueue_indirect_dma source(%dma_start3A_65 : memref<10000x16xf32, #tpu.memory_space<hbm>>) target(%arg10 : memref<125x16xf32, #tpu.memory_space<vmem>>) offsets(%dma_start3A_62 : memref<125xi32, #tpu.memory_space<vmem>>) semaphore(%arg24 : memref<!tpu.dma_semaphore, #tpu.memory_space<semaphore_mem>>)
    %barrier3A = arith.constant 0 : index
    tpu.barrier barrier_id(%barrier3A)
    %scan3A_66 = arith.constant 0 : i32
    %scan3A_67 = arith.constant 0 : i32
    %scan3A_68 = arith.constant 8 : i32
    %scan3A_69 = arith.addi %scan3A_67, %scan3A_68 : i32
    %scan3A_70 = arith.constant 1 : i32
    %scan3A_71 = scf.for %scan3A_94 = %scan3A_67 to %scan3A_69 step %scan3A_70 iter_args(%scan3A_95 = %scan3A_66) -> (i32)  : i32 {
      %mul3A_96 = arith.constant 10 : i32
      %mul3A_97 = arith.muli %scan3A_94, %mul3A_96 : i32
      %add3A_98 = arith.constant 0 : i32
      %add3A_99 = arith.addi %mul3A_97, %add3A_98 : i32
      %dma_wait3A = arith.constant 0 : i32
      %dma_wait3A_100 = arith.constant 0 : i32
      %dma_wait3A_101 = tpu.memref_slice %arg2[%dma_wait3A, %dma_wait3A_100] : memref<10000x16xf32, #tpu.memory_space<hbm>> -> memref<125x16xf32, #tpu.memory_space<hbm>>
      %dma_wait3A_102 = arith.constant 0 : i32
      %dma_wait3A_103 = arith.constant 0 : i32
      %dma_wait3A_104 = tpu.memref_slice %arg2[%dma_wait3A_102, %dma_wait3A_103] : memref<10000x16xf32, #tpu.memory_space<hbm>> -> memref<125x16xf32, #tpu.memory_space<hbm>>
      tpu.wait_dma2 semaphore(%arg20 : memref<!tpu.dma_semaphore, #tpu.memory_space<semaphore_mem>>) src(%dma_wait3A_104 : memref<125x16xf32, #tpu.memory_space<hbm>>) dst(%arg6 : memref<125x16xf32, #tpu.memory_space<vmem>>)
      %dma_start3A_105 = arith.constant 0 : i32
      %dma_start3A_106 = tpu.memref_slice %arg17[%add3A_99, %dma_start3A_105] : memref<80x125xi32, #tpu.memory_space<vmem>> -> memref<1x125xi32, #tpu.memory_space<vmem>>
      %dma_start3A_107 = tpu.memref_squeeze %dma_start3A_106 : memref<1x125xi32, #tpu.memory_space<vmem>> -> memref<125xi32, #tpu.memory_space<vmem>>
      %dma_start3A_108 = arith.constant 0 : i32
      %dma_start3A_109 = arith.constant 0 : i32
      %dma_start3A_110 = tpu.memref_slice %arg19[%dma_start3A_108, %dma_start3A_109] : memref<10000x16xf32, #tpu.memory_space<vmem_shared>> -> memref<10000x16xf32, #tpu.memory_space<vmem_shared>>
      tpu.enqueue_indirect_dma source(%arg6 : memref<125x16xf32, #tpu.memory_space<vmem>>) target(%dma_start3A_110 : memref<10000x16xf32, #tpu.memory_space<vmem_shared>>) offsets(%dma_start3A_107 : memref<125xi32, #tpu.memory_space<vmem>>) semaphore(%arg30 : memref<!tpu.dma_semaphore, #tpu.memory_space<semaphore_mem>>) {add = true}
      %dma_wait3A_111 = arith.constant 0 : i32
      %dma_wait3A_112 = arith.constant 0 : i32
      %dma_wait3A_113 = tpu.memref_slice %arg19[%dma_wait3A_111, %dma_wait3A_112] : memref<10000x16xf32, #tpu.memory_space<vmem_shared>> -> memref<125x16xf32, #tpu.memory_space<vmem_shared>>
      %dma_wait3A_114 = arith.constant 0 : i32
      %dma_wait3A_115 = arith.constant 0 : i32
      %dma_wait3A_116 = tpu.memref_slice %arg19[%dma_wait3A_114, %dma_wait3A_115] : memref<10000x16xf32, #tpu.memory_space<vmem_shared>> -> memref<125x16xf32, #tpu.memory_space<vmem_shared>>
      tpu.wait_dma2 semaphore(%arg30 : memref<!tpu.dma_semaphore, #tpu.memory_space<semaphore_mem>>) src(%arg6 : memref<125x16xf32, #tpu.memory_space<vmem>>) dst(%dma_wait3A_116 : memref<125x16xf32, #tpu.memory_space<vmem_shared>>)
      %add3A_117 = arith.constant 5 : i32
      %add3A_118 = arith.addi %add3A_99, %add3A_117 : i32
      %lt3A = arith.constant 80 : i32
      %lt3A_119 = arith.cmpi slt, %add3A_118, %lt3A : i32
      %convert_element_type3A = arith.extui %lt3A_119 : i1 to i32
      %cond3A = arith.constant 0 : i32
      %cond3A_120 = arith.cmpi ne, %convert_element_type3A, %cond3A : i32
      scf.if %cond3A_120 {
        %add3A_383 = arith.constant 5 : i32
        %add3A_384 = arith.addi %add3A_99, %add3A_383 : i32
        %dma_start3A_385 = arith.constant 0 : i32
        %dma_start3A_386 = tpu.memref_slice %arg16[%add3A_384, %dma_start3A_385] : memref<80x125xi32, #tpu.memory_space<vmem>> -> memref<1x125xi32, #tpu.memory_space<vmem>>
        %dma_start3A_387 = tpu.memref_squeeze %dma_start3A_386 : memref<1x125xi32, #tpu.memory_space<vmem>> -> memref<125xi32, #tpu.memory_space<vmem>>
        %dma_start3A_388 = arith.constant 0 : i32
        %dma_start3A_389 = arith.constant 0 : i32
        %dma_start3A_390 = tpu.memref_slice %arg2[%dma_start3A_388, %dma_start3A_389] : memref<10000x16xf32, #tpu.memory_space<hbm>> -> memref<10000x16xf32, #tpu.memory_space<hbm>>
        tpu.enqueue_indirect_dma source(%dma_start3A_390 : memref<10000x16xf32, #tpu.memory_space<hbm>>) target(%arg11 : memref<125x16xf32, #tpu.memory_space<vmem>>) offsets(%dma_start3A_387 : memref<125xi32, #tpu.memory_space<vmem>>) semaphore(%arg25 : memref<!tpu.dma_semaphore, #tpu.memory_space<semaphore_mem>>)
      } else {
      }
      %mul3A_121 = arith.constant 10 : i32
      %mul3A_122 = arith.muli %scan3A_94, %mul3A_121 : i32
      %add3A_123 = arith.constant 1 : i32
      %add3A_124 = arith.addi %mul3A_122, %add3A_123 : i32
      %dma_wait3A_125 = arith.constant 0 : i32
      %dma_wait3A_126 = arith.constant 0 : i32
      %dma_wait3A_127 = tpu.memref_slice %arg2[%dma_wait3A_125, %dma_wait3A_126] : memref<10000x16xf32, #tpu.memory_space<hbm>> -> memref<125x16xf32, #tpu.memory_space<hbm>>
      %dma_wait3A_128 = arith.constant 0 : i32
      %dma_wait3A_129 = arith.constant 0 : i32
      %dma_wait3A_130 = tpu.memref_slice %arg2[%dma_wait3A_128, %dma_wait3A_129] : memref<10000x16xf32, #tpu.memory_space<hbm>> -> memref<125x16xf32, #tpu.memory_space<hbm>>
      tpu.wait_dma2 semaphore(%arg21 : memref<!tpu.dma_semaphore, #tpu.memory_space<semaphore_mem>>) src(%dma_wait3A_130 : memref<125x16xf32, #tpu.memory_space<hbm>>) dst(%arg7 : memref<125x16xf32, #tpu.memory_space<vmem>>)
      %dma_start3A_131 = arith.constant 0 : i32
      %dma_start3A_132 = tpu.memref_slice %arg17[%add3A_124, %dma_start3A_131] : memref<80x125xi32, #tpu.memory_space<vmem>> -> memref<1x125xi32, #tpu.memory_space<vmem>>
      %dma_start3A_133 = tpu.memref_squeeze %dma_start3A_132 : memref<1x125xi32, #tpu.memory_space<vmem>> -> memref<125xi32, #tpu.memory_space<vmem>>
      %dma_start3A_134 = arith.constant 0 : i32
      %dma_start3A_135 = arith.constant 0 : i32
      %dma_start3A_136 = tpu.memref_slice %arg19[%dma_start3A_134, %dma_start3A_135] : memref<10000x16xf32, #tpu.memory_space<vmem_shared>> -> memref<10000x16xf32, #tpu.memory_space<vmem_shared>>
      tpu.enqueue_indirect_dma source(%arg7 : memref<125x16xf32, #tpu.memory_space<vmem>>) target(%dma_start3A_136 : memref<10000x16xf32, #tpu.memory_space<vmem_shared>>) offsets(%dma_start3A_133 : memref<125xi32, #tpu.memory_space<vmem>>) semaphore(%arg31 : memref<!tpu.dma_semaphore, #tpu.memory_space<semaphore_mem>>) {add = true}
      %dma_wait3A_137 = arith.constant 0 : i32
      %dma_wait3A_138 = arith.constant 0 : i32
      %dma_wait3A_139 = tpu.memref_slice %arg19[%dma_wait3A_137, %dma_wait3A_138] : memref<10000x16xf32, #tpu.memory_space<vmem_shared>> -> memref<125x16xf32, #tpu.memory_space<vmem_shared>>
      %dma_wait3A_140 = arith.constant 0 : i32
      %dma_wait3A_141 = arith.constant 0 : i32
      %dma_wait3A_142 = tpu.memref_slice %arg19[%dma_wait3A_140, %dma_wait3A_141] : memref<10000x16xf32, #tpu.memory_space<vmem_shared>> -> memref<125x16xf32, #tpu.memory_space<vmem_shared>>
      tpu.wait_dma2 semaphore(%arg31 : memref<!tpu.dma_semaphore, #tpu.memory_space<semaphore_mem>>) src(%arg7 : memref<125x16xf32, #tpu.memory_space<vmem>>) dst(%dma_wait3A_142 : memref<125x16xf32, #tpu.memory_space<vmem_shared>>)
      %add3A_143 = arith.constant 5 : i32
      %add3A_144 = arith.addi %add3A_124, %add3A_143 : i32
      %lt3A_145 = arith.constant 80 : i32
      %lt3A_146 = arith.cmpi slt, %add3A_144, %lt3A_145 : i32
      %convert_element_type3A_147 = arith.extui %lt3A_146 : i1 to i32
      %cond3A_148 = arith.constant 0 : i32
      %cond3A_149 = arith.cmpi ne, %convert_element_type3A_147, %cond3A_148 : i32
      scf.if %cond3A_149 {
        %add3A_383 = arith.constant 5 : i32
        %add3A_384 = arith.addi %add3A_124, %add3A_383 : i32
        %dma_start3A_385 = arith.constant 0 : i32
        %dma_start3A_386 = tpu.memref_slice %arg16[%add3A_384, %dma_start3A_385] : memref<80x125xi32, #tpu.memory_space<vmem>> -> memref<1x125xi32, #tpu.memory_space<vmem>>
        %dma_start3A_387 = tpu.memref_squeeze %dma_start3A_386 : memref<1x125xi32, #tpu.memory_space<vmem>> -> memref<125xi32, #tpu.memory_space<vmem>>
        %dma_start3A_388 = arith.constant 0 : i32
        %dma_start3A_389 = arith.constant 0 : i32
        %dma_start3A_390 = tpu.memref_slice %arg2[%dma_start3A_388, %dma_start3A_389] : memref<10000x16xf32, #tpu.memory_space<hbm>> -> memref<10000x16xf32, #tpu.memory_space<hbm>>
        tpu.enqueue_indirect_dma source(%dma_start3A_390 : memref<10000x16xf32, #tpu.memory_space<hbm>>) target(%arg12 : memref<125x16xf32, #tpu.memory_space<vmem>>) offsets(%dma_start3A_387 : memref<125xi32, #tpu.memory_space<vmem>>) semaphore(%arg26 : memref<!tpu.dma_semaphore, #tpu.memory_space<semaphore_mem>>)
      } else {
      }
      %mul3A_150 = arith.constant 10 : i32
      %mul3A_151 = arith.muli %scan3A_94, %mul3A_150 : i32
      %add3A_152 = arith.constant 2 : i32
      %add3A_153 = arith.addi %mul3A_151, %add3A_152 : i32
      %dma_wait3A_154 = arith.constant 0 : i32
      %dma_wait3A_155 = arith.constant 0 : i32
      %dma_wait3A_156 = tpu.memref_slice %arg2[%dma_wait3A_154, %dma_wait3A_155] : memref<10000x16xf32, #tpu.memory_space<hbm>> -> memref<125x16xf32, #tpu.memory_space<hbm>>
      %dma_wait3A_157 = arith.constant 0 : i32
      %dma_wait3A_158 = arith.constant 0 : i32
      %dma_wait3A_159 = tpu.memref_slice %arg2[%dma_wait3A_157, %dma_wait3A_158] : memref<10000x16xf32, #tpu.memory_space<hbm>> -> memref<125x16xf32, #tpu.memory_space<hbm>>
      tpu.wait_dma2 semaphore(%arg22 : memref<!tpu.dma_semaphore, #tpu.memory_space<semaphore_mem>>) src(%dma_wait3A_159 : memref<125x16xf32, #tpu.memory_space<hbm>>) dst(%arg8 : memref<125x16xf32, #tpu.memory_space<vmem>>)
      %dma_start3A_160 = arith.constant 0 : i32
      %dma_start3A_161 = tpu.memref_slice %arg17[%add3A_153, %dma_start3A_160] : memref<80x125xi32, #tpu.memory_space<vmem>> -> memref<1x125xi32, #tpu.memory_space<vmem>>
      %dma_start3A_162 = tpu.memref_squeeze %dma_start3A_161 : memref<1x125xi32, #tpu.memory_space<vmem>> -> memref<125xi32, #tpu.memory_space<vmem>>
      %dma_start3A_163 = arith.constant 0 : i32
      %dma_start3A_164 = arith.constant 0 : i32
      %dma_start3A_165 = tpu.memref_slice %arg19[%dma_start3A_163, %dma_start3A_164] : memref<10000x16xf32, #tpu.memory_space<vmem_shared>> -> memref<10000x16xf32, #tpu.memory_space<vmem_shared>>
      tpu.enqueue_indirect_dma source(%arg8 : memref<125x16xf32, #tpu.memory_space<vmem>>) target(%dma_start3A_165 : memref<10000x16xf32, #tpu.memory_space<vmem_shared>>) offsets(%dma_start3A_162 : memref<125xi32, #tpu.memory_space<vmem>>) semaphore(%arg32 : memref<!tpu.dma_semaphore, #tpu.memory_space<semaphore_mem>>) {add = true}
      %dma_wait3A_166 = arith.constant 0 : i32
      %dma_wait3A_167 = arith.constant 0 : i32
      %dma_wait3A_168 = tpu.memref_slice %arg19[%dma_wait3A_166, %dma_wait3A_167] : memref<10000x16xf32, #tpu.memory_space<vmem_shared>> -> memref<125x16xf32, #tpu.memory_space<vmem_shared>>
      %dma_wait3A_169 = arith.constant 0 : i32
      %dma_wait3A_170 = arith.constant 0 : i32
      %dma_wait3A_171 = tpu.memref_slice %arg19[%dma_wait3A_169, %dma_wait3A_170] : memref<10000x16xf32, #tpu.memory_space<vmem_shared>> -> memref<125x16xf32, #tpu.memory_space<vmem_shared>>
      tpu.wait_dma2 semaphore(%arg32 : memref<!tpu.dma_semaphore, #tpu.memory_space<semaphore_mem>>) src(%arg8 : memref<125x16xf32, #tpu.memory_space<vmem>>) dst(%dma_wait3A_171 : memref<125x16xf32, #tpu.memory_space<vmem_shared>>)
      %add3A_172 = arith.constant 5 : i32
      %add3A_173 = arith.addi %add3A_153, %add3A_172 : i32
      %lt3A_174 = arith.constant 80 : i32
      %lt3A_175 = arith.cmpi slt, %add3A_173, %lt3A_174 : i32
      %convert_element_type3A_176 = arith.extui %lt3A_175 : i1 to i32
      %cond3A_177 = arith.constant 0 : i32
      %cond3A_178 = arith.cmpi ne, %convert_element_type3A_176, %cond3A_177 : i32
      scf.if %cond3A_178 {
        %add3A_383 = arith.constant 5 : i32
        %add3A_384 = arith.addi %add3A_153, %add3A_383 : i32
        %dma_start3A_385 = arith.constant 0 : i32
        %dma_start3A_386 = tpu.memref_slice %arg16[%add3A_384, %dma_start3A_385] : memref<80x125xi32, #tpu.memory_space<vmem>> -> memref<1x125xi32, #tpu.memory_space<vmem>>
        %dma_start3A_387 = tpu.memref_squeeze %dma_start3A_386 : memref<1x125xi32, #tpu.memory_space<vmem>> -> memref<125xi32, #tpu.memory_space<vmem>>
        %dma_start3A_388 = arith.constant 0 : i32
        %dma_start3A_389 = arith.constant 0 : i32
        %dma_start3A_390 = tpu.memref_slice %arg2[%dma_start3A_388, %dma_start3A_389] : memref<10000x16xf32, #tpu.memory_space<hbm>> -> memref<10000x16xf32, #tpu.memory_space<hbm>>
        tpu.enqueue_indirect_dma source(%dma_start3A_390 : memref<10000x16xf32, #tpu.memory_space<hbm>>) target(%arg13 : memref<125x16xf32, #tpu.memory_space<vmem>>) offsets(%dma_start3A_387 : memref<125xi32, #tpu.memory_space<vmem>>) semaphore(%arg27 : memref<!tpu.dma_semaphore, #tpu.memory_space<semaphore_mem>>)
      } else {
      }
      %mul3A_179 = arith.constant 10 : i32
      %mul3A_180 = arith.muli %scan3A_94, %mul3A_179 : i32
      %add3A_181 = arith.constant 3 : i32
      %add3A_182 = arith.addi %mul3A_180, %add3A_181 : i32
      %dma_wait3A_183 = arith.constant 0 : i32
      %dma_wait3A_184 = arith.constant 0 : i32
      %dma_wait3A_185 = tpu.memref_slice %arg2[%dma_wait3A_183, %dma_wait3A_184] : memref<10000x16xf32, #tpu.memory_space<hbm>> -> memref<125x16xf32, #tpu.memory_space<hbm>>
      %dma_wait3A_186 = arith.constant 0 : i32
      %dma_wait3A_187 = arith.constant 0 : i32
      %dma_wait3A_188 = tpu.memref_slice %arg2[%dma_wait3A_186, %dma_wait3A_187] : memref<10000x16xf32, #tpu.memory_space<hbm>> -> memref<125x16xf32, #tpu.memory_space<hbm>>
      tpu.wait_dma2 semaphore(%arg23 : memref<!tpu.dma_semaphore, #tpu.memory_space<semaphore_mem>>) src(%dma_wait3A_188 : memref<125x16xf32, #tpu.memory_space<hbm>>) dst(%arg9 : memref<125x16xf32, #tpu.memory_space<vmem>>)
      %dma_start3A_189 = arith.constant 0 : i32
      %dma_start3A_190 = tpu.memref_slice %arg17[%add3A_182, %dma_start3A_189] : memref<80x125xi32, #tpu.memory_space<vmem>> -> memref<1x125xi32, #tpu.memory_space<vmem>>
      %dma_start3A_191 = tpu.memref_squeeze %dma_start3A_190 : memref<1x125xi32, #tpu.memory_space<vmem>> -> memref<125xi32, #tpu.memory_space<vmem>>
      %dma_start3A_192 = arith.constant 0 : i32
      %dma_start3A_193 = arith.constant 0 : i32
      %dma_start3A_194 = tpu.memref_slice %arg19[%dma_start3A_192, %dma_start3A_193] : memref<10000x16xf32, #tpu.memory_space<vmem_shared>> -> memref<10000x16xf32, #tpu.memory_space<vmem_shared>>
      tpu.enqueue_indirect_dma source(%arg9 : memref<125x16xf32, #tpu.memory_space<vmem>>) target(%dma_start3A_194 : memref<10000x16xf32, #tpu.memory_space<vmem_shared>>) offsets(%dma_start3A_191 : memref<125xi32, #tpu.memory_space<vmem>>) semaphore(%arg33 : memref<!tpu.dma_semaphore, #tpu.memory_space<semaphore_mem>>) {add = true}
      %dma_wait3A_195 = arith.constant 0 : i32
      %dma_wait3A_196 = arith.constant 0 : i32
      %dma_wait3A_197 = tpu.memref_slice %arg19[%dma_wait3A_195, %dma_wait3A_196] : memref<10000x16xf32, #tpu.memory_space<vmem_shared>> -> memref<125x16xf32, #tpu.memory_space<vmem_shared>>
      %dma_wait3A_198 = arith.constant 0 : i32
      %dma_wait3A_199 = arith.constant 0 : i32
      %dma_wait3A_200 = tpu.memref_slice %arg19[%dma_wait3A_198, %dma_wait3A_199] : memref<10000x16xf32, #tpu.memory_space<vmem_shared>> -> memref<125x16xf32, #tpu.memory_space<vmem_shared>>
      tpu.wait_dma2 semaphore(%arg33 : memref<!tpu.dma_semaphore, #tpu.memory_space<semaphore_mem>>) src(%arg9 : memref<125x16xf32, #tpu.memory_space<vmem>>) dst(%dma_wait3A_200 : memref<125x16xf32, #tpu.memory_space<vmem_shared>>)
      %add3A_201 = arith.constant 5 : i32
      %add3A_202 = arith.addi %add3A_182, %add3A_201 : i32
      %lt3A_203 = arith.constant 80 : i32
      %lt3A_204 = arith.cmpi slt, %add3A_202, %lt3A_203 : i32
      %convert_element_type3A_205 = arith.extui %lt3A_204 : i1 to i32
      %cond3A_206 = arith.constant 0 : i32
      %cond3A_207 = arith.cmpi ne, %convert_element_type3A_205, %cond3A_206 : i32
      scf.if %cond3A_207 {
        %add3A_383 = arith.constant 5 : i32
        %add3A_384 = arith.addi %add3A_182, %add3A_383 : i32
        %dma_start3A_385 = arith.constant 0 : i32
        %dma_start3A_386 = tpu.memref_slice %arg16[%add3A_384, %dma_start3A_385] : memref<80x125xi32, #tpu.memory_space<vmem>> -> memref<1x125xi32, #tpu.memory_space<vmem>>
        %dma_start3A_387 = tpu.memref_squeeze %dma_start3A_386 : memref<1x125xi32, #tpu.memory_space<vmem>> -> memref<125xi32, #tpu.memory_space<vmem>>
        %dma_start3A_388 = arith.constant 0 : i32
        %dma_start3A_389 = arith.constant 0 : i32
        %dma_start3A_390 = tpu.memref_slice %arg2[%dma_start3A_388, %dma_start3A_389] : memref<10000x16xf32, #tpu.memory_space<hbm>> -> memref<10000x16xf32, #tpu.memory_space<hbm>>
        tpu.enqueue_indirect_dma source(%dma_start3A_390 : memref<10000x16xf32, #tpu.memory_space<hbm>>) target(%arg14 : memref<125x16xf32, #tpu.memory_space<vmem>>) offsets(%dma_start3A_387 : memref<125xi32, #tpu.memory_space<vmem>>) semaphore(%arg28 : memref<!tpu.dma_semaphore, #tpu.memory_space<semaphore_mem>>)
      } else {
      }
      %mul3A_208 = arith.constant 10 : i32
      %mul3A_209 = arith.muli %scan3A_94, %mul3A_208 : i32
      %add3A_210 = arith.constant 4 : i32
      %add3A_211 = arith.addi %mul3A_209, %add3A_210 : i32
      %dma_wait3A_212 = arith.constant 0 : i32
      %dma_wait3A_213 = arith.constant 0 : i32
      %dma_wait3A_214 = tpu.memref_slice %arg2[%dma_wait3A_212, %dma_wait3A_213] : memref<10000x16xf32, #tpu.memory_space<hbm>> -> memref<125x16xf32, #tpu.memory_space<hbm>>
      %dma_wait3A_215 = arith.constant 0 : i32
      %dma_wait3A_216 = arith.constant 0 : i32
      %dma_wait3A_217 = tpu.memref_slice %arg2[%dma_wait3A_215, %dma_wait3A_216] : memref<10000x16xf32, #tpu.memory_space<hbm>> -> memref<125x16xf32, #tpu.memory_space<hbm>>
      tpu.wait_dma2 semaphore(%arg24 : memref<!tpu.dma_semaphore, #tpu.memory_space<semaphore_mem>>) src(%dma_wait3A_217 : memref<125x16xf32, #tpu.memory_space<hbm>>) dst(%arg10 : memref<125x16xf32, #tpu.memory_space<vmem>>)
      %dma_start3A_218 = arith.constant 0 : i32
      %dma_start3A_219 = tpu.memref_slice %arg17[%add3A_211, %dma_start3A_218] : memref<80x125xi32, #tpu.memory_space<vmem>> -> memref<1x125xi32, #tpu.memory_space<vmem>>
      %dma_start3A_220 = tpu.memref_squeeze %dma_start3A_219 : memref<1x125xi32, #tpu.memory_space<vmem>> -> memref<125xi32, #tpu.memory_space<vmem>>
      %dma_start3A_221 = arith.constant 0 : i32
      %dma_start3A_222 = arith.constant 0 : i32
      %dma_start3A_223 = tpu.memref_slice %arg19[%dma_start3A_221, %dma_start3A_222] : memref<10000x16xf32, #tpu.memory_space<vmem_shared>> -> memref<10000x16xf32, #tpu.memory_space<vmem_shared>>
      tpu.enqueue_indirect_dma source(%arg10 : memref<125x16xf32, #tpu.memory_space<vmem>>) target(%dma_start3A_223 : memref<10000x16xf32, #tpu.memory_space<vmem_shared>>) offsets(%dma_start3A_220 : memref<125xi32, #tpu.memory_space<vmem>>) semaphore(%arg34 : memref<!tpu.dma_semaphore, #tpu.memory_space<semaphore_mem>>) {add = true}
      %dma_wait3A_224 = arith.constant 0 : i32
      %dma_wait3A_225 = arith.constant 0 : i32
      %dma_wait3A_226 = tpu.memref_slice %arg19[%dma_wait3A_224, %dma_wait3A_225] : memref<10000x16xf32, #tpu.memory_space<vmem_shared>> -> memref<125x16xf32, #tpu.memory_space<vmem_shared>>
      %dma_wait3A_227 = arith.constant 0 : i32
      %dma_wait3A_228 = arith.constant 0 : i32
      %dma_wait3A_229 = tpu.memref_slice %arg19[%dma_wait3A_227, %dma_wait3A_228] : memref<10000x16xf32, #tpu.memory_space<vmem_shared>> -> memref<125x16xf32, #tpu.memory_space<vmem_shared>>
      tpu.wait_dma2 semaphore(%arg34 : memref<!tpu.dma_semaphore, #tpu.memory_space<semaphore_mem>>) src(%arg10 : memref<125x16xf32, #tpu.memory_space<vmem>>) dst(%dma_wait3A_229 : memref<125x16xf32, #tpu.memory_space<vmem_shared>>)
      %add3A_230 = arith.constant 5 : i32
      %add3A_231 = arith.addi %add3A_211, %add3A_230 : i32
      %lt3A_232 = arith.constant 80 : i32
      %lt3A_233 = arith.cmpi slt, %add3A_231, %lt3A_232 : i32
      %convert_element_type3A_234 = arith.extui %lt3A_233 : i1 to i32
      %cond3A_235 = arith.constant 0 : i32
      %cond3A_236 = arith.cmpi ne, %convert_element_type3A_234, %cond3A_235 : i32
      scf.if %cond3A_236 {
        %add3A_383 = arith.constant 5 : i32
        %add3A_384 = arith.addi %add3A_211, %add3A_383 : i32
        %dma_start3A_385 = arith.constant 0 : i32
        %dma_start3A_386 = tpu.memref_slice %arg16[%add3A_384, %dma_start3A_385] : memref<80x125xi32, #tpu.memory_space<vmem>> -> memref<1x125xi32, #tpu.memory_space<vmem>>
        %dma_start3A_387 = tpu.memref_squeeze %dma_start3A_386 : memref<1x125xi32, #tpu.memory_space<vmem>> -> memref<125xi32, #tpu.memory_space<vmem>>
        %dma_start3A_388 = arith.constant 0 : i32
        %dma_start3A_389 = arith.constant 0 : i32
        %dma_start3A_390 = tpu.memref_slice %arg2[%dma_start3A_388, %dma_start3A_389] : memref<10000x16xf32, #tpu.memory_space<hbm>> -> memref<10000x16xf32, #tpu.memory_space<hbm>>
        tpu.enqueue_indirect_dma source(%dma_start3A_390 : memref<10000x16xf32, #tpu.memory_space<hbm>>) target(%arg15 : memref<125x16xf32, #tpu.memory_space<vmem>>) offsets(%dma_start3A_387 : memref<125xi32, #tpu.memory_space<vmem>>) semaphore(%arg29 : memref<!tpu.dma_semaphore, #tpu.memory_space<semaphore_mem>>)
      } else {
      }
      %mul3A_237 = arith.constant 10 : i32
      %mul3A_238 = arith.muli %scan3A_94, %mul3A_237 : i32
      %add3A_239 = arith.constant 5 : i32
      %add3A_240 = arith.addi %mul3A_238, %add3A_239 : i32
      %dma_wait3A_241 = arith.constant 0 : i32
      %dma_wait3A_242 = arith.constant 0 : i32
      %dma_wait3A_243 = tpu.memref_slice %arg2[%dma_wait3A_241, %dma_wait3A_242] : memref<10000x16xf32, #tpu.memory_space<hbm>> -> memref<125x16xf32, #tpu.memory_space<hbm>>
      %dma_wait3A_244 = arith.constant 0 : i32
      %dma_wait3A_245 = arith.constant 0 : i32
      %dma_wait3A_246 = tpu.memref_slice %arg2[%dma_wait3A_244, %dma_wait3A_245] : memref<10000x16xf32, #tpu.memory_space<hbm>> -> memref<125x16xf32, #tpu.memory_space<hbm>>
      tpu.wait_dma2 semaphore(%arg25 : memref<!tpu.dma_semaphore, #tpu.memory_space<semaphore_mem>>) src(%dma_wait3A_246 : memref<125x16xf32, #tpu.memory_space<hbm>>) dst(%arg11 : memref<125x16xf32, #tpu.memory_space<vmem>>)
      %dma_start3A_247 = arith.constant 0 : i32
      %dma_start3A_248 = tpu.memref_slice %arg17[%add3A_240, %dma_start3A_247] : memref<80x125xi32, #tpu.memory_space<vmem>> -> memref<1x125xi32, #tpu.memory_space<vmem>>
      %dma_start3A_249 = tpu.memref_squeeze %dma_start3A_248 : memref<1x125xi32, #tpu.memory_space<vmem>> -> memref<125xi32, #tpu.memory_space<vmem>>
      %dma_start3A_250 = arith.constant 0 : i32
      %dma_start3A_251 = arith.constant 0 : i32
      %dma_start3A_252 = tpu.memref_slice %arg19[%dma_start3A_250, %dma_start3A_251] : memref<10000x16xf32, #tpu.memory_space<vmem_shared>> -> memref<10000x16xf32, #tpu.memory_space<vmem_shared>>
      tpu.enqueue_indirect_dma source(%arg11 : memref<125x16xf32, #tpu.memory_space<vmem>>) target(%dma_start3A_252 : memref<10000x16xf32, #tpu.memory_space<vmem_shared>>) offsets(%dma_start3A_249 : memref<125xi32, #tpu.memory_space<vmem>>) semaphore(%arg35 : memref<!tpu.dma_semaphore, #tpu.memory_space<semaphore_mem>>) {add = true}
      %dma_wait3A_253 = arith.constant 0 : i32
      %dma_wait3A_254 = arith.constant 0 : i32
      %dma_wait3A_255 = tpu.memref_slice %arg19[%dma_wait3A_253, %dma_wait3A_254] : memref<10000x16xf32, #tpu.memory_space<vmem_shared>> -> memref<125x16xf32, #tpu.memory_space<vmem_shared>>
      %dma_wait3A_256 = arith.constant 0 : i32
      %dma_wait3A_257 = arith.constant 0 : i32
      %dma_wait3A_258 = tpu.memref_slice %arg19[%dma_wait3A_256, %dma_wait3A_257] : memref<10000x16xf32, #tpu.memory_space<vmem_shared>> -> memref<125x16xf32, #tpu.memory_space<vmem_shared>>
      tpu.wait_dma2 semaphore(%arg35 : memref<!tpu.dma_semaphore, #tpu.memory_space<semaphore_mem>>) src(%arg11 : memref<125x16xf32, #tpu.memory_space<vmem>>) dst(%dma_wait3A_258 : memref<125x16xf32, #tpu.memory_space<vmem_shared>>)
      %add3A_259 = arith.constant 5 : i32
      %add3A_260 = arith.addi %add3A_240, %add3A_259 : i32
      %lt3A_261 = arith.constant 80 : i32
      %lt3A_262 = arith.cmpi slt, %add3A_260, %lt3A_261 : i32
      %convert_element_type3A_263 = arith.extui %lt3A_262 : i1 to i32
      %cond3A_264 = arith.constant 0 : i32
      %cond3A_265 = arith.cmpi ne, %convert_element_type3A_263, %cond3A_264 : i32
      scf.if %cond3A_265 {
        %add3A_383 = arith.constant 5 : i32
        %add3A_384 = arith.addi %add3A_240, %add3A_383 : i32
        %dma_start3A_385 = arith.constant 0 : i32
        %dma_start3A_386 = tpu.memref_slice %arg16[%add3A_384, %dma_start3A_385] : memref<80x125xi32, #tpu.memory_space<vmem>> -> memref<1x125xi32, #tpu.memory_space<vmem>>
        %dma_start3A_387 = tpu.memref_squeeze %dma_start3A_386 : memref<1x125xi32, #tpu.memory_space<vmem>> -> memref<125xi32, #tpu.memory_space<vmem>>
        %dma_start3A_388 = arith.constant 0 : i32
        %dma_start3A_389 = arith.constant 0 : i32
        %dma_start3A_390 = tpu.memref_slice %arg2[%dma_start3A_388, %dma_start3A_389] : memref<10000x16xf32, #tpu.memory_space<hbm>> -> memref<10000x16xf32, #tpu.memory_space<hbm>>
        tpu.enqueue_indirect_dma source(%dma_start3A_390 : memref<10000x16xf32, #tpu.memory_space<hbm>>) target(%arg6 : memref<125x16xf32, #tpu.memory_space<vmem>>) offsets(%dma_start3A_387 : memref<125xi32, #tpu.memory_space<vmem>>) semaphore(%arg20 : memref<!tpu.dma_semaphore, #tpu.memory_space<semaphore_mem>>)
      } else {
      }
      %mul3A_266 = arith.constant 10 : i32
      %mul3A_267 = arith.muli %scan3A_94, %mul3A_266 : i32
      %add3A_268 = arith.constant 6 : i32
      %add3A_269 = arith.addi %mul3A_267, %add3A_268 : i32
      %dma_wait3A_270 = arith.constant 0 : i32
      %dma_wait3A_271 = arith.constant 0 : i32
      %dma_wait3A_272 = tpu.memref_slice %arg2[%dma_wait3A_270, %dma_wait3A_271] : memref<10000x16xf32, #tpu.memory_space<hbm>> -> memref<125x16xf32, #tpu.memory_space<hbm>>
      %dma_wait3A_273 = arith.constant 0 : i32
      %dma_wait3A_274 = arith.constant 0 : i32
      %dma_wait3A_275 = tpu.memref_slice %arg2[%dma_wait3A_273, %dma_wait3A_274] : memref<10000x16xf32, #tpu.memory_space<hbm>> -> memref<125x16xf32, #tpu.memory_space<hbm>>
      tpu.wait_dma2 semaphore(%arg26 : memref<!tpu.dma_semaphore, #tpu.memory_space<semaphore_mem>>) src(%dma_wait3A_275 : memref<125x16xf32, #tpu.memory_space<hbm>>) dst(%arg12 : memref<125x16xf32, #tpu.memory_space<vmem>>)
      %dma_start3A_276 = arith.constant 0 : i32
      %dma_start3A_277 = tpu.memref_slice %arg17[%add3A_269, %dma_start3A_276] : memref<80x125xi32, #tpu.memory_space<vmem>> -> memref<1x125xi32, #tpu.memory_space<vmem>>
      %dma_start3A_278 = tpu.memref_squeeze %dma_start3A_277 : memref<1x125xi32, #tpu.memory_space<vmem>> -> memref<125xi32, #tpu.memory_space<vmem>>
      %dma_start3A_279 = arith.constant 0 : i32
      %dma_start3A_280 = arith.constant 0 : i32
      %dma_start3A_281 = tpu.memref_slice %arg19[%dma_start3A_279, %dma_start3A_280] : memref<10000x16xf32, #tpu.memory_space<vmem_shared>> -> memref<10000x16xf32, #tpu.memory_space<vmem_shared>>
      tpu.enqueue_indirect_dma source(%arg12 : memref<125x16xf32, #tpu.memory_space<vmem>>) target(%dma_start3A_281 : memref<10000x16xf32, #tpu.memory_space<vmem_shared>>) offsets(%dma_start3A_278 : memref<125xi32, #tpu.memory_space<vmem>>) semaphore(%arg36 : memref<!tpu.dma_semaphore, #tpu.memory_space<semaphore_mem>>) {add = true}
      %dma_wait3A_282 = arith.constant 0 : i32
      %dma_wait3A_283 = arith.constant 0 : i32
      %dma_wait3A_284 = tpu.memref_slice %arg19[%dma_wait3A_282, %dma_wait3A_283] : memref<10000x16xf32, #tpu.memory_space<vmem_shared>> -> memref<125x16xf32, #tpu.memory_space<vmem_shared>>
      %dma_wait3A_285 = arith.constant 0 : i32
      %dma_wait3A_286 = arith.constant 0 : i32
      %dma_wait3A_287 = tpu.memref_slice %arg19[%dma_wait3A_285, %dma_wait3A_286] : memref<10000x16xf32, #tpu.memory_space<vmem_shared>> -> memref<125x16xf32, #tpu.memory_space<vmem_shared>>
      tpu.wait_dma2 semaphore(%arg36 : memref<!tpu.dma_semaphore, #tpu.memory_space<semaphore_mem>>) src(%arg12 : memref<125x16xf32, #tpu.memory_space<vmem>>) dst(%dma_wait3A_287 : memref<125x16xf32, #tpu.memory_space<vmem_shared>>)
      %add3A_288 = arith.constant 5 : i32
      %add3A_289 = arith.addi %add3A_269, %add3A_288 : i32
      %lt3A_290 = arith.constant 80 : i32
      %lt3A_291 = arith.cmpi slt, %add3A_289, %lt3A_290 : i32
      %convert_element_type3A_292 = arith.extui %lt3A_291 : i1 to i32
      %cond3A_293 = arith.constant 0 : i32
      %cond3A_294 = arith.cmpi ne, %convert_element_type3A_292, %cond3A_293 : i32
      scf.if %cond3A_294 {
        %add3A_383 = arith.constant 5 : i32
        %add3A_384 = arith.addi %add3A_269, %add3A_383 : i32
        %dma_start3A_385 = arith.constant 0 : i32
        %dma_start3A_386 = tpu.memref_slice %arg16[%add3A_384, %dma_start3A_385] : memref<80x125xi32, #tpu.memory_space<vmem>> -> memref<1x125xi32, #tpu.memory_space<vmem>>
        %dma_start3A_387 = tpu.memref_squeeze %dma_start3A_386 : memref<1x125xi32, #tpu.memory_space<vmem>> -> memref<125xi32, #tpu.memory_space<vmem>>
        %dma_start3A_388 = arith.constant 0 : i32
        %dma_start3A_389 = arith.constant 0 : i32
        %dma_start3A_390 = tpu.memref_slice %arg2[%dma_start3A_388, %dma_start3A_389] : memref<10000x16xf32, #tpu.memory_space<hbm>> -> memref<10000x16xf32, #tpu.memory_space<hbm>>
        tpu.enqueue_indirect_dma source(%dma_start3A_390 : memref<10000x16xf32, #tpu.memory_space<hbm>>) target(%arg7 : memref<125x16xf32, #tpu.memory_space<vmem>>) offsets(%dma_start3A_387 : memref<125xi32, #tpu.memory_space<vmem>>) semaphore(%arg21 : memref<!tpu.dma_semaphore, #tpu.memory_space<semaphore_mem>>)
      } else {
      }
      %mul3A_295 = arith.constant 10 : i32
      %mul3A_296 = arith.muli %scan3A_94, %mul3A_295 : i32
      %add3A_297 = arith.constant 7 : i32
      %add3A_298 = arith.addi %mul3A_296, %add3A_297 : i32
      %dma_wait3A_299 = arith.constant 0 : i32
      %dma_wait3A_300 = arith.constant 0 : i32
      %dma_wait3A_301 = tpu.memref_slice %arg2[%dma_wait3A_299, %dma_wait3A_300] : memref<10000x16xf32, #tpu.memory_space<hbm>> -> memref<125x16xf32, #tpu.memory_space<hbm>>
      %dma_wait3A_302 = arith.constant 0 : i32
      %dma_wait3A_303 = arith.constant 0 : i32
      %dma_wait3A_304 = tpu.memref_slice %arg2[%dma_wait3A_302, %dma_wait3A_303] : memref<10000x16xf32, #tpu.memory_space<hbm>> -> memref<125x16xf32, #tpu.memory_space<hbm>>
      tpu.wait_dma2 semaphore(%arg27 : memref<!tpu.dma_semaphore, #tpu.memory_space<semaphore_mem>>) src(%dma_wait3A_304 : memref<125x16xf32, #tpu.memory_space<hbm>>) dst(%arg13 : memref<125x16xf32, #tpu.memory_space<vmem>>)
      %dma_start3A_305 = arith.constant 0 : i32
      %dma_start3A_306 = tpu.memref_slice %arg17[%add3A_298, %dma_start3A_305] : memref<80x125xi32, #tpu.memory_space<vmem>> -> memref<1x125xi32, #tpu.memory_space<vmem>>
      %dma_start3A_307 = tpu.memref_squeeze %dma_start3A_306 : memref<1x125xi32, #tpu.memory_space<vmem>> -> memref<125xi32, #tpu.memory_space<vmem>>
      %dma_start3A_308 = arith.constant 0 : i32
      %dma_start3A_309 = arith.constant 0 : i32
      %dma_start3A_310 = tpu.memref_slice %arg19[%dma_start3A_308, %dma_start3A_309] : memref<10000x16xf32, #tpu.memory_space<vmem_shared>> -> memref<10000x16xf32, #tpu.memory_space<vmem_shared>>
      tpu.enqueue_indirect_dma source(%arg13 : memref<125x16xf32, #tpu.memory_space<vmem>>) target(%dma_start3A_310 : memref<10000x16xf32, #tpu.memory_space<vmem_shared>>) offsets(%dma_start3A_307 : memref<125xi32, #tpu.memory_space<vmem>>) semaphore(%arg37 : memref<!tpu.dma_semaphore, #tpu.memory_space<semaphore_mem>>) {add = true}
      %dma_wait3A_311 = arith.constant 0 : i32
      %dma_wait3A_312 = arith.constant 0 : i32
      %dma_wait3A_313 = tpu.memref_slice %arg19[%dma_wait3A_311, %dma_wait3A_312] : memref<10000x16xf32, #tpu.memory_space<vmem_shared>> -> memref<125x16xf32, #tpu.memory_space<vmem_shared>>
      %dma_wait3A_314 = arith.constant 0 : i32
      %dma_wait3A_315 = arith.constant 0 : i32
      %dma_wait3A_316 = tpu.memref_slice %arg19[%dma_wait3A_314, %dma_wait3A_315] : memref<10000x16xf32, #tpu.memory_space<vmem_shared>> -> memref<125x16xf32, #tpu.memory_space<vmem_shared>>
      tpu.wait_dma2 semaphore(%arg37 : memref<!tpu.dma_semaphore, #tpu.memory_space<semaphore_mem>>) src(%arg13 : memref<125x16xf32, #tpu.memory_space<vmem>>) dst(%dma_wait3A_316 : memref<125x16xf32, #tpu.memory_space<vmem_shared>>)
      %add3A_317 = arith.constant 5 : i32
      %add3A_318 = arith.addi %add3A_298, %add3A_317 : i32
      %lt3A_319 = arith.constant 80 : i32
      %lt3A_320 = arith.cmpi slt, %add3A_318, %lt3A_319 : i32
      %convert_element_type3A_321 = arith.extui %lt3A_320 : i1 to i32
      %cond3A_322 = arith.constant 0 : i32
      %cond3A_323 = arith.cmpi ne, %convert_element_type3A_321, %cond3A_322 : i32
      scf.if %cond3A_323 {
        %add3A_383 = arith.constant 5 : i32
        %add3A_384 = arith.addi %add3A_298, %add3A_383 : i32
        %dma_start3A_385 = arith.constant 0 : i32
        %dma_start3A_386 = tpu.memref_slice %arg16[%add3A_384, %dma_start3A_385] : memref<80x125xi32, #tpu.memory_space<vmem>> -> memref<1x125xi32, #tpu.memory_space<vmem>>
        %dma_start3A_387 = tpu.memref_squeeze %dma_start3A_386 : memref<1x125xi32, #tpu.memory_space<vmem>> -> memref<125xi32, #tpu.memory_space<vmem>>
        %dma_start3A_388 = arith.constant 0 : i32
        %dma_start3A_389 = arith.constant 0 : i32
        %dma_start3A_390 = tpu.memref_slice %arg2[%dma_start3A_388, %dma_start3A_389] : memref<10000x16xf32, #tpu.memory_space<hbm>> -> memref<10000x16xf32, #tpu.memory_space<hbm>>
        tpu.enqueue_indirect_dma source(%dma_start3A_390 : memref<10000x16xf32, #tpu.memory_space<hbm>>) target(%arg8 : memref<125x16xf32, #tpu.memory_space<vmem>>) offsets(%dma_start3A_387 : memref<125xi32, #tpu.memory_space<vmem>>) semaphore(%arg22 : memref<!tpu.dma_semaphore, #tpu.memory_space<semaphore_mem>>)
      } else {
      }
      %mul3A_324 = arith.constant 10 : i32
      %mul3A_325 = arith.muli %scan3A_94, %mul3A_324 : i32
      %add3A_326 = arith.constant 8 : i32
      %add3A_327 = arith.addi %mul3A_325, %add3A_326 : i32
      %dma_wait3A_328 = arith.constant 0 : i32
      %dma_wait3A_329 = arith.constant 0 : i32
      %dma_wait3A_330 = tpu.memref_slice %arg2[%dma_wait3A_328, %dma_wait3A_329] : memref<10000x16xf32, #tpu.memory_space<hbm>> -> memref<125x16xf32, #tpu.memory_space<hbm>>
      %dma_wait3A_331 = arith.constant 0 : i32
      %dma_wait3A_332 = arith.constant 0 : i32
      %dma_wait3A_333 = tpu.memref_slice %arg2[%dma_wait3A_331, %dma_wait3A_332] : memref<10000x16xf32, #tpu.memory_space<hbm>> -> memref<125x16xf32, #tpu.memory_space<hbm>>
      tpu.wait_dma2 semaphore(%arg28 : memref<!tpu.dma_semaphore, #tpu.memory_space<semaphore_mem>>) src(%dma_wait3A_333 : memref<125x16xf32, #tpu.memory_space<hbm>>) dst(%arg14 : memref<125x16xf32, #tpu.memory_space<vmem>>)
      %dma_start3A_334 = arith.constant 0 : i32
      %dma_start3A_335 = tpu.memref_slice %arg17[%add3A_327, %dma_start3A_334] : memref<80x125xi32, #tpu.memory_space<vmem>> -> memref<1x125xi32, #tpu.memory_space<vmem>>
      %dma_start3A_336 = tpu.memref_squeeze %dma_start3A_335 : memref<1x125xi32, #tpu.memory_space<vmem>> -> memref<125xi32, #tpu.memory_space<vmem>>
      %dma_start3A_337 = arith.constant 0 : i32
      %dma_start3A_338 = arith.constant 0 : i32
      %dma_start3A_339 = tpu.memref_slice %arg19[%dma_start3A_337, %dma_start3A_338] : memref<10000x16xf32, #tpu.memory_space<vmem_shared>> -> memref<10000x16xf32, #tpu.memory_space<vmem_shared>>
      tpu.enqueue_indirect_dma source(%arg14 : memref<125x16xf32, #tpu.memory_space<vmem>>) target(%dma_start3A_339 : memref<10000x16xf32, #tpu.memory_space<vmem_shared>>) offsets(%dma_start3A_336 : memref<125xi32, #tpu.memory_space<vmem>>) semaphore(%arg38 : memref<!tpu.dma_semaphore, #tpu.memory_space<semaphore_mem>>) {add = true}
      %dma_wait3A_340 = arith.constant 0 : i32
      %dma_wait3A_341 = arith.constant 0 : i32
      %dma_wait3A_342 = tpu.memref_slice %arg19[%dma_wait3A_340, %dma_wait3A_341] : memref<10000x16xf32, #tpu.memory_space<vmem_shared>> -> memref<125x16xf32, #tpu.memory_space<vmem_shared>>
      %dma_wait3A_343 = arith.constant 0 : i32
      %dma_wait3A_344 = arith.constant 0 : i32
      %dma_wait3A_345 = tpu.memref_slice %arg19[%dma_wait3A_343, %dma_wait3A_344] : memref<10000x16xf32, #tpu.memory_space<vmem_shared>> -> memref<125x16xf32, #tpu.memory_space<vmem_shared>>
      tpu.wait_dma2 semaphore(%arg38 : memref<!tpu.dma_semaphore, #tpu.memory_space<semaphore_mem>>) src(%arg14 : memref<125x16xf32, #tpu.memory_space<vmem>>) dst(%dma_wait3A_345 : memref<125x16xf32, #tpu.memory_space<vmem_shared>>)
      %add3A_346 = arith.constant 5 : i32
      %add3A_347 = arith.addi %add3A_327, %add3A_346 : i32
      %lt3A_348 = arith.constant 80 : i32
      %lt3A_349 = arith.cmpi slt, %add3A_347, %lt3A_348 : i32
      %convert_element_type3A_350 = arith.extui %lt3A_349 : i1 to i32
      %cond3A_351 = arith.constant 0 : i32
      %cond3A_352 = arith.cmpi ne, %convert_element_type3A_350, %cond3A_351 : i32
      scf.if %cond3A_352 {
        %add3A_383 = arith.constant 5 : i32
        %add3A_384 = arith.addi %add3A_327, %add3A_383 : i32
        %dma_start3A_385 = arith.constant 0 : i32
        %dma_start3A_386 = tpu.memref_slice %arg16[%add3A_384, %dma_start3A_385] : memref<80x125xi32, #tpu.memory_space<vmem>> -> memref<1x125xi32, #tpu.memory_space<vmem>>
        %dma_start3A_387 = tpu.memref_squeeze %dma_start3A_386 : memref<1x125xi32, #tpu.memory_space<vmem>> -> memref<125xi32, #tpu.memory_space<vmem>>
        %dma_start3A_388 = arith.constant 0 : i32
        %dma_start3A_389 = arith.constant 0 : i32
        %dma_start3A_390 = tpu.memref_slice %arg2[%dma_start3A_388, %dma_start3A_389] : memref<10000x16xf32, #tpu.memory_space<hbm>> -> memref<10000x16xf32, #tpu.memory_space<hbm>>
        tpu.enqueue_indirect_dma source(%dma_start3A_390 : memref<10000x16xf32, #tpu.memory_space<hbm>>) target(%arg9 : memref<125x16xf32, #tpu.memory_space<vmem>>) offsets(%dma_start3A_387 : memref<125xi32, #tpu.memory_space<vmem>>) semaphore(%arg23 : memref<!tpu.dma_semaphore, #tpu.memory_space<semaphore_mem>>)
      } else {
      }
      %mul3A_353 = arith.constant 10 : i32
      %mul3A_354 = arith.muli %scan3A_94, %mul3A_353 : i32
      %add3A_355 = arith.constant 9 : i32
      %add3A_356 = arith.addi %mul3A_354, %add3A_355 : i32
      %dma_wait3A_357 = arith.constant 0 : i32
      %dma_wait3A_358 = arith.constant 0 : i32
      %dma_wait3A_359 = tpu.memref_slice %arg2[%dma_wait3A_357, %dma_wait3A_358] : memref<10000x16xf32, #tpu.memory_space<hbm>> -> memref<125x16xf32, #tpu.memory_space<hbm>>
      %dma_wait3A_360 = arith.constant 0 : i32
      %dma_wait3A_361 = arith.constant 0 : i32
      %dma_wait3A_362 = tpu.memref_slice %arg2[%dma_wait3A_360, %dma_wait3A_361] : memref<10000x16xf32, #tpu.memory_space<hbm>> -> memref<125x16xf32, #tpu.memory_space<hbm>>
      tpu.wait_dma2 semaphore(%arg29 : memref<!tpu.dma_semaphore, #tpu.memory_space<semaphore_mem>>) src(%dma_wait3A_362 : memref<125x16xf32, #tpu.memory_space<hbm>>) dst(%arg15 : memref<125x16xf32, #tpu.memory_space<vmem>>)
      %dma_start3A_363 = arith.constant 0 : i32
      %dma_start3A_364 = tpu.memref_slice %arg17[%add3A_356, %dma_start3A_363] : memref<80x125xi32, #tpu.memory_space<vmem>> -> memref<1x125xi32, #tpu.memory_space<vmem>>
      %dma_start3A_365 = tpu.memref_squeeze %dma_start3A_364 : memref<1x125xi32, #tpu.memory_space<vmem>> -> memref<125xi32, #tpu.memory_space<vmem>>
      %dma_start3A_366 = arith.constant 0 : i32
      %dma_start3A_367 = arith.constant 0 : i32
      %dma_start3A_368 = tpu.memref_slice %arg19[%dma_start3A_366, %dma_start3A_367] : memref<10000x16xf32, #tpu.memory_space<vmem_shared>> -> memref<10000x16xf32, #tpu.memory_space<vmem_shared>>
      tpu.enqueue_indirect_dma source(%arg15 : memref<125x16xf32, #tpu.memory_space<vmem>>) target(%dma_start3A_368 : memref<10000x16xf32, #tpu.memory_space<vmem_shared>>) offsets(%dma_start3A_365 : memref<125xi32, #tpu.memory_space<vmem>>) semaphore(%arg39 : memref<!tpu.dma_semaphore, #tpu.memory_space<semaphore_mem>>) {add = true}
      %dma_wait3A_369 = arith.constant 0 : i32
      %dma_wait3A_370 = arith.constant 0 : i32
      %dma_wait3A_371 = tpu.memref_slice %arg19[%dma_wait3A_369, %dma_wait3A_370] : memref<10000x16xf32, #tpu.memory_space<vmem_shared>> -> memref<125x16xf32, #tpu.memory_space<vmem_shared>>
      %dma_wait3A_372 = arith.constant 0 : i32
      %dma_wait3A_373 = arith.constant 0 : i32
      %dma_wait3A_374 = tpu.memref_slice %arg19[%dma_wait3A_372, %dma_wait3A_373] : memref<10000x16xf32, #tpu.memory_space<vmem_shared>> -> memref<125x16xf32, #tpu.memory_space<vmem_shared>>
      tpu.wait_dma2 semaphore(%arg39 : memref<!tpu.dma_semaphore, #tpu.memory_space<semaphore_mem>>) src(%arg15 : memref<125x16xf32, #tpu.memory_space<vmem>>) dst(%dma_wait3A_374 : memref<125x16xf32, #tpu.memory_space<vmem_shared>>)
      %add3A_375 = arith.constant 5 : i32
      %add3A_376 = arith.addi %add3A_356, %add3A_375 : i32
      %lt3A_377 = arith.constant 80 : i32
      %lt3A_378 = arith.cmpi slt, %add3A_376, %lt3A_377 : i32
      %convert_element_type3A_379 = arith.extui %lt3A_378 : i1 to i32
      %cond3A_380 = arith.constant 0 : i32
      %cond3A_381 = arith.cmpi ne, %convert_element_type3A_379, %cond3A_380 : i32
      scf.if %cond3A_381 {
        %add3A_383 = arith.constant 5 : i32
        %add3A_384 = arith.addi %add3A_356, %add3A_383 : i32
        %dma_start3A_385 = arith.constant 0 : i32
        %dma_start3A_386 = tpu.memref_slice %arg16[%add3A_384, %dma_start3A_385] : memref<80x125xi32, #tpu.memory_space<vmem>> -> memref<1x125xi32, #tpu.memory_space<vmem>>
        %dma_start3A_387 = tpu.memref_squeeze %dma_start3A_386 : memref<1x125xi32, #tpu.memory_space<vmem>> -> memref<125xi32, #tpu.memory_space<vmem>>
        %dma_start3A_388 = arith.constant 0 : i32
        %dma_start3A_389 = arith.constant 0 : i32
        %dma_start3A_390 = tpu.memref_slice %arg2[%dma_start3A_388, %dma_start3A_389] : memref<10000x16xf32, #tpu.memory_space<hbm>> -> memref<10000x16xf32, #tpu.memory_space<hbm>>
        tpu.enqueue_indirect_dma source(%dma_start3A_390 : memref<10000x16xf32, #tpu.memory_space<hbm>>) target(%arg10 : memref<125x16xf32, #tpu.memory_space<vmem>>) offsets(%dma_start3A_387 : memref<125xi32, #tpu.memory_space<vmem>>) semaphore(%arg24 : memref<!tpu.dma_semaphore, #tpu.memory_space<semaphore_mem>>)
      } else {
      }
      %scan3A_382 = arith.constant 0 : i32
      scf.yield %scan3A_382 : i32
    }
    %scan3A_72 = arith.constant 8 : i32
    %barrier3A_73 = arith.constant 0 : index
    tpu.barrier barrier_id(%barrier3A_73)
    %mul3A_74 = arith.constant 625 : i32
    %mul3A_75 = arith.muli %arg1, %mul3A_74 : i32
    %add3A_76 = arith.constant 0 : i32
    %add3A_77 = arith.addi %mul3A_75, %add3A_76 : i32
    "tpu.region"() ({
      %run_scoped3A = tpu.sem_alloc : memref<!tpu.dma_semaphore, #tpu.memory_space<semaphore_mem>>
      %dma_start3A_94 = arith.constant 0 : i32
      %dma_start3A_95 = tpu.memref_slice %arg5[%arg0, %add3A_77, %dma_start3A_94] : memref<2x10000x128xf32, #tpu.memory_space<hbm>> -> memref<1x125x16xf32, #tpu.memory_space<hbm>>
      %dma_start3A_96 = tpu.memref_squeeze %dma_start3A_95 : memref<1x125x16xf32, #tpu.memory_space<hbm>> -> memref<125x16xf32, #tpu.memory_space<hbm>>
      %dma_start3A_97 = arith.constant 0 : i32
      %dma_start3A_98 = tpu.memref_slice %arg19[%add3A_77, %dma_start3A_97] : memref<10000x16xf32, #tpu.memory_space<vmem_shared>> -> memref<125x16xf32, #tpu.memory_space<vmem_shared>>
      tpu.enqueue_dma source(%dma_start3A_98 : memref<125x16xf32, #tpu.memory_space<vmem_shared>>) target(%dma_start3A_96 : memref<125x16xf32, #tpu.memory_space<hbm>>) target_semaphore(%run_scoped3A : memref<!tpu.dma_semaphore, #tpu.memory_space<semaphore_mem>>)
      %dma_wait3A = arith.constant 0 : i32
      %dma_wait3A_99 = tpu.memref_slice %arg5[%arg0, %add3A_77, %dma_wait3A] : memref<2x10000x128xf32, #tpu.memory_space<hbm>> -> memref<1x125x16xf32, #tpu.memory_space<hbm>>
      %dma_wait3A_100 = tpu.memref_squeeze %dma_wait3A_99 : memref<1x125x16xf32, #tpu.memory_space<hbm>> -> memref<125x16xf32, #tpu.memory_space<hbm>>
      %dma_wait3A_101 = arith.constant 0 : i32
      %dma_wait3A_102 = tpu.memref_slice %arg19[%add3A_77, %dma_wait3A_101] : memref<10000x16xf32, #tpu.memory_space<vmem_shared>> -> memref<125x16xf32, #tpu.memory_space<vmem_shared>>
      tpu.wait_dma2 semaphore(%run_scoped3A : memref<!tpu.dma_semaphore, #tpu.memory_space<semaphore_mem>>) src(%dma_wait3A_102 : memref<125x16xf32, #tpu.memory_space<vmem_shared>>) dst(%dma_wait3A_100 : memref<125x16xf32, #tpu.memory_space<hbm>>)
      tpu.yield
    }) : () -> ()
    %mul3A_78 = arith.constant 625 : i32
    %mul3A_79 = arith.muli %arg1, %mul3A_78 : i32
    %add3A_80 = arith.constant 125 : i32
    %add3A_81 = arith.addi %mul3A_79, %add3A_80 : i32
    "tpu.region"() ({
      %run_scoped3A = tpu.sem_alloc : memref<!tpu.dma_semaphore, #tpu.memory_space<semaphore_mem>>
      %dma_start3A_94 = arith.constant 0 : i32
      %dma_start3A_95 = tpu.memref_slice %arg5[%arg0, %add3A_81, %dma_start3A_94] : memref<2x10000x128xf32, #tpu.memory_space<hbm>> -> memref<1x125x16xf32, #tpu.memory_space<hbm>>
      %dma_start3A_96 = tpu.memref_squeeze %dma_start3A_95 : memref<1x125x16xf32, #tpu.memory_space<hbm>> -> memref<125x16xf32, #tpu.memory_space<hbm>>
      %dma_start3A_97 = arith.constant 0 : i32
      %dma_start3A_98 = tpu.memref_slice %arg19[%add3A_81, %dma_start3A_97] : memref<10000x16xf32, #tpu.memory_space<vmem_shared>> -> memref<125x16xf32, #tpu.memory_space<vmem_shared>>
      tpu.enqueue_dma source(%dma_start3A_98 : memref<125x16xf32, #tpu.memory_space<vmem_shared>>) target(%dma_start3A_96 : memref<125x16xf32, #tpu.memory_space<hbm>>) target_semaphore(%run_scoped3A : memref<!tpu.dma_semaphore, #tpu.memory_space<semaphore_mem>>)
      %dma_wait3A = arith.constant 0 : i32
      %dma_wait3A_99 = tpu.memref_slice %arg5[%arg0, %add3A_81, %dma_wait3A] : memref<2x10000x128xf32, #tpu.memory_space<hbm>> -> memref<1x125x16xf32, #tpu.memory_space<hbm>>
      %dma_wait3A_100 = tpu.memref_squeeze %dma_wait3A_99 : memref<1x125x16xf32, #tpu.memory_space<hbm>> -> memref<125x16xf32, #tpu.memory_space<hbm>>
      %dma_wait3A_101 = arith.constant 0 : i32
      %dma_wait3A_102 = tpu.memref_slice %arg19[%add3A_81, %dma_wait3A_101] : memref<10000x16xf32, #tpu.memory_space<vmem_shared>> -> memref<125x16xf32, #tpu.memory_space<vmem_shared>>
      tpu.wait_dma2 semaphore(%run_scoped3A : memref<!tpu.dma_semaphore, #tpu.memory_space<semaphore_mem>>) src(%dma_wait3A_102 : memref<125x16xf32, #tpu.memory_space<vmem_shared>>) dst(%dma_wait3A_100 : memref<125x16xf32, #tpu.memory_space<hbm>>)
      tpu.yield
    }) : () -> ()
    %mul3A_82 = arith.constant 625 : i32
    %mul3A_83 = arith.muli %arg1, %mul3A_82 : i32
    %add3A_84 = arith.constant 250 : i32
    %add3A_85 = arith.addi %mul3A_83, %add3A_84 : i32
    "tpu.region"() ({
      %run_scoped3A = tpu.sem_alloc : memref<!tpu.dma_semaphore, #tpu.memory_space<semaphore_mem>>
      %dma_start3A_94 = arith.constant 0 : i32
      %dma_start3A_95 = tpu.memref_slice %arg5[%arg0, %add3A_85, %dma_start3A_94] : memref<2x10000x128xf32, #tpu.memory_space<hbm>> -> memref<1x125x16xf32, #tpu.memory_space<hbm>>
      %dma_start3A_96 = tpu.memref_squeeze %dma_start3A_95 : memref<1x125x16xf32, #tpu.memory_space<hbm>> -> memref<125x16xf32, #tpu.memory_space<hbm>>
      %dma_start3A_97 = arith.constant 0 : i32
      %dma_start3A_98 = tpu.memref_slice %arg19[%add3A_85, %dma_start3A_97] : memref<10000x16xf32, #tpu.memory_space<vmem_shared>> -> memref<125x16xf32, #tpu.memory_space<vmem_shared>>
      tpu.enqueue_dma source(%dma_start3A_98 : memref<125x16xf32, #tpu.memory_space<vmem_shared>>) target(%dma_start3A_96 : memref<125x16xf32, #tpu.memory_space<hbm>>) target_semaphore(%run_scoped3A : memref<!tpu.dma_semaphore, #tpu.memory_space<semaphore_mem>>)
      %dma_wait3A = arith.constant 0 : i32
      %dma_wait3A_99 = tpu.memref_slice %arg5[%arg0, %add3A_85, %dma_wait3A] : memref<2x10000x128xf32, #tpu.memory_space<hbm>> -> memref<1x125x16xf32, #tpu.memory_space<hbm>>
      %dma_wait3A_100 = tpu.memref_squeeze %dma_wait3A_99 : memref<1x125x16xf32, #tpu.memory_space<hbm>> -> memref<125x16xf32, #tpu.memory_space<hbm>>
      %dma_wait3A_101 = arith.constant 0 : i32
      %dma_wait3A_102 = tpu.memref_slice %arg19[%add3A_85, %dma_wait3A_101] : memref<10000x16xf32, #tpu.memory_space<vmem_shared>> -> memref<125x16xf32, #tpu.memory_space<vmem_shared>>
      tpu.wait_dma2 semaphore(%run_scoped3A : memref<!tpu.dma_semaphore, #tpu.memory_space<semaphore_mem>>) src(%dma_wait3A_102 : memref<125x16xf32, #tpu.memory_space<vmem_shared>>) dst(%dma_wait3A_100 : memref<125x16xf32, #tpu.memory_space<hbm>>)
      tpu.yield
    }) : () -> ()
    %mul3A_86 = arith.constant 625 : i32
    %mul3A_87 = arith.muli %arg1, %mul3A_86 : i32
    %add3A_88 = arith.constant 375 : i32
    %add3A_89 = arith.addi %mul3A_87, %add3A_88 : i32
    "tpu.region"() ({
      %run_scoped3A = tpu.sem_alloc : memref<!tpu.dma_semaphore, #tpu.memory_space<semaphore_mem>>
      %dma_start3A_94 = arith.constant 0 : i32
      %dma_start3A_95 = tpu.memref_slice %arg5[%arg0, %add3A_89, %dma_start3A_94] : memref<2x10000x128xf32, #tpu.memory_space<hbm>> -> memref<1x125x16xf32, #tpu.memory_space<hbm>>
      %dma_start3A_96 = tpu.memref_squeeze %dma_start3A_95 : memref<1x125x16xf32, #tpu.memory_space<hbm>> -> memref<125x16xf32, #tpu.memory_space<hbm>>
      %dma_start3A_97 = arith.constant 0 : i32
      %dma_start3A_98 = tpu.memref_slice %arg19[%add3A_89, %dma_start3A_97] : memref<10000x16xf32, #tpu.memory_space<vmem_shared>> -> memref<125x16xf32, #tpu.memory_space<vmem_shared>>
      tpu.enqueue_dma source(%dma_start3A_98 : memref<125x16xf32, #tpu.memory_space<vmem_shared>>) target(%dma_start3A_96 : memref<125x16xf32, #tpu.memory_space<hbm>>) target_semaphore(%run_scoped3A : memref<!tpu.dma_semaphore, #tpu.memory_space<semaphore_mem>>)
      %dma_wait3A = arith.constant 0 : i32
      %dma_wait3A_99 = tpu.memref_slice %arg5[%arg0, %add3A_89, %dma_wait3A] : memref<2x10000x128xf32, #tpu.memory_space<hbm>> -> memref<1x125x16xf32, #tpu.memory_space<hbm>>
      %dma_wait3A_100 = tpu.memref_squeeze %dma_wait3A_99 : memref<1x125x16xf32, #tpu.memory_space<hbm>> -> memref<125x16xf32, #tpu.memory_space<hbm>>
      %dma_wait3A_101 = arith.constant 0 : i32
      %dma_wait3A_102 = tpu.memref_slice %arg19[%add3A_89, %dma_wait3A_101] : memref<10000x16xf32, #tpu.memory_space<vmem_shared>> -> memref<125x16xf32, #tpu.memory_space<vmem_shared>>
      tpu.wait_dma2 semaphore(%run_scoped3A : memref<!tpu.dma_semaphore, #tpu.memory_space<semaphore_mem>>) src(%dma_wait3A_102 : memref<125x16xf32, #tpu.memory_space<vmem_shared>>) dst(%dma_wait3A_100 : memref<125x16xf32, #tpu.memory_space<hbm>>)
      tpu.yield
    }) : () -> ()
    %mul3A_90 = arith.constant 625 : i32
    %mul3A_91 = arith.muli %arg1, %mul3A_90 : i32
    %add3A_92 = arith.constant 500 : i32
    %add3A_93 = arith.addi %mul3A_91, %add3A_92 : i32
    "tpu.region"() ({
      %run_scoped3A = tpu.sem_alloc : memref<!tpu.dma_semaphore, #tpu.memory_space<semaphore_mem>>
      %dma_start3A_94 = arith.constant 0 : i32
      %dma_start3A_95 = tpu.memref_slice %arg5[%arg0, %add3A_93, %dma_start3A_94] : memref<2x10000x128xf32, #tpu.memory_space<hbm>> -> memref<1x125x16xf32, #tpu.memory_space<hbm>>
      %dma_start3A_96 = tpu.memref_squeeze %dma_start3A_95 : memref<1x125x16xf32, #tpu.memory_space<hbm>> -> memref<125x16xf32, #tpu.memory_space<hbm>>
      %dma_start3A_97 = arith.constant 0 : i32
      %dma_start3A_98 = tpu.memref_slice %arg19[%add3A_93, %dma_start3A_97] : memref<10000x16xf32, #tpu.memory_space<vmem_shared>> -> memref<125x16xf32, #tpu.memory_space<vmem_shared>>
      tpu.enqueue_dma source(%dma_start3A_98 : memref<125x16xf32, #tpu.memory_space<vmem_shared>>) target(%dma_start3A_96 : memref<125x16xf32, #tpu.memory_space<hbm>>) target_semaphore(%run_scoped3A : memref<!tpu.dma_semaphore, #tpu.memory_space<semaphore_mem>>)
      %dma_wait3A = arith.constant 0 : i32
      %dma_wait3A_99 = tpu.memref_slice %arg5[%arg0, %add3A_93, %dma_wait3A] : memref<2x10000x128xf32, #tpu.memory_space<hbm>> -> memref<1x125x16xf32, #tpu.memory_space<hbm>>
      %dma_wait3A_100 = tpu.memref_squeeze %dma_wait3A_99 : memref<1x125x16xf32, #tpu.memory_space<hbm>> -> memref<125x16xf32, #tpu.memory_space<hbm>>
      %dma_wait3A_101 = arith.constant 0 : i32
      %dma_wait3A_102 = tpu.memref_slice %arg19[%add3A_93, %dma_wait3A_101] : memref<10000x16xf32, #tpu.memory_space<vmem_shared>> -> memref<125x16xf32, #tpu.memory_space<vmem_shared>>
      tpu.wait_dma2 semaphore(%run_scoped3A : memref<!tpu.dma_semaphore, #tpu.memory_space<semaphore_mem>>) src(%dma_wait3A_102 : memref<125x16xf32, #tpu.memory_space<vmem_shared>>) dst(%dma_wait3A_100 : memref<125x16xf32, #tpu.memory_space<hbm>>)
      tpu.yield
    }) : () -> ()
    return
  }
}

#map = affine_map<(d0, d1) -> (0, 0)>
#map1 = affine_map<(d0, d1) -> (0, 0, 0)>
module attributes {stable_mosaic.version = 14 : i64} {
  func.func @k(%arg0: i32, %arg1: i32, %arg2: memref<10000x80xf32, #tpu.memory_space<hbm>>, %arg3: memref<2560x125xi32, #tpu.memory_space<hbm>>, %arg4: memref<2560x125xi32, #tpu.memory_space<hbm>>, %arg5: memref<2x10000x128xf32, #tpu.memory_space<hbm>>, %arg6: memref<125x80xf32, #tpu.memory_space<vmem>>, %arg7: memref<125x80xf32, #tpu.memory_space<vmem>>, %arg8: memref<125x80xf32, #tpu.memory_space<vmem>>, %arg9: memref<125x80xf32, #tpu.memory_space<vmem>>, %arg10: memref<125x80xf32, #tpu.memory_space<vmem>>, %arg11: memref<80x125xi32, #tpu.memory_space<vmem>>, %arg12: memref<80x125xi32, #tpu.memory_space<vmem>>, %arg13: memref<125x80xf32, #tpu.memory_space<vmem>>, %arg14: memref<10000x80xf32, #tpu.memory_space<vmem_shared>>, %arg15: memref<!tpu.dma_semaphore, #tpu.memory_space<semaphore_mem>>, %arg16: memref<!tpu.dma_semaphore, #tpu.memory_space<semaphore_mem>>, %arg17: memref<!tpu.dma_semaphore, #tpu.memory_space<semaphore_mem>>, %arg18: memref<!tpu.dma_semaphore, #tpu.memory_space<semaphore_mem>>, %arg19: memref<!tpu.dma_semaphore, #tpu.memory_space<semaphore_mem>>, %arg20: memref<!tpu.dma_semaphore, #tpu.memory_space<semaphore_mem>>, %arg21: memref<!tpu.dma_semaphore, #tpu.memory_space<semaphore_mem>>, %arg22: memref<!tpu.dma_semaphore, #tpu.memory_space<semaphore_mem>>, %arg23: memref<!tpu.dma_semaphore, #tpu.memory_space<semaphore_mem>>, %arg24: memref<!tpu.dma_semaphore, #tpu.memory_space<semaphore_mem>>) attributes {dimension_semantics = [#tpu.dimension_semantics<core_parallel>, #tpu.dimension_semantics<subcore_parallel>], iteration_bounds = array<i64: 2, 16>, scalar_prefetch = 0 : i64, scratch_operands = 19 : i64, tpu.core_type = #tpu.core_type<sc_vector_subcore>, window_params = [{transform_indices = #map}, {transform_indices = #map}, {transform_indices = #map}, {transform_indices = #map1}]} {
    %mul3A = arith.constant 16 : i32
    %mul3A_0 = arith.muli %arg0, %mul3A : i32
    %add3A = arith.addi %mul3A_0, %arg1 : i32
    %broadcast_in_dim3A = arith.constant 0.000000e+00 : f32
    %broadcast_in_dim3A_1 = vector.broadcast %broadcast_in_dim3A : f32 to vector<16xf32>
    %mul3A_2 = arith.constant 80 : i32
    %mul3A_3 = arith.muli %add3A, %mul3A_2 : i32
    "tpu.region"() ({
      %run_scoped3A = tpu.sem_alloc : memref<!tpu.dma_semaphore, #tpu.memory_space<semaphore_mem>>
      %dma_start3A_80 = arith.constant 0 : i32
      %dma_start3A_81 = tpu.memref_slice %arg3[%mul3A_3, %dma_start3A_80] : memref<2560x125xi32, #tpu.memory_space<hbm>> -> memref<80x125xi32, #tpu.memory_space<hbm>>
      %dma_start3A_82 = arith.constant 0 : i32
      %dma_start3A_83 = tpu.memref_slice %arg3[%mul3A_3, %dma_start3A_82] : memref<2560x125xi32, #tpu.memory_space<hbm>> -> memref<80x125xi32, #tpu.memory_space<hbm>>
      tpu.enqueue_dma source(%dma_start3A_83 : memref<80x125xi32, #tpu.memory_space<hbm>>) target(%arg11 : memref<80x125xi32, #tpu.memory_space<vmem>>) target_semaphore(%run_scoped3A : memref<!tpu.dma_semaphore, #tpu.memory_space<semaphore_mem>>)
      %dma_wait3A = arith.constant 0 : i32
      %dma_wait3A_84 = tpu.memref_slice %arg3[%mul3A_3, %dma_wait3A] : memref<2560x125xi32, #tpu.memory_space<hbm>> -> memref<80x125xi32, #tpu.memory_space<hbm>>
      %dma_wait3A_85 = arith.constant 0 : i32
      %dma_wait3A_86 = tpu.memref_slice %arg3[%mul3A_3, %dma_wait3A_85] : memref<2560x125xi32, #tpu.memory_space<hbm>> -> memref<80x125xi32, #tpu.memory_space<hbm>>
      tpu.wait_dma2 semaphore(%run_scoped3A : memref<!tpu.dma_semaphore, #tpu.memory_space<semaphore_mem>>) src(%dma_wait3A_86 : memref<80x125xi32, #tpu.memory_space<hbm>>) dst(%arg11 : memref<80x125xi32, #tpu.memory_space<vmem>>)
      tpu.yield
    }) : () -> ()
    %mul3A_4 = arith.constant 80 : i32
    %mul3A_5 = arith.muli %add3A, %mul3A_4 : i32
    "tpu.region"() ({
      %run_scoped3A = tpu.sem_alloc : memref<!tpu.dma_semaphore, #tpu.memory_space<semaphore_mem>>
      %dma_start3A_80 = arith.constant 0 : i32
      %dma_start3A_81 = tpu.memref_slice %arg4[%mul3A_5, %dma_start3A_80] : memref<2560x125xi32, #tpu.memory_space<hbm>> -> memref<80x125xi32, #tpu.memory_space<hbm>>
      %dma_start3A_82 = arith.constant 0 : i32
      %dma_start3A_83 = tpu.memref_slice %arg4[%mul3A_5, %dma_start3A_82] : memref<2560x125xi32, #tpu.memory_space<hbm>> -> memref<80x125xi32, #tpu.memory_space<hbm>>
      tpu.enqueue_dma source(%dma_start3A_83 : memref<80x125xi32, #tpu.memory_space<hbm>>) target(%arg12 : memref<80x125xi32, #tpu.memory_space<vmem>>) target_semaphore(%run_scoped3A : memref<!tpu.dma_semaphore, #tpu.memory_space<semaphore_mem>>)
      %dma_wait3A = arith.constant 0 : i32
      %dma_wait3A_84 = tpu.memref_slice %arg4[%mul3A_5, %dma_wait3A] : memref<2560x125xi32, #tpu.memory_space<hbm>> -> memref<80x125xi32, #tpu.memory_space<hbm>>
      %dma_wait3A_85 = arith.constant 0 : i32
      %dma_wait3A_86 = tpu.memref_slice %arg4[%mul3A_5, %dma_wait3A_85] : memref<2560x125xi32, #tpu.memory_space<hbm>> -> memref<80x125xi32, #tpu.memory_space<hbm>>
      tpu.wait_dma2 semaphore(%run_scoped3A : memref<!tpu.dma_semaphore, #tpu.memory_space<semaphore_mem>>) src(%dma_wait3A_86 : memref<80x125xi32, #tpu.memory_space<hbm>>) dst(%arg12 : memref<80x125xi32, #tpu.memory_space<vmem>>)
      tpu.yield
    }) : () -> ()
    %scan3A = arith.constant 0 : i32
    %scan3A_6 = arith.constant 0 : i32
    %scan3A_7 = arith.constant 125 : i32
    %scan3A_8 = arith.addi %scan3A_6, %scan3A_7 : i32
    %scan3A_9 = arith.constant 1 : i32
    %scan3A_10 = scf.for %scan3A_80 = %scan3A_6 to %scan3A_8 step %scan3A_9 iter_args(%scan3A_81 = %scan3A) -> (i32)  : i32 {
      %swap3A = arith.index_cast %scan3A_80 : i32 to index
      %swap3A_82 = arith.constant 0 : index
      %swap3A_83 = tpu.vector_load %arg13[%swap3A, %swap3A_82] {strides = array<i32>} : memref<125x80xf32, #tpu.memory_space<vmem>>, vector<1x16xf32>,
      %swap3A_84 = vector.shape_cast %swap3A_83 : vector<1x16xf32> to vector<16xf32>
      %swap3A_85 = vector.shape_cast %broadcast_in_dim3A_1 : vector<16xf32> to vector<1x16xf32>
      tpu.vector_store %arg13[%swap3A, %swap3A_82], %swap3A_85 {strides = array<i32>} : memref<125x80xf32, #tpu.memory_space<vmem>>, vector<1x16xf32>,
      %swap3A_86 = arith.index_cast %scan3A_80 : i32 to index
      %swap3A_87 = arith.constant 16 : index
      %swap3A_88 = tpu.vector_load %arg13[%swap3A_86, %swap3A_87] {strides = array<i32>} : memref<125x80xf32, #tpu.memory_space<vmem>>, vector<1x16xf32>,
      %swap3A_89 = vector.shape_cast %swap3A_88 : vector<1x16xf32> to vector<16xf32>
      %swap3A_90 = vector.shape_cast %broadcast_in_dim3A_1 : vector<16xf32> to vector<1x16xf32>
      tpu.vector_store %arg13[%swap3A_86, %swap3A_87], %swap3A_90 {strides = array<i32>} : memref<125x80xf32, #tpu.memory_space<vmem>>, vector<1x16xf32>,
      %swap3A_91 = arith.index_cast %scan3A_80 : i32 to index
      %swap3A_92 = arith.constant 32 : index
      %swap3A_93 = tpu.vector_load %arg13[%swap3A_91, %swap3A_92] {strides = array<i32>} : memref<125x80xf32, #tpu.memory_space<vmem>>, vector<1x16xf32>,
      %swap3A_94 = vector.shape_cast %swap3A_93 : vector<1x16xf32> to vector<16xf32>
      %swap3A_95 = vector.shape_cast %broadcast_in_dim3A_1 : vector<16xf32> to vector<1x16xf32>
      tpu.vector_store %arg13[%swap3A_91, %swap3A_92], %swap3A_95 {strides = array<i32>} : memref<125x80xf32, #tpu.memory_space<vmem>>, vector<1x16xf32>,
      %swap3A_96 = arith.index_cast %scan3A_80 : i32 to index
      %swap3A_97 = arith.constant 48 : index
      %swap3A_98 = tpu.vector_load %arg13[%swap3A_96, %swap3A_97] {strides = array<i32>} : memref<125x80xf32, #tpu.memory_space<vmem>>, vector<1x16xf32>,
      %swap3A_99 = vector.shape_cast %swap3A_98 : vector<1x16xf32> to vector<16xf32>
      %swap3A_100 = vector.shape_cast %broadcast_in_dim3A_1 : vector<16xf32> to vector<1x16xf32>
      tpu.vector_store %arg13[%swap3A_96, %swap3A_97], %swap3A_100 {strides = array<i32>} : memref<125x80xf32, #tpu.memory_space<vmem>>, vector<1x16xf32>,
      %swap3A_101 = arith.index_cast %scan3A_80 : i32 to index
      %swap3A_102 = arith.constant 64 : index
      %swap3A_103 = tpu.vector_load %arg13[%swap3A_101, %swap3A_102] {strides = array<i32>} : memref<125x80xf32, #tpu.memory_space<vmem>>, vector<1x16xf32>,
      %swap3A_104 = vector.shape_cast %swap3A_103 : vector<1x16xf32> to vector<16xf32>
      %swap3A_105 = vector.shape_cast %broadcast_in_dim3A_1 : vector<16xf32> to vector<1x16xf32>
      tpu.vector_store %arg13[%swap3A_101, %swap3A_102], %swap3A_105 {strides = array<i32>} : memref<125x80xf32, #tpu.memory_space<vmem>>, vector<1x16xf32>,
      %scan3A_106 = arith.constant 0 : i32
      scf.yield %scan3A_106 : i32
    }
    %scan3A_11 = arith.constant 125 : i32
    %mul3A_12 = arith.constant 625 : i32
    %mul3A_13 = arith.muli %arg1, %mul3A_12 : i32
    %add3A_14 = arith.constant 0 : i32
    %add3A_15 = arith.addi %mul3A_13, %add3A_14 : i32
    "tpu.region"() ({
      %run_scoped3A = tpu.sem_alloc : memref<!tpu.dma_semaphore, #tpu.memory_space<semaphore_mem>>
      %dma_start3A_80 = arith.constant 0 : i32
      %dma_start3A_81 = tpu.memref_slice %arg14[%add3A_15, %dma_start3A_80] : memref<10000x80xf32, #tpu.memory_space<vmem_shared>> -> memref<125x80xf32, #tpu.memory_space<vmem_shared>>
      %dma_start3A_82 = arith.constant 0 : i32
      %dma_start3A_83 = tpu.memref_slice %arg14[%add3A_15, %dma_start3A_82] : memref<10000x80xf32, #tpu.memory_space<vmem_shared>> -> memref<125x80xf32, #tpu.memory_space<vmem_shared>>
      tpu.enqueue_dma source(%arg13 : memref<125x80xf32, #tpu.memory_space<vmem>>) target(%dma_start3A_83 : memref<125x80xf32, #tpu.memory_space<vmem_shared>>) target_semaphore(%run_scoped3A : memref<!tpu.dma_semaphore, #tpu.memory_space<semaphore_mem>>)
      %dma_wait3A = arith.constant 0 : i32
      %dma_wait3A_84 = tpu.memref_slice %arg14[%add3A_15, %dma_wait3A] : memref<10000x80xf32, #tpu.memory_space<vmem_shared>> -> memref<125x80xf32, #tpu.memory_space<vmem_shared>>
      %dma_wait3A_85 = arith.constant 0 : i32
      %dma_wait3A_86 = tpu.memref_slice %arg14[%add3A_15, %dma_wait3A_85] : memref<10000x80xf32, #tpu.memory_space<vmem_shared>> -> memref<125x80xf32, #tpu.memory_space<vmem_shared>>
      tpu.wait_dma2 semaphore(%run_scoped3A : memref<!tpu.dma_semaphore, #tpu.memory_space<semaphore_mem>>) src(%arg13 : memref<125x80xf32, #tpu.memory_space<vmem>>) dst(%dma_wait3A_86 : memref<125x80xf32, #tpu.memory_space<vmem_shared>>)
      tpu.yield
    }) : () -> ()
    %mul3A_16 = arith.constant 625 : i32
    %mul3A_17 = arith.muli %arg1, %mul3A_16 : i32
    %add3A_18 = arith.constant 125 : i32
    %add3A_19 = arith.addi %mul3A_17, %add3A_18 : i32
    "tpu.region"() ({
      %run_scoped3A = tpu.sem_alloc : memref<!tpu.dma_semaphore, #tpu.memory_space<semaphore_mem>>
      %dma_start3A_80 = arith.constant 0 : i32
      %dma_start3A_81 = tpu.memref_slice %arg14[%add3A_19, %dma_start3A_80] : memref<10000x80xf32, #tpu.memory_space<vmem_shared>> -> memref<125x80xf32, #tpu.memory_space<vmem_shared>>
      %dma_start3A_82 = arith.constant 0 : i32
      %dma_start3A_83 = tpu.memref_slice %arg14[%add3A_19, %dma_start3A_82] : memref<10000x80xf32, #tpu.memory_space<vmem_shared>> -> memref<125x80xf32, #tpu.memory_space<vmem_shared>>
      tpu.enqueue_dma source(%arg13 : memref<125x80xf32, #tpu.memory_space<vmem>>) target(%dma_start3A_83 : memref<125x80xf32, #tpu.memory_space<vmem_shared>>) target_semaphore(%run_scoped3A : memref<!tpu.dma_semaphore, #tpu.memory_space<semaphore_mem>>)
      %dma_wait3A = arith.constant 0 : i32
      %dma_wait3A_84 = tpu.memref_slice %arg14[%add3A_19, %dma_wait3A] : memref<10000x80xf32, #tpu.memory_space<vmem_shared>> -> memref<125x80xf32, #tpu.memory_space<vmem_shared>>
      %dma_wait3A_85 = arith.constant 0 : i32
      %dma_wait3A_86 = tpu.memref_slice %arg14[%add3A_19, %dma_wait3A_85] : memref<10000x80xf32, #tpu.memory_space<vmem_shared>> -> memref<125x80xf32, #tpu.memory_space<vmem_shared>>
      tpu.wait_dma2 semaphore(%run_scoped3A : memref<!tpu.dma_semaphore, #tpu.memory_space<semaphore_mem>>) src(%arg13 : memref<125x80xf32, #tpu.memory_space<vmem>>) dst(%dma_wait3A_86 : memref<125x80xf32, #tpu.memory_space<vmem_shared>>)
      tpu.yield
    }) : () -> ()
    %mul3A_20 = arith.constant 625 : i32
    %mul3A_21 = arith.muli %arg1, %mul3A_20 : i32
    %add3A_22 = arith.constant 250 : i32
    %add3A_23 = arith.addi %mul3A_21, %add3A_22 : i32
    "tpu.region"() ({
      %run_scoped3A = tpu.sem_alloc : memref<!tpu.dma_semaphore, #tpu.memory_space<semaphore_mem>>
      %dma_start3A_80 = arith.constant 0 : i32
      %dma_start3A_81 = tpu.memref_slice %arg14[%add3A_23, %dma_start3A_80] : memref<10000x80xf32, #tpu.memory_space<vmem_shared>> -> memref<125x80xf32, #tpu.memory_space<vmem_shared>>
      %dma_start3A_82 = arith.constant 0 : i32
      %dma_start3A_83 = tpu.memref_slice %arg14[%add3A_23, %dma_start3A_82] : memref<10000x80xf32, #tpu.memory_space<vmem_shared>> -> memref<125x80xf32, #tpu.memory_space<vmem_shared>>
      tpu.enqueue_dma source(%arg13 : memref<125x80xf32, #tpu.memory_space<vmem>>) target(%dma_start3A_83 : memref<125x80xf32, #tpu.memory_space<vmem_shared>>) target_semaphore(%run_scoped3A : memref<!tpu.dma_semaphore, #tpu.memory_space<semaphore_mem>>)
      %dma_wait3A = arith.constant 0 : i32
      %dma_wait3A_84 = tpu.memref_slice %arg14[%add3A_23, %dma_wait3A] : memref<10000x80xf32, #tpu.memory_space<vmem_shared>> -> memref<125x80xf32, #tpu.memory_space<vmem_shared>>
      %dma_wait3A_85 = arith.constant 0 : i32
      %dma_wait3A_86 = tpu.memref_slice %arg14[%add3A_23, %dma_wait3A_85] : memref<10000x80xf32, #tpu.memory_space<vmem_shared>> -> memref<125x80xf32, #tpu.memory_space<vmem_shared>>
      tpu.wait_dma2 semaphore(%run_scoped3A : memref<!tpu.dma_semaphore, #tpu.memory_space<semaphore_mem>>) src(%arg13 : memref<125x80xf32, #tpu.memory_space<vmem>>) dst(%dma_wait3A_86 : memref<125x80xf32, #tpu.memory_space<vmem_shared>>)
      tpu.yield
    }) : () -> ()
    %mul3A_24 = arith.constant 625 : i32
    %mul3A_25 = arith.muli %arg1, %mul3A_24 : i32
    %add3A_26 = arith.constant 375 : i32
    %add3A_27 = arith.addi %mul3A_25, %add3A_26 : i32
    "tpu.region"() ({
      %run_scoped3A = tpu.sem_alloc : memref<!tpu.dma_semaphore, #tpu.memory_space<semaphore_mem>>
      %dma_start3A_80 = arith.constant 0 : i32
      %dma_start3A_81 = tpu.memref_slice %arg14[%add3A_27, %dma_start3A_80] : memref<10000x80xf32, #tpu.memory_space<vmem_shared>> -> memref<125x80xf32, #tpu.memory_space<vmem_shared>>
      %dma_start3A_82 = arith.constant 0 : i32
      %dma_start3A_83 = tpu.memref_slice %arg14[%add3A_27, %dma_start3A_82] : memref<10000x80xf32, #tpu.memory_space<vmem_shared>> -> memref<125x80xf32, #tpu.memory_space<vmem_shared>>
      tpu.enqueue_dma source(%arg13 : memref<125x80xf32, #tpu.memory_space<vmem>>) target(%dma_start3A_83 : memref<125x80xf32, #tpu.memory_space<vmem_shared>>) target_semaphore(%run_scoped3A : memref<!tpu.dma_semaphore, #tpu.memory_space<semaphore_mem>>)
      %dma_wait3A = arith.constant 0 : i32
      %dma_wait3A_84 = tpu.memref_slice %arg14[%add3A_27, %dma_wait3A] : memref<10000x80xf32, #tpu.memory_space<vmem_shared>> -> memref<125x80xf32, #tpu.memory_space<vmem_shared>>
      %dma_wait3A_85 = arith.constant 0 : i32
      %dma_wait3A_86 = tpu.memref_slice %arg14[%add3A_27, %dma_wait3A_85] : memref<10000x80xf32, #tpu.memory_space<vmem_shared>> -> memref<125x80xf32, #tpu.memory_space<vmem_shared>>
      tpu.wait_dma2 semaphore(%run_scoped3A : memref<!tpu.dma_semaphore, #tpu.memory_space<semaphore_mem>>) src(%arg13 : memref<125x80xf32, #tpu.memory_space<vmem>>) dst(%dma_wait3A_86 : memref<125x80xf32, #tpu.memory_space<vmem_shared>>)
      tpu.yield
    }) : () -> ()
    %mul3A_28 = arith.constant 625 : i32
    %mul3A_29 = arith.muli %arg1, %mul3A_28 : i32
    %add3A_30 = arith.constant 500 : i32
    %add3A_31 = arith.addi %mul3A_29, %add3A_30 : i32
    "tpu.region"() ({
      %run_scoped3A = tpu.sem_alloc : memref<!tpu.dma_semaphore, #tpu.memory_space<semaphore_mem>>
      %dma_start3A_80 = arith.constant 0 : i32
      %dma_start3A_81 = tpu.memref_slice %arg14[%add3A_31, %dma_start3A_80] : memref<10000x80xf32, #tpu.memory_space<vmem_shared>> -> memref<125x80xf32, #tpu.memory_space<vmem_shared>>
      %dma_start3A_82 = arith.constant 0 : i32
      %dma_start3A_83 = tpu.memref_slice %arg14[%add3A_31, %dma_start3A_82] : memref<10000x80xf32, #tpu.memory_space<vmem_shared>> -> memref<125x80xf32, #tpu.memory_space<vmem_shared>>
      tpu.enqueue_dma source(%arg13 : memref<125x80xf32, #tpu.memory_space<vmem>>) target(%dma_start3A_83 : memref<125x80xf32, #tpu.memory_space<vmem_shared>>) target_semaphore(%run_scoped3A : memref<!tpu.dma_semaphore, #tpu.memory_space<semaphore_mem>>)
      %dma_wait3A = arith.constant 0 : i32
      %dma_wait3A_84 = tpu.memref_slice %arg14[%add3A_31, %dma_wait3A] : memref<10000x80xf32, #tpu.memory_space<vmem_shared>> -> memref<125x80xf32, #tpu.memory_space<vmem_shared>>
      %dma_wait3A_85 = arith.constant 0 : i32
      %dma_wait3A_86 = tpu.memref_slice %arg14[%add3A_31, %dma_wait3A_85] : memref<10000x80xf32, #tpu.memory_space<vmem_shared>> -> memref<125x80xf32, #tpu.memory_space<vmem_shared>>
      tpu.wait_dma2 semaphore(%run_scoped3A : memref<!tpu.dma_semaphore, #tpu.memory_space<semaphore_mem>>) src(%arg13 : memref<125x80xf32, #tpu.memory_space<vmem>>) dst(%dma_wait3A_86 : memref<125x80xf32, #tpu.memory_space<vmem_shared>>)
      tpu.yield
    }) : () -> ()
    %dma_start3A = arith.constant 0 : i32
    %dma_start3A_32 = arith.constant 0 : i32
    %dma_start3A_33 = tpu.memref_slice %arg11[%dma_start3A, %dma_start3A_32] : memref<80x125xi32, #tpu.memory_space<vmem>> -> memref<1x125xi32, #tpu.memory_space<vmem>>
    %dma_start3A_34 = tpu.memref_squeeze %dma_start3A_33 : memref<1x125xi32, #tpu.memory_space<vmem>> -> memref<125xi32, #tpu.memory_space<vmem>>
    %dma_start3A_35 = arith.constant 0 : i32
    %dma_start3A_36 = arith.constant 0 : i32
    %dma_start3A_37 = tpu.memref_slice %arg2[%dma_start3A_35, %dma_start3A_36] : memref<10000x80xf32, #tpu.memory_space<hbm>> -> memref<10000x80xf32, #tpu.memory_space<hbm>>
    tpu.enqueue_indirect_dma source(%dma_start3A_37 : memref<10000x80xf32, #tpu.memory_space<hbm>>) target(%arg6 : memref<125x80xf32, #tpu.memory_space<vmem>>) offsets(%dma_start3A_34 : memref<125xi32, #tpu.memory_space<vmem>>) semaphore(%arg15 : memref<!tpu.dma_semaphore, #tpu.memory_space<semaphore_mem>>)
    %dma_start3A_38 = arith.constant 1 : i32
    %dma_start3A_39 = arith.constant 0 : i32
    %dma_start3A_40 = tpu.memref_slice %arg11[%dma_start3A_38, %dma_start3A_39] : memref<80x125xi32, #tpu.memory_space<vmem>> -> memref<1x125xi32, #tpu.memory_space<vmem>>
    %dma_start3A_41 = tpu.memref_squeeze %dma_start3A_40 : memref<1x125xi32, #tpu.memory_space<vmem>> -> memref<125xi32, #tpu.memory_space<vmem>>
    %dma_start3A_42 = arith.constant 0 : i32
    %dma_start3A_43 = arith.constant 0 : i32
    %dma_start3A_44 = tpu.memref_slice %arg2[%dma_start3A_42, %dma_start3A_43] : memref<10000x80xf32, #tpu.memory_space<hbm>> -> memref<10000x80xf32, #tpu.memory_space<hbm>>
    tpu.enqueue_indirect_dma source(%dma_start3A_44 : memref<10000x80xf32, #tpu.memory_space<hbm>>) target(%arg7 : memref<125x80xf32, #tpu.memory_space<vmem>>) offsets(%dma_start3A_41 : memref<125xi32, #tpu.memory_space<vmem>>) semaphore(%arg16 : memref<!tpu.dma_semaphore, #tpu.memory_space<semaphore_mem>>)
    %dma_start3A_45 = arith.constant 2 : i32
    %dma_start3A_46 = arith.constant 0 : i32
    %dma_start3A_47 = tpu.memref_slice %arg11[%dma_start3A_45, %dma_start3A_46] : memref<80x125xi32, #tpu.memory_space<vmem>> -> memref<1x125xi32, #tpu.memory_space<vmem>>
    %dma_start3A_48 = tpu.memref_squeeze %dma_start3A_47 : memref<1x125xi32, #tpu.memory_space<vmem>> -> memref<125xi32, #tpu.memory_space<vmem>>
    %dma_start3A_49 = arith.constant 0 : i32
    %dma_start3A_50 = arith.constant 0 : i32
    %dma_start3A_51 = tpu.memref_slice %arg2[%dma_start3A_49, %dma_start3A_50] : memref<10000x80xf32, #tpu.memory_space<hbm>> -> memref<10000x80xf32, #tpu.memory_space<hbm>>
    tpu.enqueue_indirect_dma source(%dma_start3A_51 : memref<10000x80xf32, #tpu.memory_space<hbm>>) target(%arg8 : memref<125x80xf32, #tpu.memory_space<vmem>>) offsets(%dma_start3A_48 : memref<125xi32, #tpu.memory_space<vmem>>) semaphore(%arg17 : memref<!tpu.dma_semaphore, #tpu.memory_space<semaphore_mem>>)
    %barrier3A = arith.constant 0 : index
    tpu.barrier barrier_id(%barrier3A)
    %scan3A_52 = arith.constant 0 : i32
    %scan3A_53 = arith.constant 0 : i32
    %scan3A_54 = arith.constant 16 : i32
    %scan3A_55 = arith.addi %scan3A_53, %scan3A_54 : i32
    %scan3A_56 = arith.constant 1 : i32
    %scan3A_57 = scf.for %scan3A_80 = %scan3A_53 to %scan3A_55 step %scan3A_56 iter_args(%scan3A_81 = %scan3A_52) -> (i32)  : i32 {
      %mul3A_82 = arith.constant 5 : i32
      %mul3A_83 = arith.muli %scan3A_80, %mul3A_82 : i32
      %add3A_84 = arith.constant 0 : i32
      %add3A_85 = arith.addi %mul3A_83, %add3A_84 : i32
      %dma_wait3A = arith.constant 0 : i32
      %dma_wait3A_86 = arith.constant 0 : i32
      %dma_wait3A_87 = tpu.memref_slice %arg2[%dma_wait3A, %dma_wait3A_86] : memref<10000x80xf32, #tpu.memory_space<hbm>> -> memref<125x80xf32, #tpu.memory_space<hbm>>
      %dma_wait3A_88 = arith.constant 0 : i32
      %dma_wait3A_89 = arith.constant 0 : i32
      %dma_wait3A_90 = tpu.memref_slice %arg2[%dma_wait3A_88, %dma_wait3A_89] : memref<10000x80xf32, #tpu.memory_space<hbm>> -> memref<125x80xf32, #tpu.memory_space<hbm>>
      tpu.wait_dma2 semaphore(%arg15 : memref<!tpu.dma_semaphore, #tpu.memory_space<semaphore_mem>>) src(%dma_wait3A_90 : memref<125x80xf32, #tpu.memory_space<hbm>>) dst(%arg6 : memref<125x80xf32, #tpu.memory_space<vmem>>)
      %dma_start3A_91 = arith.constant 0 : i32
      %dma_start3A_92 = tpu.memref_slice %arg12[%add3A_85, %dma_start3A_91] : memref<80x125xi32, #tpu.memory_space<vmem>> -> memref<1x125xi32, #tpu.memory_space<vmem>>
      %dma_start3A_93 = tpu.memref_squeeze %dma_start3A_92 : memref<1x125xi32, #tpu.memory_space<vmem>> -> memref<125xi32, #tpu.memory_space<vmem>>
      %dma_start3A_94 = arith.constant 0 : i32
      %dma_start3A_95 = arith.constant 0 : i32
      %dma_start3A_96 = tpu.memref_slice %arg14[%dma_start3A_94, %dma_start3A_95] : memref<10000x80xf32, #tpu.memory_space<vmem_shared>> -> memref<10000x80xf32, #tpu.memory_space<vmem_shared>>
      tpu.enqueue_indirect_dma source(%arg6 : memref<125x80xf32, #tpu.memory_space<vmem>>) target(%dma_start3A_96 : memref<10000x80xf32, #tpu.memory_space<vmem_shared>>) offsets(%dma_start3A_93 : memref<125xi32, #tpu.memory_space<vmem>>) semaphore(%arg20 : memref<!tpu.dma_semaphore, #tpu.memory_space<semaphore_mem>>) {add = true}
      %dma_wait3A_97 = arith.constant 0 : i32
      %dma_wait3A_98 = arith.constant 0 : i32
      %dma_wait3A_99 = tpu.memref_slice %arg14[%dma_wait3A_97, %dma_wait3A_98] : memref<10000x80xf32, #tpu.memory_space<vmem_shared>> -> memref<125x80xf32, #tpu.memory_space<vmem_shared>>
      %dma_wait3A_100 = arith.constant 0 : i32
      %dma_wait3A_101 = arith.constant 0 : i32
      %dma_wait3A_102 = tpu.memref_slice %arg14[%dma_wait3A_100, %dma_wait3A_101] : memref<10000x80xf32, #tpu.memory_space<vmem_shared>> -> memref<125x80xf32, #tpu.memory_space<vmem_shared>>
      tpu.wait_dma2 semaphore(%arg20 : memref<!tpu.dma_semaphore, #tpu.memory_space<semaphore_mem>>) src(%arg6 : memref<125x80xf32, #tpu.memory_space<vmem>>) dst(%dma_wait3A_102 : memref<125x80xf32, #tpu.memory_space<vmem_shared>>)
      %add3A_103 = arith.constant 3 : i32
      %add3A_104 = arith.addi %add3A_85, %add3A_103 : i32
      %lt3A = arith.constant 80 : i32
      %lt3A_105 = arith.cmpi slt, %add3A_104, %lt3A : i32
      %convert_element_type3A = arith.extui %lt3A_105 : i1 to i32
      %cond3A = arith.constant 0 : i32
      %cond3A_106 = arith.cmpi ne, %convert_element_type3A, %cond3A : i32
      scf.if %cond3A_106 {
        %add3A_224 = arith.constant 3 : i32
        %add3A_225 = arith.addi %add3A_85, %add3A_224 : i32
        %dma_start3A_226 = arith.constant 0 : i32
        %dma_start3A_227 = tpu.memref_slice %arg11[%add3A_225, %dma_start3A_226] : memref<80x125xi32, #tpu.memory_space<vmem>> -> memref<1x125xi32, #tpu.memory_space<vmem>>
        %dma_start3A_228 = tpu.memref_squeeze %dma_start3A_227 : memref<1x125xi32, #tpu.memory_space<vmem>> -> memref<125xi32, #tpu.memory_space<vmem>>
        %dma_start3A_229 = arith.constant 0 : i32
        %dma_start3A_230 = arith.constant 0 : i32
        %dma_start3A_231 = tpu.memref_slice %arg2[%dma_start3A_229, %dma_start3A_230] : memref<10000x80xf32, #tpu.memory_space<hbm>> -> memref<10000x80xf32, #tpu.memory_space<hbm>>
        tpu.enqueue_indirect_dma source(%dma_start3A_231 : memref<10000x80xf32, #tpu.memory_space<hbm>>) target(%arg9 : memref<125x80xf32, #tpu.memory_space<vmem>>) offsets(%dma_start3A_228 : memref<125xi32, #tpu.memory_space<vmem>>) semaphore(%arg18 : memref<!tpu.dma_semaphore, #tpu.memory_space<semaphore_mem>>)
      } else {
      }
      %mul3A_107 = arith.constant 5 : i32
      %mul3A_108 = arith.muli %scan3A_80, %mul3A_107 : i32
      %add3A_109 = arith.constant 1 : i32
      %add3A_110 = arith.addi %mul3A_108, %add3A_109 : i32
      %dma_wait3A_111 = arith.constant 0 : i32
      %dma_wait3A_112 = arith.constant 0 : i32
      %dma_wait3A_113 = tpu.memref_slice %arg2[%dma_wait3A_111, %dma_wait3A_112] : memref<10000x80xf32, #tpu.memory_space<hbm>> -> memref<125x80xf32, #tpu.memory_space<hbm>>
      %dma_wait3A_114 = arith.constant 0 : i32
      %dma_wait3A_115 = arith.constant 0 : i32
      %dma_wait3A_116 = tpu.memref_slice %arg2[%dma_wait3A_114, %dma_wait3A_115] : memref<10000x80xf32, #tpu.memory_space<hbm>> -> memref<125x80xf32, #tpu.memory_space<hbm>>
      tpu.wait_dma2 semaphore(%arg16 : memref<!tpu.dma_semaphore, #tpu.memory_space<semaphore_mem>>) src(%dma_wait3A_116 : memref<125x80xf32, #tpu.memory_space<hbm>>) dst(%arg7 : memref<125x80xf32, #tpu.memory_space<vmem>>)
      %dma_start3A_117 = arith.constant 0 : i32
      %dma_start3A_118 = tpu.memref_slice %arg12[%add3A_110, %dma_start3A_117] : memref<80x125xi32, #tpu.memory_space<vmem>> -> memref<1x125xi32, #tpu.memory_space<vmem>>
      %dma_start3A_119 = tpu.memref_squeeze %dma_start3A_118 : memref<1x125xi32, #tpu.memory_space<vmem>> -> memref<125xi32, #tpu.memory_space<vmem>>
      %dma_start3A_120 = arith.constant 0 : i32
      %dma_start3A_121 = arith.constant 0 : i32
      %dma_start3A_122 = tpu.memref_slice %arg14[%dma_start3A_120, %dma_start3A_121] : memref<10000x80xf32, #tpu.memory_space<vmem_shared>> -> memref<10000x80xf32, #tpu.memory_space<vmem_shared>>
      tpu.enqueue_indirect_dma source(%arg7 : memref<125x80xf32, #tpu.memory_space<vmem>>) target(%dma_start3A_122 : memref<10000x80xf32, #tpu.memory_space<vmem_shared>>) offsets(%dma_start3A_119 : memref<125xi32, #tpu.memory_space<vmem>>) semaphore(%arg21 : memref<!tpu.dma_semaphore, #tpu.memory_space<semaphore_mem>>) {add = true}
      %dma_wait3A_123 = arith.constant 0 : i32
      %dma_wait3A_124 = arith.constant 0 : i32
      %dma_wait3A_125 = tpu.memref_slice %arg14[%dma_wait3A_123, %dma_wait3A_124] : memref<10000x80xf32, #tpu.memory_space<vmem_shared>> -> memref<125x80xf32, #tpu.memory_space<vmem_shared>>
      %dma_wait3A_126 = arith.constant 0 : i32
      %dma_wait3A_127 = arith.constant 0 : i32
      %dma_wait3A_128 = tpu.memref_slice %arg14[%dma_wait3A_126, %dma_wait3A_127] : memref<10000x80xf32, #tpu.memory_space<vmem_shared>> -> memref<125x80xf32, #tpu.memory_space<vmem_shared>>
      tpu.wait_dma2 semaphore(%arg21 : memref<!tpu.dma_semaphore, #tpu.memory_space<semaphore_mem>>) src(%arg7 : memref<125x80xf32, #tpu.memory_space<vmem>>) dst(%dma_wait3A_128 : memref<125x80xf32, #tpu.memory_space<vmem_shared>>)
      %add3A_129 = arith.constant 3 : i32
      %add3A_130 = arith.addi %add3A_110, %add3A_129 : i32
      %lt3A_131 = arith.constant 80 : i32
      %lt3A_132 = arith.cmpi slt, %add3A_130, %lt3A_131 : i32
      %convert_element_type3A_133 = arith.extui %lt3A_132 : i1 to i32
      %cond3A_134 = arith.constant 0 : i32
      %cond3A_135 = arith.cmpi ne, %convert_element_type3A_133, %cond3A_134 : i32
      scf.if %cond3A_135 {
        %add3A_224 = arith.constant 3 : i32
        %add3A_225 = arith.addi %add3A_110, %add3A_224 : i32
        %dma_start3A_226 = arith.constant 0 : i32
        %dma_start3A_227 = tpu.memref_slice %arg11[%add3A_225, %dma_start3A_226] : memref<80x125xi32, #tpu.memory_space<vmem>> -> memref<1x125xi32, #tpu.memory_space<vmem>>
        %dma_start3A_228 = tpu.memref_squeeze %dma_start3A_227 : memref<1x125xi32, #tpu.memory_space<vmem>> -> memref<125xi32, #tpu.memory_space<vmem>>
        %dma_start3A_229 = arith.constant 0 : i32
        %dma_start3A_230 = arith.constant 0 : i32
        %dma_start3A_231 = tpu.memref_slice %arg2[%dma_start3A_229, %dma_start3A_230] : memref<10000x80xf32, #tpu.memory_space<hbm>> -> memref<10000x80xf32, #tpu.memory_space<hbm>>
        tpu.enqueue_indirect_dma source(%dma_start3A_231 : memref<10000x80xf32, #tpu.memory_space<hbm>>) target(%arg10 : memref<125x80xf32, #tpu.memory_space<vmem>>) offsets(%dma_start3A_228 : memref<125xi32, #tpu.memory_space<vmem>>) semaphore(%arg19 : memref<!tpu.dma_semaphore, #tpu.memory_space<semaphore_mem>>)
      } else {
      }
      %mul3A_136 = arith.constant 5 : i32
      %mul3A_137 = arith.muli %scan3A_80, %mul3A_136 : i32
      %add3A_138 = arith.constant 2 : i32
      %add3A_139 = arith.addi %mul3A_137, %add3A_138 : i32
      %dma_wait3A_140 = arith.constant 0 : i32
      %dma_wait3A_141 = arith.constant 0 : i32
      %dma_wait3A_142 = tpu.memref_slice %arg2[%dma_wait3A_140, %dma_wait3A_141] : memref<10000x80xf32, #tpu.memory_space<hbm>> -> memref<125x80xf32, #tpu.memory_space<hbm>>
      %dma_wait3A_143 = arith.constant 0 : i32
      %dma_wait3A_144 = arith.constant 0 : i32
      %dma_wait3A_145 = tpu.memref_slice %arg2[%dma_wait3A_143, %dma_wait3A_144] : memref<10000x80xf32, #tpu.memory_space<hbm>> -> memref<125x80xf32, #tpu.memory_space<hbm>>
      tpu.wait_dma2 semaphore(%arg17 : memref<!tpu.dma_semaphore, #tpu.memory_space<semaphore_mem>>) src(%dma_wait3A_145 : memref<125x80xf32, #tpu.memory_space<hbm>>) dst(%arg8 : memref<125x80xf32, #tpu.memory_space<vmem>>)
      %dma_start3A_146 = arith.constant 0 : i32
      %dma_start3A_147 = tpu.memref_slice %arg12[%add3A_139, %dma_start3A_146] : memref<80x125xi32, #tpu.memory_space<vmem>> -> memref<1x125xi32, #tpu.memory_space<vmem>>
      %dma_start3A_148 = tpu.memref_squeeze %dma_start3A_147 : memref<1x125xi32, #tpu.memory_space<vmem>> -> memref<125xi32, #tpu.memory_space<vmem>>
      %dma_start3A_149 = arith.constant 0 : i32
      %dma_start3A_150 = arith.constant 0 : i32
      %dma_start3A_151 = tpu.memref_slice %arg14[%dma_start3A_149, %dma_start3A_150] : memref<10000x80xf32, #tpu.memory_space<vmem_shared>> -> memref<10000x80xf32, #tpu.memory_space<vmem_shared>>
      tpu.enqueue_indirect_dma source(%arg8 : memref<125x80xf32, #tpu.memory_space<vmem>>) target(%dma_start3A_151 : memref<10000x80xf32, #tpu.memory_space<vmem_shared>>) offsets(%dma_start3A_148 : memref<125xi32, #tpu.memory_space<vmem>>) semaphore(%arg22 : memref<!tpu.dma_semaphore, #tpu.memory_space<semaphore_mem>>) {add = true}
      %dma_wait3A_152 = arith.constant 0 : i32
      %dma_wait3A_153 = arith.constant 0 : i32
      %dma_wait3A_154 = tpu.memref_slice %arg14[%dma_wait3A_152, %dma_wait3A_153] : memref<10000x80xf32, #tpu.memory_space<vmem_shared>> -> memref<125x80xf32, #tpu.memory_space<vmem_shared>>
      %dma_wait3A_155 = arith.constant 0 : i32
      %dma_wait3A_156 = arith.constant 0 : i32
      %dma_wait3A_157 = tpu.memref_slice %arg14[%dma_wait3A_155, %dma_wait3A_156] : memref<10000x80xf32, #tpu.memory_space<vmem_shared>> -> memref<125x80xf32, #tpu.memory_space<vmem_shared>>
      tpu.wait_dma2 semaphore(%arg22 : memref<!tpu.dma_semaphore, #tpu.memory_space<semaphore_mem>>) src(%arg8 : memref<125x80xf32, #tpu.memory_space<vmem>>) dst(%dma_wait3A_157 : memref<125x80xf32, #tpu.memory_space<vmem_shared>>)
      %add3A_158 = arith.constant 3 : i32
      %add3A_159 = arith.addi %add3A_139, %add3A_158 : i32
      %lt3A_160 = arith.constant 80 : i32
      %lt3A_161 = arith.cmpi slt, %add3A_159, %lt3A_160 : i32
      %convert_element_type3A_162 = arith.extui %lt3A_161 : i1 to i32
      %cond3A_163 = arith.constant 0 : i32
      %cond3A_164 = arith.cmpi ne, %convert_element_type3A_162, %cond3A_163 : i32
      scf.if %cond3A_164 {
        %add3A_224 = arith.constant 3 : i32
        %add3A_225 = arith.addi %add3A_139, %add3A_224 : i32
        %dma_start3A_226 = arith.constant 0 : i32
        %dma_start3A_227 = tpu.memref_slice %arg11[%add3A_225, %dma_start3A_226] : memref<80x125xi32, #tpu.memory_space<vmem>> -> memref<1x125xi32, #tpu.memory_space<vmem>>
        %dma_start3A_228 = tpu.memref_squeeze %dma_start3A_227 : memref<1x125xi32, #tpu.memory_space<vmem>> -> memref<125xi32, #tpu.memory_space<vmem>>
        %dma_start3A_229 = arith.constant 0 : i32
        %dma_start3A_230 = arith.constant 0 : i32
        %dma_start3A_231 = tpu.memref_slice %arg2[%dma_start3A_229, %dma_start3A_230] : memref<10000x80xf32, #tpu.memory_space<hbm>> -> memref<10000x80xf32, #tpu.memory_space<hbm>>
        tpu.enqueue_indirect_dma source(%dma_start3A_231 : memref<10000x80xf32, #tpu.memory_space<hbm>>) target(%arg6 : memref<125x80xf32, #tpu.memory_space<vmem>>) offsets(%dma_start3A_228 : memref<125xi32, #tpu.memory_space<vmem>>) semaphore(%arg15 : memref<!tpu.dma_semaphore, #tpu.memory_space<semaphore_mem>>)
      } else {
      }
      %mul3A_165 = arith.constant 5 : i32
      %mul3A_166 = arith.muli %scan3A_80, %mul3A_165 : i32
      %add3A_167 = arith.constant 3 : i32
      %add3A_168 = arith.addi %mul3A_166, %add3A_167 : i32
      %dma_wait3A_169 = arith.constant 0 : i32
      %dma_wait3A_170 = arith.constant 0 : i32
      %dma_wait3A_171 = tpu.memref_slice %arg2[%dma_wait3A_169, %dma_wait3A_170] : memref<10000x80xf32, #tpu.memory_space<hbm>> -> memref<125x80xf32, #tpu.memory_space<hbm>>
      %dma_wait3A_172 = arith.constant 0 : i32
      %dma_wait3A_173 = arith.constant 0 : i32
      %dma_wait3A_174 = tpu.memref_slice %arg2[%dma_wait3A_172, %dma_wait3A_173] : memref<10000x80xf32, #tpu.memory_space<hbm>> -> memref<125x80xf32, #tpu.memory_space<hbm>>
      tpu.wait_dma2 semaphore(%arg18 : memref<!tpu.dma_semaphore, #tpu.memory_space<semaphore_mem>>) src(%dma_wait3A_174 : memref<125x80xf32, #tpu.memory_space<hbm>>) dst(%arg9 : memref<125x80xf32, #tpu.memory_space<vmem>>)
      %dma_start3A_175 = arith.constant 0 : i32
      %dma_start3A_176 = tpu.memref_slice %arg12[%add3A_168, %dma_start3A_175] : memref<80x125xi32, #tpu.memory_space<vmem>> -> memref<1x125xi32, #tpu.memory_space<vmem>>
      %dma_start3A_177 = tpu.memref_squeeze %dma_start3A_176 : memref<1x125xi32, #tpu.memory_space<vmem>> -> memref<125xi32, #tpu.memory_space<vmem>>
      %dma_start3A_178 = arith.constant 0 : i32
      %dma_start3A_179 = arith.constant 0 : i32
      %dma_start3A_180 = tpu.memref_slice %arg14[%dma_start3A_178, %dma_start3A_179] : memref<10000x80xf32, #tpu.memory_space<vmem_shared>> -> memref<10000x80xf32, #tpu.memory_space<vmem_shared>>
      tpu.enqueue_indirect_dma source(%arg9 : memref<125x80xf32, #tpu.memory_space<vmem>>) target(%dma_start3A_180 : memref<10000x80xf32, #tpu.memory_space<vmem_shared>>) offsets(%dma_start3A_177 : memref<125xi32, #tpu.memory_space<vmem>>) semaphore(%arg23 : memref<!tpu.dma_semaphore, #tpu.memory_space<semaphore_mem>>) {add = true}
      %dma_wait3A_181 = arith.constant 0 : i32
      %dma_wait3A_182 = arith.constant 0 : i32
      %dma_wait3A_183 = tpu.memref_slice %arg14[%dma_wait3A_181, %dma_wait3A_182] : memref<10000x80xf32, #tpu.memory_space<vmem_shared>> -> memref<125x80xf32, #tpu.memory_space<vmem_shared>>
      %dma_wait3A_184 = arith.constant 0 : i32
      %dma_wait3A_185 = arith.constant 0 : i32
      %dma_wait3A_186 = tpu.memref_slice %arg14[%dma_wait3A_184, %dma_wait3A_185] : memref<10000x80xf32, #tpu.memory_space<vmem_shared>> -> memref<125x80xf32, #tpu.memory_space<vmem_shared>>
      tpu.wait_dma2 semaphore(%arg23 : memref<!tpu.dma_semaphore, #tpu.memory_space<semaphore_mem>>) src(%arg9 : memref<125x80xf32, #tpu.memory_space<vmem>>) dst(%dma_wait3A_186 : memref<125x80xf32, #tpu.memory_space<vmem_shared>>)
      %add3A_187 = arith.constant 3 : i32
      %add3A_188 = arith.addi %add3A_168, %add3A_187 : i32
      %lt3A_189 = arith.constant 80 : i32
      %lt3A_190 = arith.cmpi slt, %add3A_188, %lt3A_189 : i32
      %convert_element_type3A_191 = arith.extui %lt3A_190 : i1 to i32
      %cond3A_192 = arith.constant 0 : i32
      %cond3A_193 = arith.cmpi ne, %convert_element_type3A_191, %cond3A_192 : i32
      scf.if %cond3A_193 {
        %add3A_224 = arith.constant 3 : i32
        %add3A_225 = arith.addi %add3A_168, %add3A_224 : i32
        %dma_start3A_226 = arith.constant 0 : i32
        %dma_start3A_227 = tpu.memref_slice %arg11[%add3A_225, %dma_start3A_226] : memref<80x125xi32, #tpu.memory_space<vmem>> -> memref<1x125xi32, #tpu.memory_space<vmem>>
        %dma_start3A_228 = tpu.memref_squeeze %dma_start3A_227 : memref<1x125xi32, #tpu.memory_space<vmem>> -> memref<125xi32, #tpu.memory_space<vmem>>
        %dma_start3A_229 = arith.constant 0 : i32
        %dma_start3A_230 = arith.constant 0 : i32
        %dma_start3A_231 = tpu.memref_slice %arg2[%dma_start3A_229, %dma_start3A_230] : memref<10000x80xf32, #tpu.memory_space<hbm>> -> memref<10000x80xf32, #tpu.memory_space<hbm>>
        tpu.enqueue_indirect_dma source(%dma_start3A_231 : memref<10000x80xf32, #tpu.memory_space<hbm>>) target(%arg7 : memref<125x80xf32, #tpu.memory_space<vmem>>) offsets(%dma_start3A_228 : memref<125xi32, #tpu.memory_space<vmem>>) semaphore(%arg16 : memref<!tpu.dma_semaphore, #tpu.memory_space<semaphore_mem>>)
      } else {
      }
      %mul3A_194 = arith.constant 5 : i32
      %mul3A_195 = arith.muli %scan3A_80, %mul3A_194 : i32
      %add3A_196 = arith.constant 4 : i32
      %add3A_197 = arith.addi %mul3A_195, %add3A_196 : i32
      %dma_wait3A_198 = arith.constant 0 : i32
      %dma_wait3A_199 = arith.constant 0 : i32
      %dma_wait3A_200 = tpu.memref_slice %arg2[%dma_wait3A_198, %dma_wait3A_199] : memref<10000x80xf32, #tpu.memory_space<hbm>> -> memref<125x80xf32, #tpu.memory_space<hbm>>
      %dma_wait3A_201 = arith.constant 0 : i32
      %dma_wait3A_202 = arith.constant 0 : i32
      %dma_wait3A_203 = tpu.memref_slice %arg2[%dma_wait3A_201, %dma_wait3A_202] : memref<10000x80xf32, #tpu.memory_space<hbm>> -> memref<125x80xf32, #tpu.memory_space<hbm>>
      tpu.wait_dma2 semaphore(%arg19 : memref<!tpu.dma_semaphore, #tpu.memory_space<semaphore_mem>>) src(%dma_wait3A_203 : memref<125x80xf32, #tpu.memory_space<hbm>>) dst(%arg10 : memref<125x80xf32, #tpu.memory_space<vmem>>)
      %dma_start3A_204 = arith.constant 0 : i32
      %dma_start3A_205 = tpu.memref_slice %arg12[%add3A_197, %dma_start3A_204] : memref<80x125xi32, #tpu.memory_space<vmem>> -> memref<1x125xi32, #tpu.memory_space<vmem>>
      %dma_start3A_206 = tpu.memref_squeeze %dma_start3A_205 : memref<1x125xi32, #tpu.memory_space<vmem>> -> memref<125xi32, #tpu.memory_space<vmem>>
      %dma_start3A_207 = arith.constant 0 : i32
      %dma_start3A_208 = arith.constant 0 : i32
      %dma_start3A_209 = tpu.memref_slice %arg14[%dma_start3A_207, %dma_start3A_208] : memref<10000x80xf32, #tpu.memory_space<vmem_shared>> -> memref<10000x80xf32, #tpu.memory_space<vmem_shared>>
      tpu.enqueue_indirect_dma source(%arg10 : memref<125x80xf32, #tpu.memory_space<vmem>>) target(%dma_start3A_209 : memref<10000x80xf32, #tpu.memory_space<vmem_shared>>) offsets(%dma_start3A_206 : memref<125xi32, #tpu.memory_space<vmem>>) semaphore(%arg24 : memref<!tpu.dma_semaphore, #tpu.memory_space<semaphore_mem>>) {add = true}
      %dma_wait3A_210 = arith.constant 0 : i32
      %dma_wait3A_211 = arith.constant 0 : i32
      %dma_wait3A_212 = tpu.memref_slice %arg14[%dma_wait3A_210, %dma_wait3A_211] : memref<10000x80xf32, #tpu.memory_space<vmem_shared>> -> memref<125x80xf32, #tpu.memory_space<vmem_shared>>
      %dma_wait3A_213 = arith.constant 0 : i32
      %dma_wait3A_214 = arith.constant 0 : i32
      %dma_wait3A_215 = tpu.memref_slice %arg14[%dma_wait3A_213, %dma_wait3A_214] : memref<10000x80xf32, #tpu.memory_space<vmem_shared>> -> memref<125x80xf32, #tpu.memory_space<vmem_shared>>
      tpu.wait_dma2 semaphore(%arg24 : memref<!tpu.dma_semaphore, #tpu.memory_space<semaphore_mem>>) src(%arg10 : memref<125x80xf32, #tpu.memory_space<vmem>>) dst(%dma_wait3A_215 : memref<125x80xf32, #tpu.memory_space<vmem_shared>>)
      %add3A_216 = arith.constant 3 : i32
      %add3A_217 = arith.addi %add3A_197, %add3A_216 : i32
      %lt3A_218 = arith.constant 80 : i32
      %lt3A_219 = arith.cmpi slt, %add3A_217, %lt3A_218 : i32
      %convert_element_type3A_220 = arith.extui %lt3A_219 : i1 to i32
      %cond3A_221 = arith.constant 0 : i32
      %cond3A_222 = arith.cmpi ne, %convert_element_type3A_220, %cond3A_221 : i32
      scf.if %cond3A_222 {
        %add3A_224 = arith.constant 3 : i32
        %add3A_225 = arith.addi %add3A_197, %add3A_224 : i32
        %dma_start3A_226 = arith.constant 0 : i32
        %dma_start3A_227 = tpu.memref_slice %arg11[%add3A_225, %dma_start3A_226] : memref<80x125xi32, #tpu.memory_space<vmem>> -> memref<1x125xi32, #tpu.memory_space<vmem>>
        %dma_start3A_228 = tpu.memref_squeeze %dma_start3A_227 : memref<1x125xi32, #tpu.memory_space<vmem>> -> memref<125xi32, #tpu.memory_space<vmem>>
        %dma_start3A_229 = arith.constant 0 : i32
        %dma_start3A_230 = arith.constant 0 : i32
        %dma_start3A_231 = tpu.memref_slice %arg2[%dma_start3A_229, %dma_start3A_230] : memref<10000x80xf32, #tpu.memory_space<hbm>> -> memref<10000x80xf32, #tpu.memory_space<hbm>>
        tpu.enqueue_indirect_dma source(%dma_start3A_231 : memref<10000x80xf32, #tpu.memory_space<hbm>>) target(%arg8 : memref<125x80xf32, #tpu.memory_space<vmem>>) offsets(%dma_start3A_228 : memref<125xi32, #tpu.memory_space<vmem>>) semaphore(%arg17 : memref<!tpu.dma_semaphore, #tpu.memory_space<semaphore_mem>>)
      } else {
      }
      %scan3A_223 = arith.constant 0 : i32
      scf.yield %scan3A_223 : i32
    }
    %scan3A_58 = arith.constant 16 : i32
    %barrier3A_59 = arith.constant 0 : index
    tpu.barrier barrier_id(%barrier3A_59)
    %mul3A_60 = arith.constant 625 : i32
    %mul3A_61 = arith.muli %arg1, %mul3A_60 : i32
    %add3A_62 = arith.constant 0 : i32
    %add3A_63 = arith.addi %mul3A_61, %add3A_62 : i32
    "tpu.region"() ({
      %run_scoped3A = tpu.sem_alloc : memref<!tpu.dma_semaphore, #tpu.memory_space<semaphore_mem>>
      %dma_start3A_80 = arith.constant 0 : i32
      %dma_start3A_81 = tpu.memref_slice %arg5[%arg0, %add3A_63, %dma_start3A_80] : memref<2x10000x128xf32, #tpu.memory_space<hbm>> -> memref<1x125x80xf32, #tpu.memory_space<hbm>>
      %dma_start3A_82 = tpu.memref_squeeze %dma_start3A_81 : memref<1x125x80xf32, #tpu.memory_space<hbm>> -> memref<125x80xf32, #tpu.memory_space<hbm>>
      %dma_start3A_83 = arith.constant 0 : i32
      %dma_start3A_84 = tpu.memref_slice %arg14[%add3A_63, %dma_start3A_83] : memref<10000x80xf32, #tpu.memory_space<vmem_shared>> -> memref<125x80xf32, #tpu.memory_space<vmem_shared>>
      tpu.enqueue_dma source(%dma_start3A_84 : memref<125x80xf32, #tpu.memory_space<vmem_shared>>) target(%dma_start3A_82 : memref<125x80xf32, #tpu.memory_space<hbm>>) target_semaphore(%run_scoped3A : memref<!tpu.dma_semaphore, #tpu.memory_space<semaphore_mem>>)
      %dma_wait3A = arith.constant 0 : i32
      %dma_wait3A_85 = tpu.memref_slice %arg5[%arg0, %add3A_63, %dma_wait3A] : memref<2x10000x128xf32, #tpu.memory_space<hbm>> -> memref<1x125x80xf32, #tpu.memory_space<hbm>>
      %dma_wait3A_86 = tpu.memref_squeeze %dma_wait3A_85 : memref<1x125x80xf32, #tpu.memory_space<hbm>> -> memref<125x80xf32, #tpu.memory_space<hbm>>
      %dma_wait3A_87 = arith.constant 0 : i32
      %dma_wait3A_88 = tpu.memref_slice %arg14[%add3A_63, %dma_wait3A_87] : memref<10000x80xf32, #tpu.memory_space<vmem_shared>> -> memref<125x80xf32, #tpu.memory_space<vmem_shared>>
      tpu.wait_dma2 semaphore(%run_scoped3A : memref<!tpu.dma_semaphore, #tpu.memory_space<semaphore_mem>>) src(%dma_wait3A_88 : memref<125x80xf32, #tpu.memory_space<vmem_shared>>) dst(%dma_wait3A_86 : memref<125x80xf32, #tpu.memory_space<hbm>>)
      tpu.yield
    }) : () -> ()
    %mul3A_64 = arith.constant 625 : i32
    %mul3A_65 = arith.muli %arg1, %mul3A_64 : i32
    %add3A_66 = arith.constant 125 : i32
    %add3A_67 = arith.addi %mul3A_65, %add3A_66 : i32
    "tpu.region"() ({
      %run_scoped3A = tpu.sem_alloc : memref<!tpu.dma_semaphore, #tpu.memory_space<semaphore_mem>>
      %dma_start3A_80 = arith.constant 0 : i32
      %dma_start3A_81 = tpu.memref_slice %arg5[%arg0, %add3A_67, %dma_start3A_80] : memref<2x10000x128xf32, #tpu.memory_space<hbm>> -> memref<1x125x80xf32, #tpu.memory_space<hbm>>
      %dma_start3A_82 = tpu.memref_squeeze %dma_start3A_81 : memref<1x125x80xf32, #tpu.memory_space<hbm>> -> memref<125x80xf32, #tpu.memory_space<hbm>>
      %dma_start3A_83 = arith.constant 0 : i32
      %dma_start3A_84 = tpu.memref_slice %arg14[%add3A_67, %dma_start3A_83] : memref<10000x80xf32, #tpu.memory_space<vmem_shared>> -> memref<125x80xf32, #tpu.memory_space<vmem_shared>>
      tpu.enqueue_dma source(%dma_start3A_84 : memref<125x80xf32, #tpu.memory_space<vmem_shared>>) target(%dma_start3A_82 : memref<125x80xf32, #tpu.memory_space<hbm>>) target_semaphore(%run_scoped3A : memref<!tpu.dma_semaphore, #tpu.memory_space<semaphore_mem>>)
      %dma_wait3A = arith.constant 0 : i32
      %dma_wait3A_85 = tpu.memref_slice %arg5[%arg0, %add3A_67, %dma_wait3A] : memref<2x10000x128xf32, #tpu.memory_space<hbm>> -> memref<1x125x80xf32, #tpu.memory_space<hbm>>
      %dma_wait3A_86 = tpu.memref_squeeze %dma_wait3A_85 : memref<1x125x80xf32, #tpu.memory_space<hbm>> -> memref<125x80xf32, #tpu.memory_space<hbm>>
      %dma_wait3A_87 = arith.constant 0 : i32
      %dma_wait3A_88 = tpu.memref_slice %arg14[%add3A_67, %dma_wait3A_87] : memref<10000x80xf32, #tpu.memory_space<vmem_shared>> -> memref<125x80xf32, #tpu.memory_space<vmem_shared>>
      tpu.wait_dma2 semaphore(%run_scoped3A : memref<!tpu.dma_semaphore, #tpu.memory_space<semaphore_mem>>) src(%dma_wait3A_88 : memref<125x80xf32, #tpu.memory_space<vmem_shared>>) dst(%dma_wait3A_86 : memref<125x80xf32, #tpu.memory_space<hbm>>)
      tpu.yield
    }) : () -> ()
    %mul3A_68 = arith.constant 625 : i32
    %mul3A_69 = arith.muli %arg1, %mul3A_68 : i32
    %add3A_70 = arith.constant 250 : i32
    %add3A_71 = arith.addi %mul3A_69, %add3A_70 : i32
    "tpu.region"() ({
      %run_scoped3A = tpu.sem_alloc : memref<!tpu.dma_semaphore, #tpu.memory_space<semaphore_mem>>
      %dma_start3A_80 = arith.constant 0 : i32
      %dma_start3A_81 = tpu.memref_slice %arg5[%arg0, %add3A_71, %dma_start3A_80] : memref<2x10000x128xf32, #tpu.memory_space<hbm>> -> memref<1x125x80xf32, #tpu.memory_space<hbm>>
      %dma_start3A_82 = tpu.memref_squeeze %dma_start3A_81 : memref<1x125x80xf32, #tpu.memory_space<hbm>> -> memref<125x80xf32, #tpu.memory_space<hbm>>
      %dma_start3A_83 = arith.constant 0 : i32
      %dma_start3A_84 = tpu.memref_slice %arg14[%add3A_71, %dma_start3A_83] : memref<10000x80xf32, #tpu.memory_space<vmem_shared>> -> memref<125x80xf32, #tpu.memory_space<vmem_shared>>
      tpu.enqueue_dma source(%dma_start3A_84 : memref<125x80xf32, #tpu.memory_space<vmem_shared>>) target(%dma_start3A_82 : memref<125x80xf32, #tpu.memory_space<hbm>>) target_semaphore(%run_scoped3A : memref<!tpu.dma_semaphore, #tpu.memory_space<semaphore_mem>>)
      %dma_wait3A = arith.constant 0 : i32
      %dma_wait3A_85 = tpu.memref_slice %arg5[%arg0, %add3A_71, %dma_wait3A] : memref<2x10000x128xf32, #tpu.memory_space<hbm>> -> memref<1x125x80xf32, #tpu.memory_space<hbm>>
      %dma_wait3A_86 = tpu.memref_squeeze %dma_wait3A_85 : memref<1x125x80xf32, #tpu.memory_space<hbm>> -> memref<125x80xf32, #tpu.memory_space<hbm>>
      %dma_wait3A_87 = arith.constant 0 : i32
      %dma_wait3A_88 = tpu.memref_slice %arg14[%add3A_71, %dma_wait3A_87] : memref<10000x80xf32, #tpu.memory_space<vmem_shared>> -> memref<125x80xf32, #tpu.memory_space<vmem_shared>>
      tpu.wait_dma2 semaphore(%run_scoped3A : memref<!tpu.dma_semaphore, #tpu.memory_space<semaphore_mem>>) src(%dma_wait3A_88 : memref<125x80xf32, #tpu.memory_space<vmem_shared>>) dst(%dma_wait3A_86 : memref<125x80xf32, #tpu.memory_space<hbm>>)
      tpu.yield
    }) : () -> ()
    %mul3A_72 = arith.constant 625 : i32
    %mul3A_73 = arith.muli %arg1, %mul3A_72 : i32
    %add3A_74 = arith.constant 375 : i32
    %add3A_75 = arith.addi %mul3A_73, %add3A_74 : i32
    "tpu.region"() ({
      %run_scoped3A = tpu.sem_alloc : memref<!tpu.dma_semaphore, #tpu.memory_space<semaphore_mem>>
      %dma_start3A_80 = arith.constant 0 : i32
      %dma_start3A_81 = tpu.memref_slice %arg5[%arg0, %add3A_75, %dma_start3A_80] : memref<2x10000x128xf32, #tpu.memory_space<hbm>> -> memref<1x125x80xf32, #tpu.memory_space<hbm>>
      %dma_start3A_82 = tpu.memref_squeeze %dma_start3A_81 : memref<1x125x80xf32, #tpu.memory_space<hbm>> -> memref<125x80xf32, #tpu.memory_space<hbm>>
      %dma_start3A_83 = arith.constant 0 : i32
      %dma_start3A_84 = tpu.memref_slice %arg14[%add3A_75, %dma_start3A_83] : memref<10000x80xf32, #tpu.memory_space<vmem_shared>> -> memref<125x80xf32, #tpu.memory_space<vmem_shared>>
      tpu.enqueue_dma source(%dma_start3A_84 : memref<125x80xf32, #tpu.memory_space<vmem_shared>>) target(%dma_start3A_82 : memref<125x80xf32, #tpu.memory_space<hbm>>) target_semaphore(%run_scoped3A : memref<!tpu.dma_semaphore, #tpu.memory_space<semaphore_mem>>)
      %dma_wait3A = arith.constant 0 : i32
      %dma_wait3A_85 = tpu.memref_slice %arg5[%arg0, %add3A_75, %dma_wait3A] : memref<2x10000x128xf32, #tpu.memory_space<hbm>> -> memref<1x125x80xf32, #tpu.memory_space<hbm>>
      %dma_wait3A_86 = tpu.memref_squeeze %dma_wait3A_85 : memref<1x125x80xf32, #tpu.memory_space<hbm>> -> memref<125x80xf32, #tpu.memory_space<hbm>>
      %dma_wait3A_87 = arith.constant 0 : i32
      %dma_wait3A_88 = tpu.memref_slice %arg14[%add3A_75, %dma_wait3A_87] : memref<10000x80xf32, #tpu.memory_space<vmem_shared>> -> memref<125x80xf32, #tpu.memory_space<vmem_shared>>
      tpu.wait_dma2 semaphore(%run_scoped3A : memref<!tpu.dma_semaphore, #tpu.memory_space<semaphore_mem>>) src(%dma_wait3A_88 : memref<125x80xf32, #tpu.memory_space<vmem_shared>>) dst(%dma_wait3A_86 : memref<125x80xf32, #tpu.memory_space<hbm>>)
      tpu.yield
    }) : () -> ()
    %mul3A_76 = arith.constant 625 : i32
    %mul3A_77 = arith.muli %arg1, %mul3A_76 : i32
    %add3A_78 = arith.constant 500 : i32
    %add3A_79 = arith.addi %mul3A_77, %add3A_78 : i32
    "tpu.region"() ({
      %run_scoped3A = tpu.sem_alloc : memref<!tpu.dma_semaphore, #tpu.memory_space<semaphore_mem>>
      %dma_start3A_80 = arith.constant 0 : i32
      %dma_start3A_81 = tpu.memref_slice %arg5[%arg0, %add3A_79, %dma_start3A_80] : memref<2x10000x128xf32, #tpu.memory_space<hbm>> -> memref<1x125x80xf32, #tpu.memory_space<hbm>>
      %dma_start3A_82 = tpu.memref_squeeze %dma_start3A_81 : memref<1x125x80xf32, #tpu.memory_space<hbm>> -> memref<125x80xf32, #tpu.memory_space<hbm>>
      %dma_start3A_83 = arith.constant 0 : i32
      %dma_start3A_84 = tpu.memref_slice %arg14[%add3A_79, %dma_start3A_83] : memref<10000x80xf32, #tpu.memory_space<vmem_shared>> -> memref<125x80xf32, #tpu.memory_space<vmem_shared>>
      tpu.enqueue_dma source(%dma_start3A_84 : memref<125x80xf32, #tpu.memory_space<vmem_shared>>) target(%dma_start3A_82 : memref<125x80xf32, #tpu.memory_space<hbm>>) target_semaphore(%run_scoped3A : memref<!tpu.dma_semaphore, #tpu.memory_space<semaphore_mem>>)
      %dma_wait3A = arith.constant 0 : i32
      %dma_wait3A_85 = tpu.memref_slice %arg5[%arg0, %add3A_79, %dma_wait3A] : memref<2x10000x128xf32, #tpu.memory_space<hbm>> -> memref<1x125x80xf32, #tpu.memory_space<hbm>>
      %dma_wait3A_86 = tpu.memref_squeeze %dma_wait3A_85 : memref<1x125x80xf32, #tpu.memory_space<hbm>> -> memref<125x80xf32, #tpu.memory_space<hbm>>
      %dma_wait3A_87 = arith.constant 0 : i32
      %dma_wait3A_88 = tpu.memref_slice %arg14[%add3A_79, %dma_wait3A_87] : memref<10000x80xf32, #tpu.memory_space<vmem_shared>> -> memref<125x80xf32, #tpu.memory_space<vmem_shared>>
      tpu.wait_dma2 semaphore(%run_scoped3A : memref<!tpu.dma_semaphore, #tpu.memory_space<semaphore_mem>>) src(%dma_wait3A_88 : memref<125x80xf32, #tpu.memory_space<vmem_shared>>) dst(%dma_wait3A_86 : memref<125x80xf32, #tpu.memory_space<hbm>>)
      tpu.yield
    }) : () -> ()
    return
  }
}

#map = affine_map<(d0, d1) -> (0, 0, 0)>
#map1 = affine_map<(d0, d1) -> (0, 0)>
#map2 = affine_map<(d0, d1) -> (0)>
module attributes {stable_mosaic.version = 14 : i64} {
  func.func @k(%arg0: i32, %arg1: i32, %arg2: memref<2x10000x128xf32, #tpu.memory_space<hbm>>, %arg3: memref<10000x16xf32, #tpu.memory_space<hbm>>, %arg4: memref<10000x16xf32, #tpu.memory_space<hbm>>, %arg5: memref<1024xi32, #tpu.memory_space<hbm>>, %arg6: memref<1024x16xf32, #tpu.memory_space<hbm>>, %arg7: memref<32xi32, #tpu.memory_space<vmem>>, %arg8: memref<32x128xf32, #tpu.memory_space<vmem>>, %arg9: memref<32x128xf32, #tpu.memory_space<vmem>>, %arg10: memref<32x16xf32, #tpu.memory_space<vmem>>, %arg11: memref<32x16xf32, #tpu.memory_space<vmem>>, %arg12: memref<32x16xf32, #tpu.memory_space<vmem>>, %arg13: memref<!tpu.dma_semaphore, #tpu.memory_space<semaphore_mem>>) attributes {dimension_semantics = [#tpu.dimension_semantics<core_parallel>, #tpu.dimension_semantics<subcore_parallel>], iteration_bounds = array<i64: 2, 16>, scalar_prefetch = 0 : i64, scratch_operands = 7 : i64, tpu.core_type = #tpu.core_type<sc_vector_subcore>, window_params = [{transform_indices = #map}, {transform_indices = #map1}, {transform_indices = #map1}, {transform_indices = #map2}, {transform_indices = #map1}]} {
    %mul3A = arith.constant 16 : i32
    %mul3A_0 = arith.muli %arg0, %mul3A : i32
    %add3A = arith.addi %mul3A_0, %arg1 : i32
    %mul3A_1 = arith.constant 32 : i32
    %mul3A_2 = arith.muli %add3A, %mul3A_1 : i32
    "tpu.region"() ({
      %run_scoped3A = tpu.sem_alloc : memref<!tpu.dma_semaphore, #tpu.memory_space<semaphore_mem>>
      %dma_start3A_53 = tpu.memref_slice %arg5[%mul3A_2] : memref<1024xi32, #tpu.memory_space<hbm>> -> memref<32xi32, #tpu.memory_space<hbm>>
      %dma_start3A_54 = tpu.memref_slice %arg5[%mul3A_2] : memref<1024xi32, #tpu.memory_space<hbm>> -> memref<32xi32, #tpu.memory_space<hbm>>
      tpu.enqueue_dma source(%dma_start3A_54 : memref<32xi32, #tpu.memory_space<hbm>>) target(%arg7 : memref<32xi32, #tpu.memory_space<vmem>>) target_semaphore(%run_scoped3A : memref<!tpu.dma_semaphore, #tpu.memory_space<semaphore_mem>>)
      %dma_wait3A_55 = tpu.memref_slice %arg5[%mul3A_2] : memref<1024xi32, #tpu.memory_space<hbm>> -> memref<32xi32, #tpu.memory_space<hbm>>
      %dma_wait3A_56 = tpu.memref_slice %arg5[%mul3A_2] : memref<1024xi32, #tpu.memory_space<hbm>> -> memref<32xi32, #tpu.memory_space<hbm>>
      tpu.wait_dma2 semaphore(%run_scoped3A : memref<!tpu.dma_semaphore, #tpu.memory_space<semaphore_mem>>) src(%dma_wait3A_56 : memref<32xi32, #tpu.memory_space<hbm>>) dst(%arg7 : memref<32xi32, #tpu.memory_space<vmem>>)
      tpu.yield
    }) : () -> ()
    %dma_start3A = arith.constant 0 : i32
    %dma_start3A_3 = arith.constant 0 : i32
    %dma_start3A_4 = arith.constant 0 : i32
    %dma_start3A_5 = tpu.memref_slice %arg2[%dma_start3A, %dma_start3A_3, %dma_start3A_4] : memref<2x10000x128xf32, #tpu.memory_space<hbm>> -> memref<1x10000x128xf32, #tpu.memory_space<hbm>>
    %dma_start3A_6 = tpu.memref_squeeze %dma_start3A_5 : memref<1x10000x128xf32, #tpu.memory_space<hbm>> -> memref<10000x128xf32, #tpu.memory_space<hbm>>
    %dma_start3A_7 = arith.constant 0 : i32
    %dma_start3A_8 = arith.constant 0 : i32
    %dma_start3A_9 = tpu.memref_slice %dma_start3A_6[%dma_start3A_7, %dma_start3A_8] : memref<10000x128xf32, #tpu.memory_space<hbm>> -> memref<10000x128xf32, #tpu.memory_space<hbm>>
    tpu.enqueue_indirect_dma source(%dma_start3A_9 : memref<10000x128xf32, #tpu.memory_space<hbm>>) target(%arg8 : memref<32x128xf32, #tpu.memory_space<vmem>>) offsets(%arg7 : memref<32xi32, #tpu.memory_space<vmem>>) semaphore(%arg13 : memref<!tpu.dma_semaphore, #tpu.memory_space<semaphore_mem>>)
    %dma_start3A_10 = arith.constant 1 : i32
    %dma_start3A_11 = arith.constant 0 : i32
    %dma_start3A_12 = arith.constant 0 : i32
    %dma_start3A_13 = tpu.memref_slice %arg2[%dma_start3A_10, %dma_start3A_11, %dma_start3A_12] : memref<2x10000x128xf32, #tpu.memory_space<hbm>> -> memref<1x10000x128xf32, #tpu.memory_space<hbm>>
    %dma_start3A_14 = tpu.memref_squeeze %dma_start3A_13 : memref<1x10000x128xf32, #tpu.memory_space<hbm>> -> memref<10000x128xf32, #tpu.memory_space<hbm>>
    %dma_start3A_15 = arith.constant 0 : i32
    %dma_start3A_16 = arith.constant 0 : i32
    %dma_start3A_17 = tpu.memref_slice %dma_start3A_14[%dma_start3A_15, %dma_start3A_16] : memref<10000x128xf32, #tpu.memory_space<hbm>> -> memref<10000x128xf32, #tpu.memory_space<hbm>>
    tpu.enqueue_indirect_dma source(%dma_start3A_17 : memref<10000x128xf32, #tpu.memory_space<hbm>>) target(%arg9 : memref<32x128xf32, #tpu.memory_space<vmem>>) offsets(%arg7 : memref<32xi32, #tpu.memory_space<vmem>>) semaphore(%arg13 : memref<!tpu.dma_semaphore, #tpu.memory_space<semaphore_mem>>)
    %dma_start3A_18 = arith.constant 0 : i32
    %dma_start3A_19 = arith.constant 0 : i32
    %dma_start3A_20 = tpu.memref_slice %arg3[%dma_start3A_18, %dma_start3A_19] : memref<10000x16xf32, #tpu.memory_space<hbm>> -> memref<10000x16xf32, #tpu.memory_space<hbm>>
    tpu.enqueue_indirect_dma source(%dma_start3A_20 : memref<10000x16xf32, #tpu.memory_space<hbm>>) target(%arg10 : memref<32x16xf32, #tpu.memory_space<vmem>>) offsets(%arg7 : memref<32xi32, #tpu.memory_space<vmem>>) semaphore(%arg13 : memref<!tpu.dma_semaphore, #tpu.memory_space<semaphore_mem>>)
    %dma_start3A_21 = arith.constant 0 : i32
    %dma_start3A_22 = arith.constant 0 : i32
    %dma_start3A_23 = tpu.memref_slice %arg4[%dma_start3A_21, %dma_start3A_22] : memref<10000x16xf32, #tpu.memory_space<hbm>> -> memref<10000x16xf32, #tpu.memory_space<hbm>>
    tpu.enqueue_indirect_dma source(%dma_start3A_23 : memref<10000x16xf32, #tpu.memory_space<hbm>>) target(%arg11 : memref<32x16xf32, #tpu.memory_space<vmem>>) offsets(%arg7 : memref<32xi32, #tpu.memory_space<vmem>>) semaphore(%arg13 : memref<!tpu.dma_semaphore, #tpu.memory_space<semaphore_mem>>)
    %dma_wait3A = arith.constant 0 : i32
    %dma_wait3A_24 = arith.constant 0 : i32
    %dma_wait3A_25 = arith.constant 0 : i32
    %dma_wait3A_26 = tpu.memref_slice %arg2[%dma_wait3A, %dma_wait3A_24, %dma_wait3A_25] : memref<2x10000x128xf32, #tpu.memory_space<hbm>> -> memref<1x10000x128xf32, #tpu.memory_space<hbm>>
    %dma_wait3A_27 = tpu.memref_squeeze %dma_wait3A_26 : memref<1x10000x128xf32, #tpu.memory_space<hbm>> -> memref<10000x128xf32, #tpu.memory_space<hbm>>
    %dma_wait3A_28 = arith.constant 0 : i32
    %dma_wait3A_29 = arith.constant 0 : i32
    %dma_wait3A_30 = tpu.memref_slice %dma_wait3A_27[%dma_wait3A_28, %dma_wait3A_29] : memref<10000x128xf32, #tpu.memory_space<hbm>> -> memref<10000x128xf32, #tpu.memory_space<hbm>>
    tpu.wait_indirect_dma semaphore(%arg13 : memref<!tpu.dma_semaphore, #tpu.memory_space<semaphore_mem>>) src(%dma_wait3A_30 : memref<10000x128xf32, #tpu.memory_space<hbm>>) dst(%arg8 : memref<32x128xf32, #tpu.memory_space<vmem>>)
    %dma_wait3A_31 = arith.constant 1 : i32
    %dma_wait3A_32 = arith.constant 0 : i32
    %dma_wait3A_33 = arith.constant 0 : i32
    %dma_wait3A_34 = tpu.memref_slice %arg2[%dma_wait3A_31, %dma_wait3A_32, %dma_wait3A_33] : memref<2x10000x128xf32, #tpu.memory_space<hbm>> -> memref<1x10000x128xf32, #tpu.memory_space<hbm>>
    %dma_wait3A_35 = tpu.memref_squeeze %dma_wait3A_34 : memref<1x10000x128xf32, #tpu.memory_space<hbm>> -> memref<10000x128xf32, #tpu.memory_space<hbm>>
    %dma_wait3A_36 = arith.constant 0 : i32
    %dma_wait3A_37 = arith.constant 0 : i32
    %dma_wait3A_38 = tpu.memref_slice %dma_wait3A_35[%dma_wait3A_36, %dma_wait3A_37] : memref<10000x128xf32, #tpu.memory_space<hbm>> -> memref<10000x128xf32, #tpu.memory_space<hbm>>
    tpu.wait_indirect_dma semaphore(%arg13 : memref<!tpu.dma_semaphore, #tpu.memory_space<semaphore_mem>>) src(%dma_wait3A_38 : memref<10000x128xf32, #tpu.memory_space<hbm>>) dst(%arg9 : memref<32x128xf32, #tpu.memory_space<vmem>>)
    %dma_wait3A_39 = arith.constant 0 : i32
    %dma_wait3A_40 = arith.constant 0 : i32
    %dma_wait3A_41 = tpu.memref_slice %arg3[%dma_wait3A_39, %dma_wait3A_40] : memref<10000x16xf32, #tpu.memory_space<hbm>> -> memref<10000x16xf32, #tpu.memory_space<hbm>>
    tpu.wait_indirect_dma semaphore(%arg13 : memref<!tpu.dma_semaphore, #tpu.memory_space<semaphore_mem>>) src(%dma_wait3A_41 : memref<10000x16xf32, #tpu.memory_space<hbm>>) dst(%arg10 : memref<32x16xf32, #tpu.memory_space<vmem>>)
    %dma_wait3A_42 = arith.constant 0 : i32
    %dma_wait3A_43 = arith.constant 0 : i32
    %dma_wait3A_44 = tpu.memref_slice %arg4[%dma_wait3A_42, %dma_wait3A_43] : memref<10000x16xf32, #tpu.memory_space<hbm>> -> memref<10000x16xf32, #tpu.memory_space<hbm>>
    tpu.wait_indirect_dma semaphore(%arg13 : memref<!tpu.dma_semaphore, #tpu.memory_space<semaphore_mem>>) src(%dma_wait3A_44 : memref<10000x16xf32, #tpu.memory_space<hbm>>) dst(%arg11 : memref<32x16xf32, #tpu.memory_space<vmem>>)
    %scan3A = arith.constant 0 : i32
    %scan3A_45 = arith.constant 0 : i32
    %scan3A_46 = arith.constant 32 : i32
    %scan3A_47 = arith.addi %scan3A_45, %scan3A_46 : i32
    %scan3A_48 = arith.constant 1 : i32
    %scan3A_49 = scf.for %scan3A_53 = %scan3A_45 to %scan3A_47 step %scan3A_48 iter_args(%scan3A_54 = %scan3A) -> (i32)  : i32 {
      %get3A = arith.index_cast %scan3A_53 : i32 to index
      %get3A_55 = arith.constant 0 : index
      %get3A_56 = tpu.vector_load %arg8[%get3A, %get3A_55] {strides = array<i32>} : memref<32x128xf32, #tpu.memory_space<vmem>>, vector<1x16xf32>,
      %get3A_57 = vector.shape_cast %get3A_56 : vector<1x16xf32> to vector<16xf32>
      %get3A_58 = arith.index_cast %scan3A_53 : i32 to index
      %get3A_59 = arith.constant 0 : index
      %get3A_60 = tpu.vector_load %arg9[%get3A_58, %get3A_59] {strides = array<i32>} : memref<32x128xf32, #tpu.memory_space<vmem>>, vector<1x16xf32>,
      %get3A_61 = vector.shape_cast %get3A_60 : vector<1x16xf32> to vector<16xf32>
      %add3A_62 = arith.addf %get3A_57, %get3A_61 : vector<16xf32>
      %get3A_63 = arith.index_cast %scan3A_53 : i32 to index
      %get3A_64 = arith.constant 0 : index
      %get3A_65 = tpu.vector_load %arg10[%get3A_63, %get3A_64] {strides = array<i32>} : memref<32x16xf32, #tpu.memory_space<vmem>>, vector<1x16xf32>,
      %get3A_66 = vector.shape_cast %get3A_65 : vector<1x16xf32> to vector<16xf32>
      %mul3A_67 = arith.mulf %add3A_62, %get3A_66 : vector<16xf32>
      %get3A_68 = arith.index_cast %scan3A_53 : i32 to index
      %get3A_69 = arith.constant 0 : index
      %get3A_70 = tpu.vector_load %arg11[%get3A_68, %get3A_69] {strides = array<i32>} : memref<32x16xf32, #tpu.memory_space<vmem>>, vector<1x16xf32>,
      %get3A_71 = vector.shape_cast %get3A_70 : vector<1x16xf32> to vector<16xf32>
      %add3A_72 = arith.addf %mul3A_67, %get3A_71 : vector<16xf32>
      %swap3A = arith.index_cast %scan3A_53 : i32 to index
      %swap3A_73 = arith.constant 0 : index
      %swap3A_74 = tpu.vector_load %arg12[%swap3A, %swap3A_73] {strides = array<i32>} : memref<32x16xf32, #tpu.memory_space<vmem>>, vector<1x16xf32>,
      %swap3A_75 = vector.shape_cast %swap3A_74 : vector<1x16xf32> to vector<16xf32>
      %swap3A_76 = vector.shape_cast %add3A_72 : vector<16xf32> to vector<1x16xf32>
      tpu.vector_store %arg12[%swap3A, %swap3A_73], %swap3A_76 {strides = array<i32>} : memref<32x16xf32, #tpu.memory_space<vmem>>, vector<1x16xf32>,
      %scan3A_77 = arith.constant 0 : i32
      scf.yield %scan3A_77 : i32
    }
    %scan3A_50 = arith.constant 32 : i32
    %mul3A_51 = arith.constant 32 : i32
    %mul3A_52 = arith.muli %add3A, %mul3A_51 : i32
    "tpu.region"() ({
      %run_scoped3A = tpu.sem_alloc : memref<!tpu.dma_semaphore, #tpu.memory_space<semaphore_mem>>
      %dma_start3A_53 = arith.constant 0 : i32
      %dma_start3A_54 = tpu.memref_slice %arg6[%mul3A_52, %dma_start3A_53] : memref<1024x16xf32, #tpu.memory_space<hbm>> -> memref<32x16xf32, #tpu.memory_space<hbm>>
      %dma_start3A_55 = arith.constant 0 : i32
      %dma_start3A_56 = tpu.memref_slice %arg6[%mul3A_52, %dma_start3A_55] : memref<1024x16xf32, #tpu.memory_space<hbm>> -> memref<32x16xf32, #tpu.memory_space<hbm>>
      tpu.enqueue_dma source(%arg12 : memref<32x16xf32, #tpu.memory_space<vmem>>) target(%dma_start3A_56 : memref<32x16xf32, #tpu.memory_space<hbm>>) target_semaphore(%run_scoped3A : memref<!tpu.dma_semaphore, #tpu.memory_space<semaphore_mem>>)
      %dma_wait3A_57 = arith.constant 0 : i32
      %dma_wait3A_58 = tpu.memref_slice %arg6[%mul3A_52, %dma_wait3A_57] : memref<1024x16xf32, #tpu.memory_space<hbm>> -> memref<32x16xf32, #tpu.memory_space<hbm>>
      %dma_wait3A_59 = arith.constant 0 : i32
      %dma_wait3A_60 = tpu.memref_slice %arg6[%mul3A_52, %dma_wait3A_59] : memref<1024x16xf32, #tpu.memory_space<hbm>> -> memref<32x16xf32, #tpu.memory_space<hbm>>
      tpu.wait_dma2 semaphore(%run_scoped3A : memref<!tpu.dma_semaphore, #tpu.memory_space<semaphore_mem>>) src(%arg12 : memref<32x16xf32, #tpu.memory_space<vmem>>) dst(%dma_wait3A_60 : memref<32x16xf32, #tpu.memory_space<hbm>>)
      tpu.yield
    }) : () -> ()
    return
  }
}

module attributes {stable_mosaic.version = 14 : i64} {
  func.func @_dense1_body(%arg0: i32, %arg1: memref<1000x128xf32, #tpu.memory_space<vmem>>, %arg2: memref<128x64xf32, #tpu.memory_space<vmem>>, %arg3: memref<128x64xf32, #tpu.memory_space<vmem>>, %arg4: memref<1x64xf32, #tpu.memory_space<vmem>>, %arg5: memref<1000x80xf32, #tpu.memory_space<vmem>>, %arg6: memref<1000x64xf32, #tpu.memory_space<vmem>>) attributes {dimension_semantics = [#tpu.dimension_semantics<arbitrary>], iteration_bounds = array<i64: 10>, scalar_prefetch = 0 : i64, scratch_operands = 0 : i64, tpu.core_type = #tpu.core_type<tc>, window_params = [{transform_indices = @transform_0, window_bounds = array<i64: 1000, 128>}, {pipeline_mode = #tpu.pipeline_mode<synchronous>, transform_indices = @transform_1, window_bounds = array<i64: 128, 64>}, {pipeline_mode = #tpu.pipeline_mode<synchronous>, transform_indices = @transform_2, window_bounds = array<i64: 128, 64>}, {pipeline_mode = #tpu.pipeline_mode<synchronous>, transform_indices = @transform_3, window_bounds = array<i64: 1, 64>}, {transform_indices = @transform_4, window_bounds = array<i64: 1000, 80>}, {transform_indices = @transform_5, window_bounds = array<i64: 1000, 64>}]} {
    %get3A = arith.constant 0 : index
    %get3A_0 = arith.constant 0 : index
    %get3A_1 = vector.load %arg1[%get3A, %get3A_0] : memref<1000x128xf32, #tpu.memory_space<vmem>>, vector<1000x128xf32>
    %get3A_2 = arith.constant 0 : index
    %get3A_3 = arith.constant 0 : index
    %get3A_4 = vector.load %arg2[%get3A_2, %get3A_3] : memref<128x64xf32, #tpu.memory_space<vmem>>, vector<128x64xf32>
    %dot_general3A = arith.constant dense<0.000000e+00> : vector<1000x64xf32>
    %dot_general3A_5 = tpu.matmul %get3A_1, %get3A_4, %dot_general3A {dimension_numbers = #tpu.dot_dimension_numbers<[1], [0], [0], [1], [0, 0, 1, 1], [], []>, transpose_lhs_hint = false} : vector<1000x128xf32>, vector<128x64xf32>, vector<1000x64xf32> -> vector<1000x64xf32>
    %broadcast_in_dim3A = arith.constant 0.000000e+00 : f32
    %broadcast_in_dim3A_6 = vector.broadcast %broadcast_in_dim3A : f32 to vector<1000x16xf32>
    %concatenate3A = tpu.concatenate %dot_general3A_5, %broadcast_in_dim3A_6 in 1 : vector<1000x64xf32>, vector<1000x16xf32> -> vector<1000x80xf32>
    %iota3A = tpu.iota {dimensions = array<i32: 1>} : vector<1000x80xi32>
    %eq3A = arith.constant 64 : i32
    %eq3A_7 = vector.broadcast %eq3A : i32 to vector<1000x80xi32>
    %eq3A_8 = arith.cmpi eq, %iota3A, %eq3A_7 : vector<1000x80xi32>
    %jit3A = arith.constant 1.000000e+00 : f32
    %broadcast_in_dim3A_9 = vector.broadcast %jit3A : f32 to vector<1000x80xf32>
    %select_n3A = arith.select %eq3A_8, %broadcast_in_dim3A_9, %concatenate3A : vector<1000x80xi1>, vector<1000x80xf32>
    %swap3A = arith.constant 0 : index
    %swap3A_10 = arith.constant 0 : index
    %swap3A_11 = vector.load %arg5[%swap3A, %swap3A_10] : memref<1000x80xf32, #tpu.memory_space<vmem>>, vector<1000x80xf32>
    tpu.vector_store %arg5[%swap3A, %swap3A_10], %select_n3A {strides = array<i32>} : memref<1000x80xf32, #tpu.memory_space<vmem>>, vector<1000x80xf32>,
    %get3A_12 = arith.constant 0 : index
    %get3A_13 = arith.constant 0 : index
    %get3A_14 = vector.load %arg3[%get3A_12, %get3A_13] : memref<128x64xf32, #tpu.memory_space<vmem>>, vector<128x64xf32>
    %dot_general3A_15 = arith.constant dense<0.000000e+00> : vector<1000x64xf32>
    %dot_general3A_16 = tpu.matmul %get3A_1, %get3A_14, %dot_general3A_15 {dimension_numbers = #tpu.dot_dimension_numbers<[1], [0], [0], [1], [0, 0, 1, 1], [], []>, transpose_lhs_hint = false} : vector<1000x128xf32>, vector<128x64xf32>, vector<1000x64xf32> -> vector<1000x64xf32>
    %get3A_17 = arith.constant 0 : index
    %get3A_18 = arith.constant 0 : index
    %get3A_19 = vector.load %arg4[%get3A_17, %get3A_18] : memref<1x64xf32, #tpu.memory_space<vmem>>, vector<1x64xf32>
    %add3A = vector.broadcast %get3A_19 : vector<1x64xf32> to vector<1000x64xf32>
    %add3A_20 = arith.addf %dot_general3A_16, %add3A : vector<1000x64xf32>
    %swap3A_21 = arith.constant 0 : index
    %swap3A_22 = arith.constant 0 : index
    %swap3A_23 = vector.load %arg6[%swap3A_21, %swap3A_22] : memref<1000x64xf32, #tpu.memory_space<vmem>>, vector<1000x64xf32>
    tpu.vector_store %arg6[%swap3A_21, %swap3A_22], %add3A_20 {strides = array<i32>} : memref<1000x64xf32, #tpu.memory_space<vmem>>, vector<1000x64xf32>,
    return
  }
  func.func @transform_0(%arg0: i32) -> (i32, i32) {
    %c0_i32 = arith.constant 0 : i32
    %c0_i32_0 = arith.constant 0 : i32
    return %arg0, %c0_i32 : i32, i32
  }
  func.func @transform_1(%arg0: i32) -> (i32, i32) {
    %c0_i32 = arith.constant 0 : i32
    %c0_i32_0 = arith.constant 0 : i32
    %c0_i32_1 = arith.constant 0 : i32
    return %c0_i32, %c0_i32_0 : i32, i32
  }
  func.func @transform_2(%arg0: i32) -> (i32, i32) {
    %c0_i32 = arith.constant 0 : i32
    %c0_i32_0 = arith.constant 0 : i32
    %c0_i32_1 = arith.constant 0 : i32
    return %c0_i32, %c0_i32_0 : i32, i32
  }
  func.func @transform_3(%arg0: i32) -> (i32, i32) {
    %c0_i32 = arith.constant 0 : i32
    %c0_i32_0 = arith.constant 0 : i32
    %c0_i32_1 = arith.constant 0 : i32
    return %c0_i32, %c0_i32_0 : i32, i32
  }
  func.func @transform_4(%arg0: i32) -> (i32, i32) {
    %c0_i32 = arith.constant 0 : i32
    %c0_i32_0 = arith.constant 0 : i32
    return %arg0, %c0_i32 : i32, i32
  }
  func.func @transform_5(%arg0: i32) -> (i32, i32) {
    %c0_i32 = arith.constant 0 : i32
    %c0_i32_0 = arith.constant 0 : i32
    return %arg0, %c0_i32 : i32, i32
  }
}

module attributes {stable_mosaic.version = 14 : i64} {
  func.func @_dense2_body(%arg0: i32, %arg1: memref<2x1000x128xf32, #tpu.memory_space<vmem>>, %arg2: memref<1000x64xf32, #tpu.memory_space<vmem>>, %arg3: memref<64x8xf32, #tpu.memory_space<vmem>>, %arg4: memref<64x8xf32, #tpu.memory_space<vmem>>, %arg5: memref<1x8xf32, #tpu.memory_space<vmem>>, %arg6: memref<1000x16xf32, #tpu.memory_space<vmem>>, %arg7: memref<1000x16xf32, #tpu.memory_space<vmem>>, %arg8: memref<1000x16xf32, #tpu.memory_space<vmem>>) attributes {dimension_semantics = [#tpu.dimension_semantics<arbitrary>], iteration_bounds = array<i64: 10>, scalar_prefetch = 0 : i64, scratch_operands = 0 : i64, tpu.core_type = #tpu.core_type<tc>, window_params = [{transform_indices = @transform_0, window_bounds = array<i64: 2, 1000, 128>}, {transform_indices = @transform_1, window_bounds = array<i64: 1000, 64>}, {pipeline_mode = #tpu.pipeline_mode<synchronous>, transform_indices = @transform_2, window_bounds = array<i64: 64, 8>}, {pipeline_mode = #tpu.pipeline_mode<synchronous>, transform_indices = @transform_3, window_bounds = array<i64: 64, 8>}, {pipeline_mode = #tpu.pipeline_mode<synchronous>, transform_indices = @transform_4, window_bounds = array<i64: 1, 8>}, {transform_indices = @transform_5, window_bounds = array<i64: 1000, 16>}, {transform_indices = @transform_6, window_bounds = array<i64: 1000, 16>}, {transform_indices = @transform_7, window_bounds = array<i64: 1000, 16>}]} {
    %get3A = arith.constant 0 : index
    %get3A_0 = arith.constant 0 : index
    %get3A_1 = arith.constant 0 : index
    %get3A_2 = vector.load %arg1[%get3A, %get3A_0, %get3A_1] : memref<2x1000x128xf32, #tpu.memory_space<vmem>>, vector<1x1000x128xf32>
    %get3A_3 = vector.shape_cast %get3A_2 : vector<1x1000x128xf32> to vector<1000x128xf32>
    %get3A_4 = arith.constant 1 : index
    %get3A_5 = arith.constant 0 : index
    %get3A_6 = arith.constant 0 : index
    %get3A_7 = vector.load %arg1[%get3A_4, %get3A_5, %get3A_6] : memref<2x1000x128xf32, #tpu.memory_space<vmem>>, vector<1x1000x128xf32>
    %get3A_8 = vector.shape_cast %get3A_7 : vector<1x1000x128xf32> to vector<1000x128xf32>
    %add3A = arith.addf %get3A_3, %get3A_8 : vector<1000x128xf32>
    %slice3A = vector.extract_strided_slice %add3A {offsets = [0, 64], sizes = [1000, 1], strides = [1, 1]} : vector<1000x128xf32> to vector<1000x1xf32>
    %max3A = arith.constant 1.000000e+00 : f32
    %max3A_9 = vector.broadcast %max3A : f32 to vector<1000x1xf32>
    %max3A_10 = arith.maximumf %slice3A, %max3A_9 : vector<1000x1xf32>
    %div3A = arith.constant 1.000000e+00 : f32
    %div3A_11 = vector.broadcast %div3A : f32 to vector<1000x1xf32>
    %div3A_12 = arith.divf %div3A_11, %max3A_10 : vector<1000x1xf32>
    %slice3A_13 = vector.extract_strided_slice %add3A {offsets = [0, 0], sizes = [1000, 64], strides = [1, 1]} : vector<1000x128xf32> to vector<1000x64xf32>
    %mul3A = vector.broadcast %div3A_12 : vector<1000x1xf32> to vector<1000x64xf32>
    %mul3A_14 = arith.mulf %slice3A_13, %mul3A : vector<1000x64xf32>
    %get3A_15 = arith.constant 0 : index
    %get3A_16 = arith.constant 0 : index
    %get3A_17 = vector.load %arg2[%get3A_15, %get3A_16] : memref<1000x64xf32, #tpu.memory_space<vmem>>, vector<1000x64xf32>
    %add3A_18 = arith.addf %mul3A_14, %get3A_17 : vector<1000x64xf32>
    %max3A_19 = arith.constant 0.000000e+00 : f32
    %max3A_20 = vector.broadcast %max3A_19 : f32 to vector<1000x64xf32>
    %max3A_21 = arith.maximumf %add3A_18, %max3A_20 : vector<1000x64xf32>
    %get3A_22 = arith.constant 0 : index
    %get3A_23 = arith.constant 0 : index
    %get3A_24 = vector.load %arg3[%get3A_22, %get3A_23] : memref<64x8xf32, #tpu.memory_space<vmem>>, vector<64x8xf32>
    %dot_general3A = arith.constant dense<0.000000e+00> : vector<1000x8xf32>
    %dot_general3A_25 = tpu.matmul %max3A_21, %get3A_24, %dot_general3A {dimension_numbers = #tpu.dot_dimension_numbers<[1], [0], [0], [1], [0, 0, 1, 1], [], []>, transpose_lhs_hint = false} : vector<1000x64xf32>, vector<64x8xf32>, vector<1000x8xf32> -> vector<1000x8xf32>
    %get3A_26 = arith.constant 0 : index
    %get3A_27 = arith.constant 0 : index
    %get3A_28 = vector.load %arg4[%get3A_26, %get3A_27] : memref<64x8xf32, #tpu.memory_space<vmem>>, vector<64x8xf32>
    %dot_general3A_29 = arith.constant dense<0.000000e+00> : vector<1000x8xf32>
    %dot_general3A_30 = tpu.matmul %max3A_21, %get3A_28, %dot_general3A_29 {dimension_numbers = #tpu.dot_dimension_numbers<[1], [0], [0], [1], [0, 0, 1, 1], [], []>, transpose_lhs_hint = false} : vector<1000x64xf32>, vector<64x8xf32>, vector<1000x8xf32> -> vector<1000x8xf32>
    %get3A_31 = arith.constant 0 : index
    %get3A_32 = arith.constant 0 : index
    %get3A_33 = vector.load %arg5[%get3A_31, %get3A_32] : memref<1x8xf32, #tpu.memory_space<vmem>>, vector<1x8xf32>
    %add3A_34 = vector.broadcast %get3A_33 : vector<1x8xf32> to vector<1000x8xf32>
    %add3A_35 = arith.addf %dot_general3A_30, %add3A_34 : vector<1000x8xf32>
    %broadcast_in_dim3A = arith.constant 0.000000e+00 : f32
    %broadcast_in_dim3A_36 = vector.broadcast %broadcast_in_dim3A : f32 to vector<1000x8xf32>
    %concatenate3A = tpu.concatenate %dot_general3A_25, %broadcast_in_dim3A_36 in 1 : vector<1000x8xf32>, vector<1000x8xf32> -> vector<1000x16xf32>
    %swap3A = arith.constant 0 : index
    %swap3A_37 = arith.constant 0 : index
    %swap3A_38 = vector.load %arg6[%swap3A, %swap3A_37] : memref<1000x16xf32, #tpu.memory_space<vmem>>, vector<1000x16xf32>
    tpu.vector_store %arg6[%swap3A, %swap3A_37], %concatenate3A {strides = array<i32>} : memref<1000x16xf32, #tpu.memory_space<vmem>>, vector<1000x16xf32>,
    %concatenate3A_39 = tpu.concatenate %add3A_35, %broadcast_in_dim3A_36 in 1 : vector<1000x8xf32>, vector<1000x8xf32> -> vector<1000x16xf32>
    %swap3A_40 = arith.constant 0 : index
    %swap3A_41 = arith.constant 0 : index
    %swap3A_42 = vector.load %arg7[%swap3A_40, %swap3A_41] : memref<1000x16xf32, #tpu.memory_space<vmem>>, vector<1000x16xf32>
    tpu.vector_store %arg7[%swap3A_40, %swap3A_41], %concatenate3A_39 {strides = array<i32>} : memref<1000x16xf32, #tpu.memory_space<vmem>>, vector<1000x16xf32>,
    %broadcast_in_dim3A_43 = vector.shape_cast %div3A_12 : vector<1000x1xf32> to vector<1000x1xf32>
    %broadcast_in_dim3A_44 = vector.broadcast %broadcast_in_dim3A_43 : vector<1000x1xf32> to vector<1000x16xf32>
    %swap3A_45 = arith.constant 0 : index
    %swap3A_46 = arith.constant 0 : index
    %swap3A_47 = vector.load %arg8[%swap3A_45, %swap3A_46] : memref<1000x16xf32, #tpu.memory_space<vmem>>, vector<1000x16xf32>
    tpu.vector_store %arg8[%swap3A_45, %swap3A_46], %broadcast_in_dim3A_44 {strides = array<i32>} : memref<1000x16xf32, #tpu.memory_space<vmem>>, vector<1000x16xf32>,
    return
  }
  func.func @transform_0(%arg0: i32) -> (i32, i32, i32) {
    %c0_i32 = arith.constant 0 : i32
    %c0_i32_0 = arith.constant 0 : i32
    %c0_i32_1 = arith.constant 0 : i32
    return %c0_i32, %arg0, %c0_i32_0 : i32, i32, i32
  }
  func.func @transform_1(%arg0: i32) -> (i32, i32) {
    %c0_i32 = arith.constant 0 : i32
    %c0_i32_0 = arith.constant 0 : i32
    return %arg0, %c0_i32 : i32, i32
  }
  func.func @transform_2(%arg0: i32) -> (i32, i32) {
    %c0_i32 = arith.constant 0 : i32
    %c0_i32_0 = arith.constant 0 : i32
    %c0_i32_1 = arith.constant 0 : i32
    return %c0_i32, %c0_i32_0 : i32, i32
  }
  func.func @transform_3(%arg0: i32) -> (i32, i32) {
    %c0_i32 = arith.constant 0 : i32
    %c0_i32_0 = arith.constant 0 : i32
    %c0_i32_1 = arith.constant 0 : i32
    return %c0_i32, %c0_i32_0 : i32, i32
  }
  func.func @transform_4(%arg0: i32) -> (i32, i32) {
    %c0_i32 = arith.constant 0 : i32
    %c0_i32_0 = arith.constant 0 : i32
    %c0_i32_1 = arith.constant 0 : i32
    return %c0_i32, %c0_i32_0 : i32, i32
  }
  func.func @transform_5(%arg0: i32) -> (i32, i32) {
    %c0_i32 = arith.constant 0 : i32
    %c0_i32_0 = arith.constant 0 : i32
    return %arg0, %c0_i32 : i32, i32
  }
  func.func @transform_6(%arg0: i32) -> (i32, i32) {
    %c0_i32 = arith.constant 0 : i32
    %c0_i32_0 = arith.constant 0 : i32
    return %arg0, %c0_i32 : i32, i32
  }
  func.func @transform_7(%arg0: i32) -> (i32, i32) {
    %c0_i32 = arith.constant 0 : i32
    %c0_i32_0 = arith.constant 0 : i32
    return %arg0, %c0_i32 : i32, i32
  }
}

</mosaic_0001>

<sc_bundles>
// kernel: kernel.10.cloned.1.call-start
scs
__scs_entry_jumppad:
0x0: {  	(pc) =	sbr.rel $0x88, $3  }
0x1: {  	(tag) =	ssettag $0x0;
	lr =	simm.s32 $0x1  }
0x2: {  	[smem:$0x3F98] =	sst lr;
	_ =	strace $0xD0000000  }
0x3: {  	_ = 	snop  }
0x4: {  	_ = 	snop  }
0x5: {  	_ = 	snop  }
0x6: {  	_ = 	snop  }
0x7: {  	_ = 	snop  }
__scs_overlays_trampoline_lowered:
0x8: {  	[smem:$0x3FA7] =	sst s0  }
0x9: {  	[smem:$0x3FA8] =	sst s1  }
0xa: {  	[smem:$0x3FA9] =	sst s2  }
0xb: {  	[smem:$0x3FAA] =	sst s3  }
0xc: {  	[smem:$0x3FAB] =	sst s4  }
0xd: {  	[smem:$0x3FAC] =	sst s5  }
0xe: {  	[smem:$0x3FAD] =	sst s6  }
0xf: {  	[smem:$0x3FAE] =	sst s7  }
0x10: {  	[smem:$0x3FAF] =	sst s8  }
0x11: {  	[smem:$0x3FB0] =	sst s9;
	s0 =	simm.s32 @!p0 $0x0  }
0x12: {  	s1 =	sld [smem:$0x3F96];
	s0 =	simm.s32 @p0 $0x1  }
0x13: {  	[smem:$0x3FB1] =	sst s0;
	s0 =	simm.s32 @!p1 $0x0  }
0x14: {  	s2 =	sld [smem:$0x3F95];
	s0 =	simm.s32 @p1 $0x1  }
0x15: {  	[smem:$0x3FB2] =	sst s0;
	s0 =	simm.s32 @!p2 $0x0  }
0x16: {  	s3 =	sld [smem:$0x3FDB];
	s0 =	simm.s32 @p2 $0x1  }
0x17: {  	s4 =	simm.s32 $0x1BF5;
	[smem:$0x3FB4] =	sst s0  }
0x18: {  	s0 =	sld [smem:$0x3F97];
	_ =	swait.ge [sflag:s4], $0x0  }
0x19: {  	s7 =	sld [smem:$0x3F98]  }
0x1a: {  	s8 =	sadd.s32 $0xFFFFE003, lr  }
0x1b: {  	s9 =	sadd.s32 $0xFFFFFEF7, lr;
	s5 =	simm.s32 $0xFFFFFFFF;
	p2 =	slt.u32 s8, $0xFFFFF086  }
0x1c: {  	p1 =	slt.u32 s9, $0xF7A;
	s5 =	simm.s32 @!p2 $0x0  }
0x1d: {  	s5 =	simm.s32 @p1 $0x1;
	p0 =	seq.s32 s7, s2  }
0x1e: {  	s7 =	smul.u32 @!p0 $0xF7A, s2;
	p2 =	seq.s32 @!p0 s5, $0x0  }
0x1f: {  	s9 =	smul.u32 $0xF7A, s1;
	s8 =	simm.s32 @!p0 $0x1BF5;
	p2 =	por !p2, p0  }
0x20: {  	[sflag:s8] =	ssyncset.s32 @!p0 $0xFFFFF086;
	s6 =	sadd.s32 @!p0 s3, s7;
	s7 =	simm.s32 @!p0 $0x108  }
0x21: {  	s3 =	sadd.s32 s3, s9;
	s6 =	sadd.s32 @!p0 $0x88, s6;
	s7 =	simm.s32 @p2 $0x1082  }
0x22: {  	[simem:s7], [sflag:s8] =	dma.local @!p0 [hbm:s6], $0xF7A  }
0x23: {  	s9 =	sor.u32 $0xD0000000, s2;
	s6 =	simm.s32 $0x108;
	_ =	swait.ge @!p0 [sflag:s8], $0x0  }
0x24: {  	s3 =	sadd.s32 $0x88, s3;
	s6 =	simm.s32 @!p1 $0x1082;
	[sflag:s4] =	ssyncset.s32 $0xFFFFF086  }
0x25: {  	[simem:s6], [sflag:s4] =	dma.local [hbm:s3], $0xF7A  }
0x26: {  	[smem:$0x3F98] =	sst s1;
	(tag) =	ssettag s2;
	_ =	strace s9  }
0x27: {  	s1 =	sld [smem:$0x3FA8]  }
0x28: {  	s2 =	sld [smem:$0x3FA9]  }
0x29: {  	s4 =	sld [smem:$0x3FAB]  }
0x2a: {  	p0 =	seq.s32 s5, $0x0;
	s5 =	sld [smem:$0x3FAC]  }
0x2b: {  	s6 =	sld [smem:$0x3FAD]  }
0x2c: {  	s7 =	sld [smem:$0x3FAE]  }
0x2d: {  	s3 =	simm.s32 $0x108;
	s8 =	sld [smem:$0x3FAF]  }
0x2e: {  	s3 =	simm.s32 @!p0 $0x1082;
	s9 =	sld [smem:$0x3FB0]  }
0x2f: {  	lr =	sadd.s32 s0, s3;
	s0 =	sld [smem:$0x3FA7]  }
0x30: {  	s3 =	sld [smem:$0x3FAA]  }
0x31: {  	[smem:$0x3FB3] =	sst s10  }
0x32: {  	s10 =	sld [smem:$0x3FB1];
	_ =	sdelay $0x3  }
0x33: {  	p0 =	seq.s32 s10, $0x1;
	s10 =	sld [smem:$0x3FB3];
	_ =	sdelay $0x3  }
0x34: {  	[smem:$0x3FB3] =	sst s10  }
0x35: {  	s10 =	sld [smem:$0x3FB2];
	_ =	sdelay $0x3  }
0x36: {  	p1 =	seq.s32 s10, $0x1;
	s10 =	sld [smem:$0x3FB3];
	_ =	sdelay $0x3  }
0x37: {  	[smem:$0x3FB3] =	sst s10  }
0x38: {  	s10 =	sld [smem:$0x3FB4]  }
0x39: {  	_ = 	snop;
	(pc) =	sbr.ind lr, $3  }
0x3a: {  	_ = 	snop  }
0x3b: {  	_ = 	snop  }
0x3c: {  	p2 =	seq.s32 s10, $0x1;
	s10 =	sld [smem:$0x3FB3]  }
0x3d: {  	_ =	shalt  }
0x3e: {  	_ =	shalt  }
0x3f: {  	_ =	shalt  }
0x40: {  	_ =	shalt  }
0x41: {  	_ =	shalt  }
0x42: {  	_ =	shalt  }
0x43: {  	_ =	shalt  }
0x44: {  	_ =	shalt  }
0x45: {  	_ =	shalt  }
0x46: {  	_ =	shalt  }
0x47: {  	_ =	shalt  }
0x48: {  	_ =	shalt  }
0x49: {  	_ =	shalt  }
0x4a: {  	_ =	shalt  }
0x4b: {  	_ =	shalt  }
0x4c: {  	_ =	shalt  }
0x4d: {  	_ =	shalt  }
0x4e: {  	_ =	shalt  }
0x4f: {  	_ =	shalt  }
0x50: {  	_ =	shalt  }
0x51: {  	_ =	shalt  }
0x52: {  	_ =	shalt  }
0x53: {  	_ =	shalt  }
0x54: {  	_ =	shalt  }
0x55: {  	_ =	shalt  }
0x56: {  	_ =	shalt  }
0x57: {  	_ =	shalt  }
0x58: {  	_ =	shalt  }
0x59: {  	_ =	shalt  }
0x5a: {  	_ =	shalt  }
0x5b: {  	_ =	shalt  }
0x5c: {  	_ =	shalt  }
0x5d: {  	_ =	shalt  }
0x5e: {  	_ =	shalt  }
0x5f: {  	_ =	shalt  }
0x60: {  	_ =	shalt  }
0x61: {  	_ =	shalt  }
0x62: {  	_ =	shalt  }
0x63: {  	_ =	shalt  }
0x64: {  	_ =	shalt  }
0x65: {  	_ =	shalt  }
0x66: {  	_ =	shalt  }
0x67: {  	_ =	shalt  }
0x68: {  	_ =	shalt  }
0x69: {  	_ =	shalt  }
0x6a: {  	_ =	shalt  }
0x6b: {  	_ =	shalt  }
0x6c: {  	_ =	shalt  }
0x6d: {  	_ =	shalt  }
0x6e: {  	_ =	shalt  }
0x6f: {  	_ =	shalt  }
0x70: {  	_ =	shalt  }
0x71: {  	_ =	shalt  }
0x72: {  	_ =	shalt  }
0x73: {  	_ =	shalt  }
0x74: {  	_ =	shalt  }
0x75: {  	_ =	shalt  }
0x76: {  	_ =	shalt  }
0x77: {  	_ =	shalt  }
0x78: {  	_ =	shalt  }
0x79: {  	_ =	shalt  }
0x7a: {  	_ =	shalt  }
0x7b: {  	_ =	shalt  }
0x7c: {  	_ =	shalt  }
0x7d: {  	_ =	shalt  }
0x7e: {  	_ =	shalt  }
0x7f: {  	_ =	shalt  }
0x80: {  	_ =	shalt  }
0x81: {  	_ =	shalt  }
0x82: {  	_ =	shalt  }
0x83: {  	_ =	shalt  }
0x84: {  	_ =	shalt  }
0x85: {  	_ =	shalt  }
0x86: {  	_ =	shalt  }
0x87: {  	_ =	shalt  }
.Lfunc_end0:
.L_simem_size_0:
called_computation.1_lowered:
.L_overlay_start_0:
0x88: {  	s2 =	sld [smem:$0x3FD9]  }
0x89: {  	s3 =	sld [smem:$0x3FFE];
	_ =	sdelay $0x1  }
0x8a: {  	s1 =	srdreg.scid  }
0x8b: {  	s0 =	sand.u32 $0x1, s1  }
0x8c: {  	s16 =	sshll.u32 s0, $0xA;
	s2 =	sadd.s32 s3, s2  }
0x8d: {  	s2 =	sadd.s32 s2, s16  }
0x8e: {  	[smem:$0x3FBF] =	sst s2  }
0x8f: {  	_ = 	snop  }
0x90: {  	(tm) =	ssettm $0x1  }
0x91: {  	s17 =	sld [smem:$0x3FFB];
	_ =	sdelay $0x3  }
0x92: {  	_ =	strace s17  }
0x93: {  	s2 =	sld [smem:$0x3FFC];
	_ =	sdelay $0x3  }
0x94: {  	_ =	strace s2  }
0x95: {  	s2 =	sld [smem:$0x3FFD];
	_ =	sdelay $0x3  }
0x96: {  	_ =	strace s2  }
0x97: {  	_ =	strace $0x8FFFFFFF  }
0x98: {  	s18 =	sld [smem:$0x3FDB];
	_ =	sdelay $0x1  }
0x99: {  	s19 =	simm.s32 $_scs_section_size  }
0x9a: {  	s4 =	simm.s32 $_size__tile_overlayer_lowered;
	s5 =	simm.s32 $_tile_overlayer_lowered  }
0x9b: {  	s22 =	simm.s32 $0x1BFF;
	s21 =	sshll.u32 s5, $0x1;
	s2 =	sadd.s32 s19, s18  }
0x9c: {  	s6 =	simm.s32 $0x0;
	s20 =	sshll.u32 s4, $0x1;
	s4 =	sadd.s32 s21, s2  }
0x9d: {  	[timem:s6], [sflag:s22] =	dma.local [hbm:s4], s20  }
0x9e: {  	_ =	swait.ge [sflag:s22], s20  }
0x9f: {  	s3 =	ssub.s32 $0x0, s20;
	[sflag:s22] =	ssyncset.done $0x0  }
0xa0: {  	[sflag:s22] =	ssyncadd.s32 s3;
	_ =	sdelay $0x1  }
0xa1: {  	s23 =	simm.s32 $0x1B8B  }
0xa2: {  	_ =	swait.ge [sflag:s23], $0x1  }
0xa3: {  	[sflag:s23] =	ssyncset.done $0x0  }
0xa4: {  	s25 =	simm.s32 $0x1B8E;
	s24 =	sld [smem:$0x3FFE];
	[sflag:s23] =	ssyncadd.s32 $0xFFFFFFFF  }
0xa5: {  	s26 =	simm.s32 $execute0_lowered;
	[smem:$0x3FD2] =	sst s25  }
0xa6: {  	s4 =	sshll.u32 s26, $0x1;
	_ =	strace $0x80000049;
	[dreg:$0x1] =	wrdreg $0xFFFFFFFF  }
0xa7: {  	s28 =	simm.s32 $_size_execute0_lowered;
	s2 =	sadd.s32 s2, s4;
	[dreg:$0x0] =	wrdreg $0x0  }
0xa8: {  	s4 =	sshll.u32 s28, $0x1;
	[dreg:$0x2] =	wrdreg s2  }
0xa9: {  	[dreg:$0x3] =	wrdreg s4  }
0xaa: {  	[dreg:$0x4] =	wrdreg $0xC0  }
0xab: {  	_ =	task [dreg:s6], $0x5FFFF  }
0xac: {  	[dreg:$0x1] =	wrdreg $0xFFFFFFFF  }
0xad: {  	[dreg:$0x0] =	wrdreg $0x60  }
0xae: {  	[dreg:$0x2] =	wrdreg s24  }
0xaf: {  	[dreg:$0x3] =	wrdreg $0xA5F00  }
0xb0: {  	[dreg:$0x4] =	wrdreg $0x9  }
0xb1: {  	_ =	task.clear_ibuf [dreg:s6], $0x5FFFF;
	_ =	strace $0x90000049  }
0xb2: {  	s29 =	simm.s32 $0x9;
	_ =	strace $0x8000004B  }
0xb3: {  	_ =	swait.ge [sflag:s29], $0x1  }
0xb4: {  	[sflag:s29] =	ssyncadd.s32 $0xFFFFFFFF  }
0xb5: {  	_ =	strace $0x9000004B  }
0xb6: {  	_ =	sfence  }
0xb7: {  	s30 =	sld [smem:$0x0];
	_ =	sdelay $0x2  }
0xb8: {  	s31 =	sshll.u32 s1, $0xD;
	s1 =	sshrl.u32 s1, $0x2  }
0xb9: {  	s3 =	sand.u32 $0x4000, s31;
	s1 =	sadd.s32 s1, s30  }
0xba: {  	s0 =	sor.u32 s3, s0;
	s1 =	sshll.u32 s1, $0x11  }
0xbb: {  	s0 =	sor.u32 s1, s0  }
0xbc: {  	s0 =	sadd.s32 $0x8F2B, s0  }
0xbd: {  	[sflag:s0] =	ssyncadd.remote.s32 $0x1  }
0xbe: {  	_ =	sfence.sel $0xFFFF  }
0xbf: {  	[dreg:$0x0] =	wrdreg $0xFFFFFFFF;
	(pc) =	sbr.abs _section_cstart, $3  }
0xc0: {  	[dreg:$0x1] =	wrdreg $0xFFFFFFFF  }
0xc1: {  	_ =	task.clear_ibuf [dreg:s6], $0x2FFFF;
	_ =	strace $0x9FFFFFFF  }
0xc2: {  	(tm) =	ssettm $0x7FFFFFFF  }
0xc3: {  	_ =	shalt  }
tec
execute0_lowered:
.L_overlay_start_1:
0x0: {  	(tag) =	ssettag $0x1  }
0x1: {  	s0 =	rddreg [dreg:$0x0]  }
0x2: {  	s1 =	rddreg [dreg:$0x1];
	s2 =	srdreg.scid  }
0x3: {  	s4 =	simm.s32 $0x0;
	s11 =	stileid.u32;
	s31 =	simm.s32 $0x1F40  }
0x4: {  	s30 =	simm.s32 $0x3;
	s12 =	simm.s32 $0x4;
	s2 =	sand.u32 $0x1, s2  }
0x5: {  	[smem:$0x7FF] =	sst s4;
	s4 =	sadd.s32 $0x15800, s0;
	s6 =	smul.u32 $0x271, s11  }
0x6: {  	s8 =	smul.u32 $0x9C40, s11;
	s3 =	sshll.u32 s2, $0x4;
	_ =	strace $0x8000004A  }
0x7: {  	s5 =	ssub.s32 $0x2, s2;
	s2 =	smul.u32 $0x138800, s2;
	s3 =	sor.u32 s11, s3  }
0x8: {  	s7 =	sshrl.u32 s5, $0x1;
	s13 =	sadd.s32 $0x7D, s6;
	s8 =	sshrl.u32 s8, $0x2  }
0x9: {  	s16 =	sadd.s32 $0xFA, s6;
	s17 =	sadd.s32 $0x177, s6;
	s11 =	smul.u32 $0x13880, s11  }
0xa: {  	s6 =	sadd.s32 $0x1F4, s6;
	s3 =	smul.u32 $0x500, s3;
	s5 =	ssub.s32 s5, s7  }
0xb: {  	s14 =	sshll.u32 s13, $0x4;
	s15 =	sadd.s32 s8, s1;
	s18 =	sshll.u32 s16, $0x4  }
0xc: {  	s10 =	sshll.u32 s17, $0x4;
	s7 =	sshll.u32 s13, $0x7;
	s20 =	sshll.u32 s6, $0x4  }
0xd: {  	s21 =	sshll.u32 s17, $0x7;
	s6 =	sshll.u32 s6, $0x7;
	s13 =	simm.s32 $0xE  }
0xe: {  	s17 =	simm.s32 $0x6;
	s8 =	simm.s32 $0x8;
	[dreg:$0x5] =	wrdreg s15  }
0xf: {  	s24 =	sadd.s32 s14, s1;
	s26 =	sadd.s32 s18, s1;
	s28 =	sadd.s32 s10, s1  }
0x10: {  	s19 =	sadd.s32 s11, s2;
	s7 =	sadd.s32 s2, s7;
	s25 =	smax.u32 s5, $0x1  }
0x11: {  	s29 =	sadd.s32 s20, s1;
	s20 =	simm.s32 $0x2710;
	[dreg:$0xf] =	wrdreg s25  }
0x12: {  	s5 =	simm.s32 $0xD;
	s14 =	simm.s32 $0x5;
	[dreg:$0x6] =	wrdreg s24  }
0x13: {  	s15 =	simm.s32 $0xF;
	s10 =	simm.s32 $0xA;
	[dreg:$0x7] =	wrdreg s26  }
0x14: {  	s11 =	simm.s32 $0x14;
	s3 =	sadd.s32 s3, s0;
	[dreg:$0x8] =	wrdreg s28  }
0x15: {  	s0 =	sadd.s32 $0x1A800, s0;
	[dreg:$0x9] =	wrdreg s29;
	s9 =	sadd.s32 $0xB800, s3  }
0x16: {  	s7 =	sshrl.u32 s7, $0x3;
	s3 =	sadd.s32 $0x1800, s3;
	[dreg:$0x3] =	wrdreg s9  }
0x17: {  	s25 =	simm.s32 $0xC;
	s7 =	sadd.s32 s0, s7;
	[dreg:$0x4] =	wrdreg s3  }
0x18: {  	s9 =	sshrl.u32 s19, $0x3;
	[dreg:$0xb] =	wrdreg s7;
	s3 =	sshll.u32 s16, $0x7  }
0x19: {  	s7 =	sadd.s32 s2, s21;
	s16 =	simm.s32 $0x4650;
	s19 =	simm.s32 $0x0  }
0x1a: {  	s9 =	sadd.s32 s0, s9;
	s3 =	sadd.s32 s2, s3;
	s2 =	sadd.s32 s2, s6  }
0x1b: {  	s22 =	sshrl.u32 s7, $0x3;
	s6 =	simm.s32 $0x36B0;
	s7 =	simm.s32 $0x10  }
.Ltmp0:
0x1c: {  	[dreg:$0xa] =	wrdreg s9;
	s3 =	sshrl.u32 s3, $0x3;
	(pc) =	sbr.rel .LBB2_1-.Ltmp0, $4  }
0x1d: {  	s2 =	sshrl.u32 s2, $0x3;
	s23 =	sadd.s32 s0, s22;
	s22 =	simm.s32 $0x7D  }
0x1e: {  	s9 =	simm.s32 $0x12;
	s3 =	sadd.s32 s0, s3;
	[dreg:$0xd] =	wrdreg s23  }
0x1f: {  	s0 =	sadd.s32 s0, s2;
	s2 =	simm.s32 $0xB;
	[dreg:$0xc] =	wrdreg s3  }
0x20: {  	v0 =	vimm.f32 $0.0e+00;
	s23 =	simm.s32 $0x2;
	[dreg:$0xe] =	wrdreg s0;
	s0 =	simm.s32 $0x1  }
.LBB2_6:
0x21: {  	s3 =	stileid.u32;
	[bflag:$0x0] =	sbarrier.arrive $0xFFFF  }
0x22: {  	s19 =	simm.s32 $0x15;
	s3 =	sshll.u32 s3, $0x6;
	s18 =	rddreg [dreg:$0x5]  }
0x23: {  	s21 =	rddreg [dreg:$0xa];
	s3 =	sor.u32 $0x1C15, s3;
	s18 =	sshrl.u32 s18, $0x3  }
0x24: {  	[hbm:s21@s7], [sflag:s3] =	dma.strided [spmem:s18@s23], $0xFA, s0, $0x2   }
0x25: {  	_ =	swait.ge [sflag:s19], $0xFA  }
0x26: {  	[sflag:s19] =	ssyncset.done $0x0;
	s24 =	rddreg [dreg:$0x6]  }
0x27: {  	s26 =	rddreg [dreg:$0xb];
	[sflag:s19] =	ssyncadd.s32 $0xFFFFFF06;
	s21 =	sshrl.u32 s24, $0x3  }
0x28: {  	[hbm:s26@s7], [sflag:s3] =	dma.strided [spmem:s21@s23], $0xFA, s0, $0x2   }
0x29: {  	_ =	swait.ge [sflag:s19], $0xFA  }
0x2a: {  	[sflag:s19] =	ssyncset.done $0x0;
	s26 =	rddreg [dreg:$0x7]  }
0x2b: {  	s21 =	rddreg [dreg:$0xc];
	[sflag:s19] =	ssyncadd.s32 $0xFFFFFF06;
	s18 =	sshrl.u32 s26, $0x3  }
0x2c: {  	[hbm:s21@s7], [sflag:s3] =	dma.strided [spmem:s18@s23], $0xFA, s0, $0x2   }
0x2d: {  	_ =	swait.ge [sflag:s19], $0xFA  }
0x2e: {  	[sflag:s19] =	ssyncset.done $0x0;
	s28 =	rddreg [dreg:$0x8]  }
0x2f: {  	s21 =	rddreg [dreg:$0xd];
	[sflag:s19] =	ssyncadd.s32 $0xFFFFFF06;
	s18 =	sshrl.u32 s28, $0x3  }
0x30: {  	[hbm:s21@s7], [sflag:s3] =	dma.strided [spmem:s18@s23], $0xFA, s0, $0x2   }
0x31: {  	_ =	swait.ge [sflag:s19], $0xFA  }
0x32: {  	s18 =	simm.s32 $0x15;
	[sflag:s19] =	ssyncset.done $0x0;
	s29 =	rddreg [dreg:$0x9]  }
0x33: {  	[sflag:s19] =	ssyncadd.s32 $0xFFFFFF06;
	s21 =	sshrl.u32 s29, $0x3;
	s19 =	rddreg [dreg:$0xe]  }
0x34: {  	[hbm:s19@s7], [sflag:s3] =	dma.strided [spmem:s21@s23], $0xFA, s0, $0x2   }
0x35: {  	_ =	swait.ge [sflag:s18], $0xFA  }
0x36: {  	s3 =	rddreg [dreg:$0x10]  }
0x37: {  	s21 =	rddreg [dreg:$0xf];
	s19 =	sadd.s32 $0x1, s3  }
0x38: {  	p0 =	sne.s32 s19, s21  }
.Ltmp1:
0x39: {  	_ = 	snop;
	(pc) =	sbr.rel @!p0 .LBB2_7-.Ltmp1, $3  }
0x3a: {  	_ =	sdelay $0x1  }
0x3b: {  	[sflag:s18] =	ssyncset.done $0x0  }
0x3c: {  	[sflag:s18] =	ssyncadd.s32 $0xFFFFFF06  }
.LBB2_1:
0x3d: {  	[dreg:$0x10] =	wrdreg s19;
	s3 =	simm.s32 $0x0  }
0x3e: {  	s19 =	simm.s32 $0x15;
	s18 =	rddreg [dreg:$0x3];
	s21 =	simm.s32 $0x4E20  }
0x3f: {  	[tilespmem:s21], [sflag:$0x15] =	stream.linear.gather [hbm4b:s18+s3], $0x2800, $0x38;
	[tilespmem:$0xCD00] =	vst v63  }
0x40: {  	_ =	swait.ge [sflag:s19], $0x2800  }
0x41: {  	s21 =	simm.s32 $0x7620;
	[sflag:s19] =	ssyncset.done $0x0  }
0x42: {  	s18 =	simm.s32 $0x15;
	[sflag:s19] =	ssyncadd.s32 $0xFFFFD800;
	s19 =	rddreg [dreg:$0x4]  }
0x43: {  	[tilespmem:s21], [sflag:$0x15] =	stream.linear.gather [hbm4b:s19+s3], $0x2800, $0x38;
	[tilespmem:$0xCD00] =	vst v63  }
0x44: {  	_ =	swait.ge [sflag:s18], $0x2800  }
0x45: {  	[sflag:s18] =	ssyncset.done $0x0  }
0x46: {  	s3 =	simm.s32 $0x40;
	s21 =	simm.s32 $0x0;
	[sflag:s18] =	ssyncadd.s32 $0xFFFFD800  }
.LBB2_2:
0x47: {  	p0 =	sne.s32 s3, $0x1F00;
	[tilespmem:s21+$0x9E20] =	vst v0;
	s21 =	smov.u32 s3;
	s3 =	sadd.s32 $0x40, s3  }
.Ltmp2:
0x48: {  	(pc) =	sbr.rel @p0 .LBB2_2-.Ltmp2, $2  }
0x49: {  	_ =	sdelay $0x2  }
0x4a: {  	s21 =	sshra.s32 s21, $0x2  }
0x4b: {  	[tilespmem:s21+$0x9E20] =	vst v0;
	s19 =	rddreg [dreg:$0x5];
	s3 =	simm.s32 $0x9E20  }
0x4c: {  	[spmem:s19] =	stream.linear.scatter [tilespmem:s3], [sflag:$0x15], $0x7D0, $0x38;
	[tilespmem:$0xCD00] =	vst v63  }
0x4d: {  	_ =	swait.ge [sflag:s18], $0x7D0  }
0x4e: {  	[sflag:s18] =	ssyncset.done $0x0  }
0x4f: {  	[sflag:s18] =	ssyncadd.s32 $0xFFFFF830  }
0x50: {  	[spmem:s24] =	stream.linear.scatter [tilespmem:s3], [sflag:$0x15], $0x7D0, $0x38;
	[tilespmem:$0xCD00] =	vst v63  }
0x51: {  	_ =	swait.ge [sflag:s18], $0x7D0  }
0x52: {  	[sflag:s18] =	ssyncset.done $0x0  }
0x53: {  	[sflag:s18] =	ssyncadd.s32 $0xFFFFF830  }
0x54: {  	[spmem:s26] =	stream.linear.scatter [tilespmem:s3], [sflag:$0x15], $0x7D0, $0x38;
	[tilespmem:$0xCD00] =	vst v63  }
0x55: {  	_ =	swait.ge [sflag:s18], $0x7D0  }
0x56: {  	[sflag:s18] =	ssyncset.done $0x0  }
0x57: {  	[sflag:s18] =	ssyncadd.s32 $0xFFFFF830  }
0x58: {  	[spmem:s28] =	stream.linear.scatter [tilespmem:s3], [sflag:$0x15], $0x7D0, $0x38;
	[tilespmem:$0xCD00] =	vst v63  }
0x59: {  	_ =	swait.ge [sflag:s18], $0x7D0  }
0x5a: {  	[sflag:s18] =	ssyncset.done $0x0  }
0x5b: {  	[sflag:s18] =	ssyncadd.s32 $0xFFFFF830  }
0x5c: {  	[spmem:s29] =	stream.linear.scatter [tilespmem:s3], [sflag:$0x15], $0x7D0, $0x38;
	[tilespmem:$0xCD00] =	vst v63  }
0x5d: {  	_ =	swait.ge [sflag:s18], $0x7D0  }
0x5e: {  	[sflag:s18] =	ssyncset.done $0x0  }
0x5f: {  	s21 =	simm.s32 $0x0;
	s26 =	simm.s32 $0x4E20;
	[sflag:s18] =	ssyncadd.s32 $0xFFFFF830  }
0x60: {  	[tilespmem:s21], [sflag:$0x1] =	stream.indirect.gather [hbm4b:s4+s22], $0x10, s26, s22, $0xb8;
	[tilespmem:$0xCD00] =	vst v63  }
0x61: {  	s28 =	simm.s32 $0x4EA0;
	s29 =	simm.s32 $0x7D0  }
0x62: {  	[tilespmem:s29], [sflag:$0x2] =	stream.indirect.gather [hbm4b:s4+s22], $0x10, s28, s22, $0xb8;
	[tilespmem:$0xCD00] =	vst v63  }
0x63: {  	s19 =	simm.s32 $0x4F20;
	s24 =	simm.s32 $0xFA0  }
0x64: {  	[tilespmem:s24], [sflag:$0x3] =	stream.indirect.gather [hbm4b:s4+s22], $0x10, s19, s22, $0xb8;
	[tilespmem:$0xCD00] =	vst v63  }
0x65: {  	s26 =	simm.s32 $0x4FA0;
	s28 =	simm.s32 $0x1770  }
0x66: {  	[tilespmem:s28], [sflag:$0x4] =	stream.indirect.gather [hbm4b:s4+s22], $0x10, s26, s22, $0xb8;
	[tilespmem:$0xCD00] =	vst v63  }
0x67: {  	s29 =	simm.s32 $0x5020  }
0x68: {  	[tilespmem:s31], [sflag:$0x5] =	stream.indirect.gather [hbm4b:s4+s22], $0x10, s29, s22, $0xb8;
	[tilespmem:$0xCD00] =	vst v63  }
0x69: {  	[bflag:$0x0] =	sbarrier.arrive $0xFFFF  }
.LBB2_4:
0x6a: {  	_ =	swait.ge [sflag:s0], $0x7D0  }
0x6b: {  	s3 =	sshra.s32 s21, $0x2;
	[sflag:s0] =	ssyncset.done $0x0  }
0x6c: {  	s18 =	simm.s32 $0x0;
	s24 =	sadd.s32 $0x7620, s3;
	[sflag:s0] =	ssyncadd.s32 $0xFFFFF830  }
0x6d: {  	[spmem:s1] =	stream.indirect.scatter.add.f32 [tilespmem:s18], [sflag:$0xB], $0x10, s24, s22, $0xb8;
	[tilespmem:$0xCD00] =	vst v63  }
0x6e: {  	_ =	swait.ge [sflag:s2], $0x7D0  }
0x6f: {  	[sflag:s2] =	ssyncset.done $0x0  }
0x70: {  	s26 =	sadd.s32 $0x50A0, s3;
	[sflag:s2] =	ssyncadd.s32 $0xFFFFF830  }
0x71: {  	[tilespmem:s20], [sflag:$0x6] =	stream.indirect.gather [hbm4b:s4+s22], $0x10, s26, s22, $0xb8;
	[tilespmem:$0xCD00] =	vst v63  }
0x72: {  	_ =	swait.ge [sflag:s23], $0x7D0  }
0x73: {  	[sflag:s23] =	ssyncset.done $0x0  }
0x74: {  	s29 =	simm.s32 $0x7D0;
	s28 =	sadd.s32 $0x76A0, s3;
	[sflag:s23] =	ssyncadd.s32 $0xFFFFF830  }
0x75: {  	[spmem:s1] =	stream.indirect.scatter.add.f32 [tilespmem:s29], [sflag:$0xC], $0x10, s28, s22, $0xb8;
	[tilespmem:$0xCD00] =	vst v63  }
0x76: {  	_ =	swait.ge [sflag:s25], $0x7D0  }
0x77: {  	[sflag:s25] =	ssyncset.done $0x0  }
0x78: {  	s19 =	sadd.s32 $0x5120, s3;
	s26 =	simm.s32 $0x2EE0;
	[sflag:s25] =	ssyncadd.s32 $0xFFFFF830  }
0x79: {  	[tilespmem:s26], [sflag:$0x7] =	stream.indirect.gather [hbm4b:s4+s22], $0x10, s19, s22, $0xb8;
	[tilespmem:$0xCD00] =	vst v63  }
0x7a: {  	_ =	swait.ge [sflag:s30], $0x7D0  }
0x7b: {  	[sflag:s30] =	ssyncset.done $0x0  }
0x7c: {  	s28 =	sadd.s32 $0x7720, s3;
	s29 =	simm.s32 $0xFA0;
	[sflag:s30] =	ssyncadd.s32 $0xFFFFF830  }
0x7d: {  	[spmem:s1] =	stream.indirect.scatter.add.f32 [tilespmem:s29], [sflag:$0xD], $0x10, s28, s22, $0xb8;
	[tilespmem:$0xCD00] =	vst v63  }
0x7e: {  	_ =	swait.ge [sflag:s5], $0x7D0  }
0x7f: {  	[sflag:s5] =	ssyncset.done $0x0  }
0x80: {  	s18 =	sadd.s32 $0x51A0, s3;
	[sflag:s5] =	ssyncadd.s32 $0xFFFFF830  }
0x81: {  	[tilespmem:s6], [sflag:$0x8] =	stream.indirect.gather [hbm4b:s4+s22], $0x10, s18, s22, $0xb8;
	[tilespmem:$0xCD00] =	vst v63  }
0x82: {  	_ =	swait.ge [sflag:s12], $0x7D0  }
0x83: {  	[sflag:s12] =	ssyncset.done $0x0  }
0x84: {  	s19 =	sadd.s32 $0x77A0, s3;
	s26 =	simm.s32 $0x1770;
	[sflag:s12] =	ssyncadd.s32 $0xFFFFF830  }
0x85: {  	[spmem:s1] =	stream.indirect.scatter.add.f32 [tilespmem:s26], [sflag:$0xE], $0x10, s19, s22, $0xb8;
	[tilespmem:$0xCD00] =	vst v63  }
0x86: {  	_ =	swait.ge [sflag:s13], $0x7D0  }
0x87: {  	[sflag:s13] =	ssyncset.done $0x0  }
0x88: {  	s28 =	sadd.s32 $0x5220, s3;
	s29 =	simm.s32 $0x3E80;
	[sflag:s13] =	ssyncadd.s32 $0xFFFFF830  }
0x89: {  	[tilespmem:s29], [sflag:$0x9] =	stream.indirect.gather [hbm4b:s4+s22], $0x10, s28, s22, $0xb8;
	[tilespmem:$0xCD00] =	vst v63  }
0x8a: {  	_ =	swait.ge [sflag:s14], $0x7D0  }
0x8b: {  	[sflag:s14] =	ssyncset.done $0x0  }
0x8c: {  	s19 =	sadd.s32 $0x7820, s3;
	[sflag:s14] =	ssyncadd.s32 $0xFFFFF830  }
0x8d: {  	[spmem:s1] =	stream.indirect.scatter.add.f32 [tilespmem:s31], [sflag:$0xF], $0x10, s19, s22, $0xb8;
	[tilespmem:$0xCD00] =	vst v63  }
0x8e: {  	_ =	swait.ge [sflag:s15], $0x7D0  }
0x8f: {  	[sflag:s15] =	ssyncset.done $0x0  }
0x90: {  	s26 =	sadd.s32 $0x52A0, s3;
	[sflag:s15] =	ssyncadd.s32 $0xFFFFF830  }
0x91: {  	[tilespmem:s16], [sflag:$0xA] =	stream.indirect.gather [hbm4b:s4+s22], $0x10, s26, s22, $0xb8;
	[tilespmem:$0xCD00] =	vst v63  }
0x92: {  	_ =	swait.ge [sflag:s17], $0x7D0  }
0x93: {  	[sflag:s17] =	ssyncset.done $0x0  }
0x94: {  	s28 =	sadd.s32 $0x78A0, s3;
	[sflag:s17] =	ssyncadd.s32 $0xFFFFF830  }
0x95: {  	[spmem:s1] =	stream.indirect.scatter.add.f32 [tilespmem:s20], [sflag:$0x10], $0x10, s28, s22, $0xb8;
	[tilespmem:$0xCD00] =	vst v63  }
0x96: {  	_ =	swait.ge [sflag:s7], $0x7D0  }
0x97: {  	p0 =	seq.s32 s21, $0x8C00;
	[sflag:s7] =	ssyncset.done $0x0  }
0x98: {  	s24 =	simm.s32 @p0 $0x7;
	[sflag:s7] =	ssyncadd.s32 $0xFFFFF830  }
0x99: {  	_ =	swait.ge @p0 [sflag:s24], $0x7D0  }
0x9a: {  	[sflag:s24] =	ssyncset.done @p0 $0x0  }
0x9b: {  	[sflag:s24] =	ssyncadd.s32 @p0 $0xFFFFF830;
	s24 =	sshra.s32 @p0 s21, $0x2  }
0x9c: {  	s29 =	simm.s32 @p0 $0x2EE0;
	s28 =	simm.s32 @p0 $0x7D;
	s26 =	sadd.s32 @p0 $0x7920, s24  }
0x9d: {  	[spmem:s1] =	stream.indirect.scatter.add.f32 @p0 [tilespmem:s29], [sflag:$0x11], $0x10, s26, s28, $0xb8;
	[tilespmem:$0xCD00] =	vst v63  }
0x9e: {  	s26 =	simm.s32 @p0 $0x11  }
0x9f: {  	_ =	swait.ge @p0 [sflag:s26], $0x7D0  }
0xa0: {  	[sflag:s26] =	ssyncset.done @p0 $0x0  }
0xa1: {  	[sflag:s26] =	ssyncadd.s32 @p0 $0xFFFFF830;
	s26 =	sshra.s32 @!p0 s21, $0x2  }
0xa2: {  	s18 =	simm.s32 @!p0 $0x7D;
	s19 =	simm.s32 @!p0 $0x0;
	s29 =	sadd.s32 @!p0 $0x5320, s26  }
0xa3: {  	[tilespmem:s19], [sflag:$0x1] =	stream.indirect.gather @!p0 [hbm4b:s4+s18], $0x10, s29, s18, $0xb8;
	[tilespmem:$0xCD00] =	vst v63  }
0xa4: {  	s19 =	simm.s32 @!p0 $0x7  }
0xa5: {  	_ =	swait.ge @!p0 [sflag:s19], $0x7D0  }
0xa6: {  	[sflag:s19] =	ssyncset.done @!p0 $0x0  }
0xa7: {  	s29 =	simm.s32 @!p0 $0x2EE0;
	[sflag:s19] =	ssyncadd.s32 @!p0 $0xFFFFF830;
	s19 =	sadd.s32 @!p0 $0x7920, s26  }
0xa8: {  	[spmem:s1] =	stream.indirect.scatter.add.f32 @!p0 [tilespmem:s29], [sflag:$0x11], $0x10, s19, s18, $0xb8;
	[tilespmem:$0xCD00] =	vst v63  }
0xa9: {  	s19 =	simm.s32 @!p0 $0x11  }
0xaa: {  	_ =	swait.ge @!p0 [sflag:s19], $0x7D0  }
0xab: {  	[sflag:s19] =	ssyncset.done @!p0 $0x0  }
0xac: {  	s29 =	simm.s32 @!p0 $0x7D0;
	[sflag:s19] =	ssyncadd.s32 @!p0 $0xFFFFF830;
	s19 =	sadd.s32 @!p0 $0x53A0, s26  }
0xad: {  	[tilespmem:s29], [sflag:$0x2] =	stream.indirect.gather @!p0 [hbm4b:s4+s18], $0x10, s19, s18, $0xb8;
	[tilespmem:$0xCD00] =	vst v63  }
0xae: {  	_ =	swait.ge [sflag:s8], $0x7D0  }
0xaf: {  	[sflag:s8] =	ssyncset.done $0x0  }
0xb0: {  	s29 =	sadd.s32 $0x79A0, s3;
	[sflag:s8] =	ssyncadd.s32 $0xFFFFF830  }
0xb1: {  	[spmem:s1] =	stream.indirect.scatter.add.f32 [tilespmem:s6], [sflag:$0x12], $0x10, s29, s22, $0xb8;
	[tilespmem:$0xCD00] =	vst v63  }
0xb2: {  	_ =	swait.ge [sflag:s9], $0x7D0  }
0xb3: {  	[sflag:s9] =	ssyncset.done $0x0  }
0xb4: {  	s19 =	simm.s32 @p0 $0x9;
	[sflag:s9] =	ssyncadd.s32 $0xFFFFF830  }
0xb5: {  	_ =	swait.ge @p0 [sflag:s19], $0x7D0  }
0xb6: {  	[sflag:s19] =	ssyncset.done @p0 $0x0  }
0xb7: {  	[sflag:s19] =	ssyncadd.s32 @p0 $0xFFFFF830;
	s19 =	sadd.s32 @p0 $0x7A20, s24;
	s24 =	simm.s32 @p0 $0x3E80  }
0xb8: {  	[spmem:s1] =	stream.indirect.scatter.add.f32 @p0 [tilespmem:s24], [sflag:$0x13], $0x10, s19, s28, $0xb8;
	[tilespmem:$0xCD00] =	vst v63  }
0xb9: {  	s19 =	simm.s32 @p0 $0x13  }
0xba: {  	_ =	swait.ge @p0 [sflag:s19], $0x7D0  }
0xbb: {  	[sflag:s19] =	ssyncset.done @p0 $0x0  }
0xbc: {  	s24 =	simm.s32 @!p0 $0xFA0;
	[sflag:s19] =	ssyncadd.s32 @p0 $0xFFFFF830;
	s19 =	sadd.s32 @!p0 $0x5420, s26  }
0xbd: {  	[tilespmem:s24], [sflag:$0x3] =	stream.indirect.gather @!p0 [hbm4b:s4+s18], $0x10, s19, s18, $0xb8;
	[tilespmem:$0xCD00] =	vst v63  }
0xbe: {  	s19 =	simm.s32 @!p0 $0x9  }
0xbf: {  	_ =	swait.ge @!p0 [sflag:s19], $0x7D0  }
0xc0: {  	[sflag:s19] =	ssyncset.done @!p0 $0x0  }
0xc1: {  	s24 =	simm.s32 @!p0 $0x3E80;
	[sflag:s19] =	ssyncadd.s32 @!p0 $0xFFFFF830;
	s19 =	sadd.s32 @!p0 $0x7A20, s26  }
0xc2: {  	[spmem:s1] =	stream.indirect.scatter.add.f32 @!p0 [tilespmem:s24], [sflag:$0x13], $0x10, s19, s18, $0xb8;
	[tilespmem:$0xCD00] =	vst v63  }
0xc3: {  	s19 =	simm.s32 @!p0 $0x13  }
0xc4: {  	_ =	swait.ge @!p0 [sflag:s19], $0x7D0  }
0xc5: {  	[sflag:s19] =	ssyncset.done @!p0 $0x0  }
0xc6: {  	s24 =	simm.s32 @!p0 $0x1770;
	[sflag:s19] =	ssyncadd.s32 @!p0 $0xFFFFF830;
	s19 =	sadd.s32 @!p0 $0x54A0, s26  }
0xc7: {  	[tilespmem:s24], [sflag:$0x4] =	stream.indirect.gather @!p0 [hbm4b:s4+s18], $0x10, s19, s18, $0xb8;
	[tilespmem:$0xCD00] =	vst v63  }
0xc8: {  	_ =	swait.ge [sflag:s10], $0x7D0  }
0xc9: {  	[sflag:s10] =	ssyncset.done $0x0  }
.Ltmp3:
0xca: {  	s29 =	sadd.s32 $0x7AA0, s3;
	[sflag:s10] =	ssyncadd.s32 $0xFFFFF830;
	(pc) =	sbr.rel @p0 .LBB2_6-.Ltmp3, $4  }
0xcb: {  	[spmem:s1] =	stream.indirect.scatter.add.f32 [tilespmem:s16], [sflag:$0x14], $0x10, s29, s22, $0xb8;
	[tilespmem:$0xCD00] =	vst v63  }
0xcc: {  	_ =	swait.ge [sflag:s11], $0x7D0  }
0xcd: {  	[sflag:s11] =	ssyncset.done $0x0  }
0xce: {  	[sflag:s11] =	ssyncadd.s32 $0xFFFFF830  }
.Ltmp4:
0xcf: {  	(pc) =	sbr.rel .LBB2_4-.Ltmp4, $3  }
0xd0: {  	_ =	sdelay $0x1  }
0xd1: {  	s3 =	sadd.s32 $0x5520, s3;
	s21 =	sadd.s32 $0x1400, s21  }
0xd2: {  	[tilespmem:s31], [sflag:$0x5] =	stream.indirect.gather [hbm4b:s4+s22], $0x10, s3, s22, $0xb8;
	[tilespmem:$0xCD00] =	vst v63  }
.LBB2_7:
0xd3: {  	_ =	sfence.sel $0x180000  }
0xd4: {  	[bflag:$0x0] =	sbarrier.arrive $0xFFFF  }
0xd5: {  	_ =	strace $0x9000004A  }
0xd6: {  	s0 =	stileid.u32;
	[bflag:$0x2] =	sbarrier.arrive $0xFFFF  }
0xd7: {  	p0 =	sne.s32 s0, $0x0;
	s0 =	rddreg [dreg:$0x2]  }
0xd8: {  	s0 =	sadd.s32 @!p0 $0x100000, s0  }
0xd9: {  	[sflag:s0] =	ssyncadd.tile.s32 @!p0 $0x1;
	_ =	shalt  }
.Lfunc_end2:
_tile_overlayer_lowered:
.L_overlay_start_2:
0xda: {  	(tag) =	ssettag $0x2  }
0xdb: {  	s0 =	rddreg [dreg:$0x0];
	s2 =	stileid.u32  }
0xdc: {  	s1 =	rddreg [dreg:$0x1];
	p0 =	sne.s32 s2, $0x0  }
0xdd: {  	s3 =	rddreg [dreg:$0x2];
	[bflag:$0x3] =	sbarrier.arrive $0xFFFF;
	s2 =	simm.s32 @!p0 $0x1C15  }
0xde: {  	[timem:s3], [sflag:s2] =	dma.local @!p0 [hbm:s0], s1  }
0xdf: {  	s0 =	simm.s32 @!p0 $0x15  }
0xe0: {  	_ =	swait.ge @!p0 [sflag:s0], s1  }
0xe1: {  	s1 =	ssub.s32 @!p0 $0x0, s1;
	[sflag:s0] =	ssyncset.done @!p0 $0x0  }
0xe2: {  	[sflag:s0] =	ssyncadd.s32 @!p0 s1  }
0xe3: {  	[bflag:$0x3] =	sbarrier.arrive $0xFFFF  }
0xe4: {  	_ =	shalt  }

// kernel: kernel.13.cloned.1.call-start
scs
__scs_entry_jumppad:
0x0: {  	(pc) =	sbr.rel $0x88, $3  }
0x1: {  	(tag) =	ssettag $0x0;
	lr =	simm.s32 $0x1  }
0x2: {  	[smem:$0x3F98] =	sst lr;
	_ =	strace $0xD0000000  }
0x3: {  	_ = 	snop  }
0x4: {  	_ = 	snop  }
0x5: {  	_ = 	snop  }
0x6: {  	_ = 	snop  }
0x7: {  	_ = 	snop  }
__scs_overlays_trampoline_lowered:
0x8: {  	[smem:$0x3FA7] =	sst s0  }
0x9: {  	[smem:$0x3FA8] =	sst s1  }
0xa: {  	[smem:$0x3FA9] =	sst s2  }
0xb: {  	[smem:$0x3FAA] =	sst s3  }
0xc: {  	[smem:$0x3FAB] =	sst s4  }
0xd: {  	[smem:$0x3FAC] =	sst s5  }
0xe: {  	[smem:$0x3FAD] =	sst s6  }
0xf: {  	[smem:$0x3FAE] =	sst s7  }
0x10: {  	[smem:$0x3FAF] =	sst s8  }
0x11: {  	[smem:$0x3FB0] =	sst s9;
	s0 =	simm.s32 @!p0 $0x0  }
0x12: {  	s1 =	sld [smem:$0x3F96];
	s0 =	simm.s32 @p0 $0x1  }
0x13: {  	[smem:$0x3FB1] =	sst s0;
	s0 =	simm.s32 @!p1 $0x0  }
0x14: {  	s2 =	sld [smem:$0x3F95];
	s0 =	simm.s32 @p1 $0x1  }
0x15: {  	[smem:$0x3FB2] =	sst s0;
	s0 =	simm.s32 @!p2 $0x0  }
0x16: {  	s3 =	sld [smem:$0x3FDB];
	s0 =	simm.s32 @p2 $0x1  }
0x17: {  	s4 =	simm.s32 $0x1BF5;
	[smem:$0x3FB4] =	sst s0  }
0x18: {  	s0 =	sld [smem:$0x3F97];
	_ =	swait.ge [sflag:s4], $0x0  }
0x19: {  	s7 =	sld [smem:$0x3F98]  }
0x1a: {  	s8 =	sadd.s32 $0xFFFFE003, lr  }
0x1b: {  	s9 =	sadd.s32 $0xFFFFFEF7, lr;
	s5 =	simm.s32 $0xFFFFFFFF;
	p2 =	slt.u32 s8, $0xFFFFF086  }
0x1c: {  	p1 =	slt.u32 s9, $0xF7A;
	s5 =	simm.s32 @!p2 $0x0  }
0x1d: {  	s5 =	simm.s32 @p1 $0x1;
	p0 =	seq.s32 s7, s2  }
0x1e: {  	s7 =	smul.u32 @!p0 $0xF7A, s2;
	p2 =	seq.s32 @!p0 s5, $0x0  }
0x1f: {  	s9 =	smul.u32 $0xF7A, s1;
	s8 =	simm.s32 @!p0 $0x1BF5;
	p2 =	por !p2, p0  }
0x20: {  	[sflag:s8] =	ssyncset.s32 @!p0 $0xFFFFF086;
	s6 =	sadd.s32 @!p0 s3, s7;
	s7 =	simm.s32 @!p0 $0x108  }
0x21: {  	s3 =	sadd.s32 s3, s9;
	s6 =	sadd.s32 @!p0 $0x88, s6;
	s7 =	simm.s32 @p2 $0x1082  }
0x22: {  	[simem:s7], [sflag:s8] =	dma.local @!p0 [hbm:s6], $0xF7A  }
0x23: {  	s9 =	sor.u32 $0xD0000000, s2;
	s6 =	simm.s32 $0x108;
	_ =	swait.ge @!p0 [sflag:s8], $0x0  }
0x24: {  	s3 =	sadd.s32 $0x88, s3;
	s6 =	simm.s32 @!p1 $0x1082;
	[sflag:s4] =	ssyncset.s32 $0xFFFFF086  }
0x25: {  	[simem:s6], [sflag:s4] =	dma.local [hbm:s3], $0xF7A  }
0x26: {  	[smem:$0x3F98] =	sst s1;
	(tag) =	ssettag s2;
	_ =	strace s9  }
0x27: {  	s1 =	sld [smem:$0x3FA8]  }
0x28: {  	s2 =	sld [smem:$0x3FA9]  }
0x29: {  	s4 =	sld [smem:$0x3FAB]  }
0x2a: {  	p0 =	seq.s32 s5, $0x0;
	s5 =	sld [smem:$0x3FAC]  }
0x2b: {  	s6 =	sld [smem:$0x3FAD]  }
0x2c: {  	s7 =	sld [smem:$0x3FAE]  }
0x2d: {  	s3 =	simm.s32 $0x108;
	s8 =	sld [smem:$0x3FAF]  }
0x2e: {  	s3 =	simm.s32 @!p0 $0x1082;
	s9 =	sld [smem:$0x3FB0]  }
0x2f: {  	lr =	sadd.s32 s0, s3;
	s0 =	sld [smem:$0x3FA7]  }
0x30: {  	s3 =	sld [smem:$0x3FAA]  }
0x31: {  	[smem:$0x3FB3] =	sst s10  }
0x32: {  	s10 =	sld [smem:$0x3FB1];
	_ =	sdelay $0x3  }
0x33: {  	p0 =	seq.s32 s10, $0x1;
	s10 =	sld [smem:$0x3FB3];
	_ =	sdelay $0x3  }
0x34: {  	[smem:$0x3FB3] =	sst s10  }
0x35: {  	s10 =	sld [smem:$0x3FB2];
	_ =	sdelay $0x3  }
0x36: {  	p1 =	seq.s32 s10, $0x1;
	s10 =	sld [smem:$0x3FB3];
	_ =	sdelay $0x3  }
0x37: {  	[smem:$0x3FB3] =	sst s10  }
0x38: {  	s10 =	sld [smem:$0x3FB4]  }
0x39: {  	_ = 	snop;
	(pc) =	sbr.ind lr, $3  }
0x3a: {  	_ = 	snop  }
0x3b: {  	_ = 	snop  }
0x3c: {  	p2 =	seq.s32 s10, $0x1;
	s10 =	sld [smem:$0x3FB3]  }
0x3d: {  	_ =	shalt  }
0x3e: {  	_ =	shalt  }
0x3f: {  	_ =	shalt  }
0x40: {  	_ =	shalt  }
0x41: {  	_ =	shalt  }
0x42: {  	_ =	shalt  }
0x43: {  	_ =	shalt  }
0x44: {  	_ =	shalt  }
0x45: {  	_ =	shalt  }
0x46: {  	_ =	shalt  }
0x47: {  	_ =	shalt  }
0x48: {  	_ =	shalt  }
0x49: {  	_ =	shalt  }
0x4a: {  	_ =	shalt  }
0x4b: {  	_ =	shalt  }
0x4c: {  	_ =	shalt  }
0x4d: {  	_ =	shalt  }
0x4e: {  	_ =	shalt  }
0x4f: {  	_ =	shalt  }
0x50: {  	_ =	shalt  }
0x51: {  	_ =	shalt  }
0x52: {  	_ =	shalt  }
0x53: {  	_ =	shalt  }
0x54: {  	_ =	shalt  }
0x55: {  	_ =	shalt  }
0x56: {  	_ =	shalt  }
0x57: {  	_ =	shalt  }
0x58: {  	_ =	shalt  }
0x59: {  	_ =	shalt  }
0x5a: {  	_ =	shalt  }
0x5b: {  	_ =	shalt  }
0x5c: {  	_ =	shalt  }
0x5d: {  	_ =	shalt  }
0x5e: {  	_ =	shalt  }
0x5f: {  	_ =	shalt  }
0x60: {  	_ =	shalt  }
0x61: {  	_ =	shalt  }
0x62: {  	_ =	shalt  }
0x63: {  	_ =	shalt  }
0x64: {  	_ =	shalt  }
0x65: {  	_ =	shalt  }
0x66: {  	_ =	shalt  }
0x67: {  	_ =	shalt  }
0x68: {  	_ =	shalt  }
0x69: {  	_ =	shalt  }
0x6a: {  	_ =	shalt  }
0x6b: {  	_ =	shalt  }
0x6c: {  	_ =	shalt  }
0x6d: {  	_ =	shalt  }
0x6e: {  	_ =	shalt  }
0x6f: {  	_ =	shalt  }
0x70: {  	_ =	shalt  }
0x71: {  	_ =	shalt  }
0x72: {  	_ =	shalt  }
0x73: {  	_ =	shalt  }
0x74: {  	_ =	shalt  }
0x75: {  	_ =	shalt  }
0x76: {  	_ =	shalt  }
0x77: {  	_ =	shalt  }
0x78: {  	_ =	shalt  }
0x79: {  	_ =	shalt  }
0x7a: {  	_ =	shalt  }
0x7b: {  	_ =	shalt  }
0x7c: {  	_ =	shalt  }
0x7d: {  	_ =	shalt  }
0x7e: {  	_ =	shalt  }
0x7f: {  	_ =	shalt  }
0x80: {  	_ =	shalt  }
0x81: {  	_ =	shalt  }
0x82: {  	_ =	shalt  }
0x83: {  	_ =	shalt  }
0x84: {  	_ =	shalt  }
0x85: {  	_ =	shalt  }
0x86: {  	_ =	shalt  }
0x87: {  	_ =	shalt  }
.Lfunc_end0:
.L_simem_size_0:
called_computation.2_lowered:
.L_overlay_start_0:
0x88: {  	s2 =	sld [smem:$0x3FD9]  }
0x89: {  	s3 =	sld [smem:$0x3FFE];
	_ =	sdelay $0x1  }
0x8a: {  	s1 =	srdreg.scid  }
0x8b: {  	s0 =	sand.u32 $0x1, s1  }
0x8c: {  	s17 =	sshll.u32 s0, $0xA;
	s2 =	sadd.s32 s3, s2  }
0x8d: {  	s2 =	sadd.s32 s2, s17  }
0x8e: {  	[smem:$0x3FBF] =	sst s2  }
0x8f: {  	_ = 	snop  }
0x90: {  	s2 =	sld [smem:$0x3FC7];
	(tm) =	ssettm $0x1  }
0x91: {  	s18 =	sld [smem:$0x3FFB];
	_ =	sdelay $0x3  }
0x92: {  	_ =	strace s18  }
0x93: {  	s3 =	sld [smem:$0x3FFC];
	_ =	sdelay $0x3  }
0x94: {  	_ =	strace s3  }
0x95: {  	s3 =	sld [smem:$0x3FFD];
	_ =	sdelay $0x3  }
0x96: {  	_ =	strace s3  }
0x97: {  	_ =	strace $0x8FFFFFFF  }
0x98: {  	s19 =	sld [smem:$0x3FDB];
	_ =	sdelay $0x1  }
0x99: {  	s4 =	simm.s32 $_scs_section_size  }
0x9a: {  	s5 =	simm.s32 $_size__tile_overlayer_lowered;
	s6 =	simm.s32 $_tile_overlayer_lowered  }
0x9b: {  	s22 =	simm.s32 $0x1BFF;
	s21 =	sshll.u32 s6, $0x1;
	s3 =	sadd.s32 s4, s19  }
0x9c: {  	s7 =	simm.s32 $0x0;
	s20 =	sshll.u32 s5, $0x1;
	s5 =	sadd.s32 s21, s3  }
0x9d: {  	[timem:s7], [sflag:s22] =	dma.local [hbm:s5], s20  }
0x9e: {  	_ =	swait.ge [sflag:s22], s20  }
0x9f: {  	s4 =	ssub.s32 $0x0, s20;
	[sflag:s22] =	ssyncset.done $0x0  }
0xa0: {  	[sflag:s22] =	ssyncadd.s32 s4;
	_ =	sdelay $0x1  }
0xa1: {  	s23 =	simm.s32 $0x1B8B  }
0xa2: {  	_ =	swait.ge [sflag:s23], $0x1  }
0xa3: {  	[sflag:s23] =	ssyncset.done $0x0  }
0xa4: {  	s25 =	simm.s32 $0x1B8E;
	s24 =	sld [smem:$0x3FFE];
	[sflag:s23] =	ssyncadd.s32 $0xFFFFFFFF  }
0xa5: {  	s26 =	simm.s32 $execute0_lowered;
	[smem:$0x3FD2] =	sst s25  }
0xa6: {  	s5 =	sshll.u32 s26, $0x1;
	_ =	strace $0x8000004C;
	[dreg:$0x1] =	wrdreg $0xFFFFFFFF  }
0xa7: {  	s28 =	simm.s32 $_size_execute0_lowered;
	s3 =	sadd.s32 s3, s5;
	[dreg:$0x0] =	wrdreg $0x0  }
0xa8: {  	s5 =	sshll.u32 s28, $0x1;
	[dreg:$0x2] =	wrdreg s3  }
0xa9: {  	[dreg:$0x3] =	wrdreg s5  }
0xaa: {  	[dreg:$0x4] =	wrdreg $0xC0  }
0xab: {  	_ =	task [dreg:s7], $0x5FFFF  }
0xac: {  	[dreg:$0x1] =	wrdreg $0xFFFFFFFF  }
0xad: {  	[dreg:$0x0] =	wrdreg $0x60  }
0xae: {  	[dreg:$0x2] =	wrdreg s24  }
0xaf: {  	[dreg:$0x3] =	wrdreg s2  }
0xb0: {  	[dreg:$0x4] =	wrdreg $0x9  }
0xb1: {  	_ =	task.clear_ibuf [dreg:s7], $0x5FFFF;
	_ =	strace $0x9000004C  }
0xb2: {  	s29 =	simm.s32 $0x9;
	_ =	strace $0x8000004E  }
0xb3: {  	_ =	swait.ge [sflag:s29], $0x1  }
0xb4: {  	[sflag:s29] =	ssyncadd.s32 $0xFFFFFFFF  }
0xb5: {  	_ =	strace $0x9000004E  }
0xb6: {  	_ =	sfence  }
0xb7: {  	s30 =	sld [smem:$0x0];
	_ =	sdelay $0x2  }
0xb8: {  	s31 =	sshll.u32 s1, $0xD;
	s1 =	sshrl.u32 s1, $0x2  }
0xb9: {  	s3 =	sand.u32 $0x4000, s31;
	s1 =	sadd.s32 s1, s30  }
0xba: {  	s0 =	sor.u32 s3, s0;
	s1 =	sshll.u32 s1, $0x11  }
0xbb: {  	s0 =	sor.u32 s1, s0  }
0xbc: {  	s0 =	sadd.s32 $0x8F2B, s0  }
0xbd: {  	[sflag:s0] =	ssyncadd.remote.s32 $0x1  }
0xbe: {  	_ =	sfence.sel $0xFFFF  }
0xbf: {  	[dreg:$0x0] =	wrdreg $0xFFFFFFFF;
	(pc) =	sbr.abs _section_cstart, $3  }
0xc0: {  	[dreg:$0x1] =	wrdreg $0xFFFFFFFF  }
0xc1: {  	_ =	task.clear_ibuf [dreg:s7], $0x2FFFF;
	_ =	strace $0x9FFFFFFF  }
0xc2: {  	(tm) =	ssettm $0x7FFFFFFF  }
0xc3: {  	_ =	shalt  }
tec
execute0_lowered:
.L_overlay_start_1:
0x0: {  	(tag) =	ssettag $0x1  }
0x1: {  	s7 =	rddreg [dreg:$0x0]  }
0x2: {  	s6 =	rddreg [dreg:$0x1]  }
0x3: {  	s0 =	rddreg [dreg:$0x2];
	s1 =	simm.s32 $0x0  }
0x4: {  	s4 =	srdreg.scid;
	s2 =	stileid.u32;
	s12 =	simm.s32 $0x2220  }
0x5: {  	s13 =	simm.s32 $0x1;
	s14 =	simm.s32 $0x2420;
	s15 =	simm.s32 $0x0  }
0x6: {  	[smem:$0x7FF] =	sst s1;
	s3 =	sadd.s32 $0x1A800, s7;
	s8 =	sand.u32 $0x1, s4  }
0x7: {  	s4 =	sadd.s32 $0x68A00, s7;
	s10 =	sshll.u32 s2, $0x5;
	s9 =	sshll.u32 s8, $0x9  }
0x8: {  	s5 =	sadd.s32 $0x6DA00, s7;
	s8 =	ssub.s32 $0x2, s8;
	s9 =	sor.u32 s10, s9  }
0x9: {  	_ =	strace $0x8000004D;
	s11 =	sshrl.u32 s8, $0x1;
	s10 =	sshll.u32 s9, $0x1  }
0xa: {  	s9 =	sshrl.u32 s9, $0x3;
	s11 =	ssub.s32 s8, s11;
	s10 =	sadd.s32 s10, s7  }
0xb: {  	s6 =	sadd.s32 s6, s9;
	s7 =	sadd.s32 $0x41900, s7;
	s9 =	smax.u32 s11, $0x1  }
0xc: {  	s11 =	simm.s32 $0x2020;
	s8 =	sadd.s32 $0x1800, s10;
	s10 =	simm.s32 $0x2  }
.LBB2_1:
0xd: {  	[tilespmem:s1], [sflag:$0x2] =	stream.linear.gather [hbm4b:s6+s1], $0x20, $0x38;
	[tilespmem:$0x2620] =	vst v63  }
0xe: {  	_ =	swait.ge [sflag:s10], $0x20  }
0xf: {  	[sflag:s10] =	ssyncset.done $0x0  }
0x10: {  	s16 =	simm.s32 $0x20;
	[sflag:s10] =	ssyncadd.s32 $0xFFFFFFE0  }
0x11: {  	[tilespmem:s16], [sflag:$0x1] =	stream.indirect.gather [hbm4b:s3+s16], $0x80, s1, s16, $0xb8;
	[tilespmem:$0x2620] =	vst v63  }
0x12: {  	s17 =	simm.s32 $0x1020  }
0x13: {  	[tilespmem:s17], [sflag:$0x1] =	stream.indirect.gather [hbm4b:s7+s16], $0x80, s1, s16, $0xb8;
	[tilespmem:$0x2620] =	vst v63  }
0x14: {  	_ = 	snop  }
0x15: {  	[tilespmem:s11], [sflag:$0x1] =	stream.indirect.gather [hbm4b:s4+s16], $0x10, s1, s16, $0xb8;
	[tilespmem:$0x2620] =	vst v63  }
0x16: {  	_ = 	snop  }
0x17: {  	[tilespmem:s12], [sflag:$0x1] =	stream.indirect.gather [hbm4b:s5+s16], $0x10, s1, s16, $0xb8;
	[tilespmem:$0x2620] =	vst v63  }
0x18: {  	_ =	swait.ge [sflag:s13], $0x1000  }
0x19: {  	[sflag:s13] =	ssyncset.done $0x0  }
0x1a: {  	[sflag:s13] =	ssyncadd.s32 $0xFFFFF000  }
0x1b: {  	_ =	swait.ge [sflag:s13], $0x1000  }
0x1c: {  	[sflag:s13] =	ssyncset.done $0x0  }
0x1d: {  	[sflag:s13] =	ssyncadd.s32 $0xFFFFF000  }
0x1e: {  	_ =	swait.ge [sflag:s13], $0x200  }
0x1f: {  	[sflag:s13] =	ssyncset.done $0x0  }
0x20: {  	[sflag:s13] =	ssyncadd.s32 $0xFFFFFE00  }
0x21: {  	_ =	swait.ge [sflag:s13], $0x200  }
0x22: {  	[sflag:s13] =	ssyncset.done $0x0  }
0x23: {  	[sflag:s13] =	ssyncadd.s32 $0xFFFFFE00  }
0x24: {  	v0 =	vld [tilespmem:s17+$0x0]  }
0x25: {  	s18 =	simm.s32 $0x40;
	s19 =	simm.s32 $0x0;
	v1 =	vld [tilespmem:s16+$0x0]  }
.LBB2_2:
0x26: {  	p0 =	sne.s32 s18, $0x7C0;
	s20 =	sshra.s32 s19, $0x2;
	s19 =	smov.u32 s18  }
0x27: {  	v2 =	vld [tilespmem:s20+$0x2020];
	_ =	sdelay $0x1  }
0x28: {  	v3 =	vld [tilespmem:s20+$0x2220]  }
0x29: {  	v0 =	vadd.f32 v0, v1;
	_ =	sdelay $0x1  }
0x2a: {  	v0 =	vmul.f32 v2, v0;
	_ =	sdelay $0x1  }
.Ltmp0:
0x2b: {  	v0 =	vadd.f32 v3, v0;
	(pc) =	sbr.rel @p0 .LBB2_2-.Ltmp0, $4  }
0x2c: {  	_ = 	snop  }
0x2d: {  	s17 =	sadd.s32 $0x80, s17;
	[tilespmem:s20+$0x2420] =	vst v0  }
0x2e: {  	s16 =	sadd.s32 $0x80, s16;
	v0 =	vld [tilespmem:s17+$0x0]  }
0x2f: {  	s18 =	sadd.s32 $0x40, s18;
	v1 =	vld [tilespmem:s16+$0x0]  }
0x30: {  	s16 =	sshra.s32 s19, $0x2  }
0x31: {  	v2 =	vld [tilespmem:s16+$0x2020];
	_ =	sdelay $0x1  }
0x32: {  	v3 =	vld [tilespmem:s16+$0x2220]  }
0x33: {  	v0 =	vadd.f32 v0, v1;
	_ =	sdelay $0x1  }
0x34: {  	v0 =	vmul.f32 v2, v0;
	_ =	sdelay $0x1  }
0x35: {  	s15 =	sadd.s32 $0x1, s15;
	v0 =	vadd.f32 v3, v0  }
0x36: {  	p0 =	sne.s32 s15, s9  }
.Ltmp1:
0x37: {  	[tilespmem:s16+$0x2420] =	vst v0;
	(pc) =	sbr.rel @p0 .LBB2_1-.Ltmp1, $4  }
0x38: {  	[hbm4b:s8+s1] =	stream.linear.scatter [tilespmem:s14], [sflag:$0x2], $0x200, $0x38;
	[tilespmem:$0x2620] =	vst v63  }
0x39: {  	_ =	swait.ge [sflag:s10], $0x200  }
0x3a: {  	[sflag:s10] =	ssyncset.done $0x0  }
0x3b: {  	[sflag:s10] =	ssyncadd.s32 $0xFFFFFE00  }
0x3c: {  	_ =	sfence.sel $0x180000  }
0x3d: {  	[bflag:$0x0] =	sbarrier.arrive $0xFFFF  }
0x3e: {  	p0 =	sne.s32 s2, $0x0;
	_ =	strace $0x9000004D  }
0x3f: {  	s0 =	sadd.s32 @!p0 $0x100000, s0;
	[bflag:$0x2] =	sbarrier.arrive $0xFFFF  }
0x40: {  	[sflag:s0] =	ssyncadd.tile.s32 @!p0 $0x1;
	_ =	shalt  }
.Lfunc_end2:
_tile_overlayer_lowered:
.L_overlay_start_2:
0x41: {  	(tag) =	ssettag $0x2  }
0x42: {  	s0 =	rddreg [dreg:$0x0];
	s2 =	stileid.u32  }
0x43: {  	s1 =	rddreg [dreg:$0x1];
	p0 =	sne.s32 s2, $0x0  }
0x44: {  	s3 =	rddreg [dreg:$0x2];
	[bflag:$0x3] =	sbarrier.arrive $0xFFFF;
	s2 =	simm.s32 @!p0 $0x1C02  }
0x45: {  	[timem:s3], [sflag:s2] =	dma.local @!p0 [hbm:s0], s1  }
0x46: {  	s0 =	simm.s32 @!p0 $0x2  }
0x47: {  	_ =	swait.ge @!p0 [sflag:s0], s1  }
0x48: {  	s1 =	ssub.s32 @!p0 $0x0, s1;
	[sflag:s0] =	ssyncset.done @!p0 $0x0  }
0x49: {  	[sflag:s0] =	ssyncadd.s32 @!p0 s1  }
0x4a: {  	[bflag:$0x3] =	sbarrier.arrive $0xFFFF  }
0x4b: {  	_ =	shalt  }

// kernel: kernel.7.cloned.1.call-start
scs
__scs_entry_jumppad:
0x0: {  	(pc) =	sbr.rel $0x88, $3  }
0x1: {  	(tag) =	ssettag $0x0;
	lr =	simm.s32 $0x1  }
0x2: {  	[smem:$0x3F98] =	sst lr;
	_ =	strace $0xD0000000  }
0x3: {  	_ = 	snop  }
0x4: {  	_ = 	snop  }
0x5: {  	_ = 	snop  }
0x6: {  	_ = 	snop  }
0x7: {  	_ = 	snop  }
__scs_overlays_trampoline_lowered:
0x8: {  	[smem:$0x3FA7] =	sst s0  }
0x9: {  	[smem:$0x3FA8] =	sst s1  }
0xa: {  	[smem:$0x3FA9] =	sst s2  }
0xb: {  	[smem:$0x3FAA] =	sst s3  }
0xc: {  	[smem:$0x3FAB] =	sst s4  }
0xd: {  	[smem:$0x3FAC] =	sst s5  }
0xe: {  	[smem:$0x3FAD] =	sst s6  }
0xf: {  	[smem:$0x3FAE] =	sst s7  }
0x10: {  	[smem:$0x3FAF] =	sst s8  }
0x11: {  	[smem:$0x3FB0] =	sst s9;
	s0 =	simm.s32 @!p0 $0x0  }
0x12: {  	s1 =	sld [smem:$0x3F96];
	s0 =	simm.s32 @p0 $0x1  }
0x13: {  	[smem:$0x3FB1] =	sst s0;
	s0 =	simm.s32 @!p1 $0x0  }
0x14: {  	s2 =	sld [smem:$0x3F95];
	s0 =	simm.s32 @p1 $0x1  }
0x15: {  	[smem:$0x3FB2] =	sst s0;
	s0 =	simm.s32 @!p2 $0x0  }
0x16: {  	s3 =	sld [smem:$0x3FDB];
	s0 =	simm.s32 @p2 $0x1  }
0x17: {  	s4 =	simm.s32 $0x1BF5;
	[smem:$0x3FB4] =	sst s0  }
0x18: {  	s0 =	sld [smem:$0x3F97];
	_ =	swait.ge [sflag:s4], $0x0  }
0x19: {  	s7 =	sld [smem:$0x3F98]  }
0x1a: {  	s8 =	sadd.s32 $0xFFFFE003, lr  }
0x1b: {  	s9 =	sadd.s32 $0xFFFFFEF7, lr;
	s5 =	simm.s32 $0xFFFFFFFF;
	p2 =	slt.u32 s8, $0xFFFFF086  }
0x1c: {  	p1 =	slt.u32 s9, $0xF7A;
	s5 =	simm.s32 @!p2 $0x0  }
0x1d: {  	s5 =	simm.s32 @p1 $0x1;
	p0 =	seq.s32 s7, s2  }
0x1e: {  	s7 =	smul.u32 @!p0 $0xF7A, s2;
	p2 =	seq.s32 @!p0 s5, $0x0  }
0x1f: {  	s9 =	smul.u32 $0xF7A, s1;
	s8 =	simm.s32 @!p0 $0x1BF5;
	p2 =	por !p2, p0  }
0x20: {  	[sflag:s8] =	ssyncset.s32 @!p0 $0xFFFFF086;
	s6 =	sadd.s32 @!p0 s3, s7;
	s7 =	simm.s32 @!p0 $0x108  }
0x21: {  	s3 =	sadd.s32 s3, s9;
	s6 =	sadd.s32 @!p0 $0x88, s6;
	s7 =	simm.s32 @p2 $0x1082  }
0x22: {  	[simem:s7], [sflag:s8] =	dma.local @!p0 [hbm:s6], $0xF7A  }
0x23: {  	s9 =	sor.u32 $0xD0000000, s2;
	s6 =	simm.s32 $0x108;
	_ =	swait.ge @!p0 [sflag:s8], $0x0  }
0x24: {  	s3 =	sadd.s32 $0x88, s3;
	s6 =	simm.s32 @!p1 $0x1082;
	[sflag:s4] =	ssyncset.s32 $0xFFFFF086  }
0x25: {  	[simem:s6], [sflag:s4] =	dma.local [hbm:s3], $0xF7A  }
0x26: {  	[smem:$0x3F98] =	sst s1;
	(tag) =	ssettag s2;
	_ =	strace s9  }
0x27: {  	s1 =	sld [smem:$0x3FA8]  }
0x28: {  	s2 =	sld [smem:$0x3FA9]  }
0x29: {  	s4 =	sld [smem:$0x3FAB]  }
0x2a: {  	p0 =	seq.s32 s5, $0x0;
	s5 =	sld [smem:$0x3FAC]  }
0x2b: {  	s6 =	sld [smem:$0x3FAD]  }
0x2c: {  	s7 =	sld [smem:$0x3FAE]  }
0x2d: {  	s3 =	simm.s32 $0x108;
	s8 =	sld [smem:$0x3FAF]  }
0x2e: {  	s3 =	simm.s32 @!p0 $0x1082;
	s9 =	sld [smem:$0x3FB0]  }
0x2f: {  	lr =	sadd.s32 s0, s3;
	s0 =	sld [smem:$0x3FA7]  }
0x30: {  	s3 =	sld [smem:$0x3FAA]  }
0x31: {  	[smem:$0x3FB3] =	sst s10  }
0x32: {  	s10 =	sld [smem:$0x3FB1];
	_ =	sdelay $0x3  }
0x33: {  	p0 =	seq.s32 s10, $0x1;
	s10 =	sld [smem:$0x3FB3];
	_ =	sdelay $0x3  }
0x34: {  	[smem:$0x3FB3] =	sst s10  }
0x35: {  	s10 =	sld [smem:$0x3FB2];
	_ =	sdelay $0x3  }
0x36: {  	p1 =	seq.s32 s10, $0x1;
	s10 =	sld [smem:$0x3FB3];
	_ =	sdelay $0x3  }
0x37: {  	[smem:$0x3FB3] =	sst s10  }
0x38: {  	s10 =	sld [smem:$0x3FB4]  }
0x39: {  	_ = 	snop;
	(pc) =	sbr.ind lr, $3  }
0x3a: {  	_ = 	snop  }
0x3b: {  	_ = 	snop  }
0x3c: {  	p2 =	seq.s32 s10, $0x1;
	s10 =	sld [smem:$0x3FB3]  }
0x3d: {  	_ =	shalt  }
0x3e: {  	_ =	shalt  }
0x3f: {  	_ =	shalt  }
0x40: {  	_ =	shalt  }
0x41: {  	_ =	shalt  }
0x42: {  	_ =	shalt  }
0x43: {  	_ =	shalt  }
0x44: {  	_ =	shalt  }
0x45: {  	_ =	shalt  }
0x46: {  	_ =	shalt  }
0x47: {  	_ =	shalt  }
0x48: {  	_ =	shalt  }
0x49: {  	_ =	shalt  }
0x4a: {  	_ =	shalt  }
0x4b: {  	_ =	shalt  }
0x4c: {  	_ =	shalt  }
0x4d: {  	_ =	shalt  }
0x4e: {  	_ =	shalt  }
0x4f: {  	_ =	shalt  }
0x50: {  	_ =	shalt  }
0x51: {  	_ =	shalt  }
0x52: {  	_ =	shalt  }
0x53: {  	_ =	shalt  }
0x54: {  	_ =	shalt  }
0x55: {  	_ =	shalt  }
0x56: {  	_ =	shalt  }
0x57: {  	_ =	shalt  }
0x58: {  	_ =	shalt  }
0x59: {  	_ =	shalt  }
0x5a: {  	_ =	shalt  }
0x5b: {  	_ =	shalt  }
0x5c: {  	_ =	shalt  }
0x5d: {  	_ =	shalt  }
0x5e: {  	_ =	shalt  }
0x5f: {  	_ =	shalt  }
0x60: {  	_ =	shalt  }
0x61: {  	_ =	shalt  }
0x62: {  	_ =	shalt  }
0x63: {  	_ =	shalt  }
0x64: {  	_ =	shalt  }
0x65: {  	_ =	shalt  }
0x66: {  	_ =	shalt  }
0x67: {  	_ =	shalt  }
0x68: {  	_ =	shalt  }
0x69: {  	_ =	shalt  }
0x6a: {  	_ =	shalt  }
0x6b: {  	_ =	shalt  }
0x6c: {  	_ =	shalt  }
0x6d: {  	_ =	shalt  }
0x6e: {  	_ =	shalt  }
0x6f: {  	_ =	shalt  }
0x70: {  	_ =	shalt  }
0x71: {  	_ =	shalt  }
0x72: {  	_ =	shalt  }
0x73: {  	_ =	shalt  }
0x74: {  	_ =	shalt  }
0x75: {  	_ =	shalt  }
0x76: {  	_ =	shalt  }
0x77: {  	_ =	shalt  }
0x78: {  	_ =	shalt  }
0x79: {  	_ =	shalt  }
0x7a: {  	_ =	shalt  }
0x7b: {  	_ =	shalt  }
0x7c: {  	_ =	shalt  }
0x7d: {  	_ =	shalt  }
0x7e: {  	_ =	shalt  }
0x7f: {  	_ =	shalt  }
0x80: {  	_ =	shalt  }
0x81: {  	_ =	shalt  }
0x82: {  	_ =	shalt  }
0x83: {  	_ =	shalt  }
0x84: {  	_ =	shalt  }
0x85: {  	_ =	shalt  }
0x86: {  	_ =	shalt  }
0x87: {  	_ =	shalt  }
.Lfunc_end0:
.L_simem_size_0:
called_computation_lowered:
.L_overlay_start_0:
0x88: {  	s2 =	sld [smem:$0x3FD9]  }
0x89: {  	s3 =	sld [smem:$0x3FFE];
	_ =	sdelay $0x1  }
0x8a: {  	s1 =	srdreg.scid  }
0x8b: {  	s0 =	sand.u32 $0x1, s1  }
0x8c: {  	s16 =	sshll.u32 s0, $0xA;
	s2 =	sadd.s32 s3, s2  }
0x8d: {  	s2 =	sadd.s32 s2, s16  }
0x8e: {  	[smem:$0x3FBF] =	sst s2  }
0x8f: {  	_ = 	snop  }
0x90: {  	(tm) =	ssettm $0x1  }
0x91: {  	s17 =	sld [smem:$0x3FFB];
	_ =	sdelay $0x3  }
0x92: {  	_ =	strace s17  }
0x93: {  	s2 =	sld [smem:$0x3FFC];
	_ =	sdelay $0x3  }
0x94: {  	_ =	strace s2  }
0x95: {  	s2 =	sld [smem:$0x3FFD];
	_ =	sdelay $0x3  }
0x96: {  	_ =	strace s2  }
0x97: {  	_ =	strace $0x8FFFFFFF  }
0x98: {  	s18 =	sld [smem:$0x3FDB];
	_ =	sdelay $0x1  }
0x99: {  	s19 =	simm.s32 $_scs_section_size  }
0x9a: {  	s4 =	simm.s32 $_size__tile_overlayer_lowered;
	s5 =	simm.s32 $_tile_overlayer_lowered  }
0x9b: {  	s22 =	simm.s32 $0x1BFF;
	s21 =	sshll.u32 s5, $0x1;
	s2 =	sadd.s32 s19, s18  }
0x9c: {  	s6 =	simm.s32 $0x0;
	s20 =	sshll.u32 s4, $0x1;
	s4 =	sadd.s32 s21, s2  }
0x9d: {  	[timem:s6], [sflag:s22] =	dma.local [hbm:s4], s20  }
0x9e: {  	_ =	swait.ge [sflag:s22], s20  }
0x9f: {  	s3 =	ssub.s32 $0x0, s20;
	[sflag:s22] =	ssyncset.done $0x0  }
0xa0: {  	[sflag:s22] =	ssyncadd.s32 s3;
	_ =	sdelay $0x1  }
0xa1: {  	s23 =	simm.s32 $0x1B8B  }
0xa2: {  	_ =	swait.ge [sflag:s23], $0x1  }
0xa3: {  	[sflag:s23] =	ssyncset.done $0x0  }
0xa4: {  	s25 =	simm.s32 $0x1B8E;
	s24 =	sld [smem:$0x3FFE];
	[sflag:s23] =	ssyncadd.s32 $0xFFFFFFFF  }
0xa5: {  	s26 =	simm.s32 $execute0_lowered;
	[smem:$0x3FD2] =	sst s25  }
0xa6: {  	s4 =	sshll.u32 s26, $0x1;
	_ =	strace $0x80000046;
	[dreg:$0x1] =	wrdreg $0xFFFFFFFF  }
0xa7: {  	s28 =	simm.s32 $_size_execute0_lowered;
	s2 =	sadd.s32 s2, s4;
	[dreg:$0x0] =	wrdreg $0x0  }
0xa8: {  	s4 =	sshll.u32 s28, $0x1;
	[dreg:$0x2] =	wrdreg s2  }
0xa9: {  	[dreg:$0x3] =	wrdreg s4  }
0xaa: {  	[dreg:$0x4] =	wrdreg $0xC0  }
0xab: {  	_ =	task [dreg:s6], $0x5FFFF  }
0xac: {  	[dreg:$0x1] =	wrdreg $0xFFFFFFFF  }
0xad: {  	[dreg:$0x0] =	wrdreg $0x60  }
0xae: {  	[dreg:$0x2] =	wrdreg s24  }
0xaf: {  	[dreg:$0x3] =	wrdreg $0x13A600  }
0xb0: {  	[dreg:$0x4] =	wrdreg $0x9  }
0xb1: {  	_ =	task.clear_ibuf [dreg:s6], $0x5FFFF;
	_ =	strace $0x90000046  }
0xb2: {  	s29 =	simm.s32 $0x9;
	_ =	strace $0x80000048  }
0xb3: {  	_ =	swait.ge [sflag:s29], $0x1  }
0xb4: {  	[sflag:s29] =	ssyncadd.s32 $0xFFFFFFFF  }
0xb5: {  	_ =	strace $0x90000048  }
0xb6: {  	_ =	sfence  }
0xb7: {  	s30 =	sld [smem:$0x0];
	_ =	sdelay $0x2  }
0xb8: {  	s31 =	sshll.u32 s1, $0xD;
	s1 =	sshrl.u32 s1, $0x2  }
0xb9: {  	s3 =	sand.u32 $0x4000, s31;
	s1 =	sadd.s32 s1, s30  }
0xba: {  	s0 =	sor.u32 s3, s0;
	s1 =	sshll.u32 s1, $0x11  }
0xbb: {  	s0 =	sor.u32 s1, s0  }
0xbc: {  	s0 =	sadd.s32 $0x8F2B, s0  }
0xbd: {  	[sflag:s0] =	ssyncadd.remote.s32 $0x1  }
0xbe: {  	_ =	sfence.sel $0xFFFF  }
0xbf: {  	[dreg:$0x0] =	wrdreg $0xFFFFFFFF;
	(pc) =	sbr.abs _section_cstart, $3  }
0xc0: {  	[dreg:$0x1] =	wrdreg $0xFFFFFFFF  }
0xc1: {  	_ =	task.clear_ibuf [dreg:s6], $0x2FFFF;
	_ =	strace $0x9FFFFFFF  }
0xc2: {  	(tm) =	ssettm $0x7FFFFFFF  }
0xc3: {  	_ =	shalt  }
tec
execute0_lowered:
.L_overlay_start_1:
0x0: {  	(tag) =	ssettag $0x1  }
0x1: {  	s0 =	srdreg.scid;
	s1 =	rddreg [dreg:$0x0]  }
0x2: {  	s2 =	rddreg [dreg:$0x1];
	s14 =	stileid.u32;
	s3 =	simm.s32 $0x0  }
0x3: {  	s28 =	simm.s32 $0x1;
	s29 =	simm.s32 $0x6;
	s30 =	simm.s32 $0x7530  }
0x4: {  	s31 =	simm.s32 $0x2;
	s0 =	sand.u32 $0x1, s0;
	s6 =	smul.u32 $0x271, s14  }
0x5: {  	[smem:$0x7FF] =	sst s3;
	s10 =	smul.u32 $0x30D40, s14;
	s4 =	sshll.u32 s0, $0x4  }
0x6: {  	_ =	strace $0x80000047;
	s7 =	ssub.s32 $0x2, s0;
	s0 =	smul.u32 $0x138800, s0  }
0x7: {  	s4 =	sor.u32 s14, s4;
	s8 =	sshrl.u32 s7, $0x1;
	s11 =	sadd.s32 $0x7D, s6  }
0x8: {  	s13 =	sshrl.u32 s10, $0x2;
	s16 =	sshll.u32 s6, $0x7;
	s14 =	smul.u32 $0x13880, s14  }
0x9: {  	s18 =	sadd.s32 $0x1D4C0, s10;
	s5 =	smul.u32 $0x500, s4;
	s4 =	sadd.s32 $0x15800, s1  }
0xa: {  	s12 =	ssub.s32 s7, s8;
	s26 =	smul.u32 $0x140, s11;
	s7 =	sadd.s32 s13, s2  }
0xb: {  	s6 =	sshrl.u32 s18, $0x2;
	s13 =	sadd.s32 $0x27100, s10;
	s20 =	sshll.u32 s11, $0x7  }
0xc: {  	s19 =	sshrl.u32 s13, $0x2;
	s21 =	sadd.s32 s14, s0;
	s13 =	sadd.s32 s0, s20  }
0xd: {  	s0 =	sadd.s32 s0, s16;
	s20 =	simm.s32 $0x3;
	s14 =	simm.s32 $0x0  }
0xe: {  	s5 =	sadd.s32 s5, s1;
	s1 =	sadd.s32 $0x2E000, s1;
	s15 =	sshrl.u32 s26, $0x2  }
0xf: {  	s11 =	sadd.s32 s19, s2;
	s13 =	sshrl.u32 s13, $0x3;
	s24 =	sadd.s32 $0x7D00, s0  }
0x10: {  	s25 =	sadd.s32 $0xBB80, s0;
	s0 =	sadd.s32 $0xFA00, s0;
	s19 =	simm.s32 $0xB  }
0x11: {  	s9 =	sadd.s32 $0xB800, s5;
	s5 =	sadd.s32 $0x1800, s5;
	s8 =	sadd.s32 s15, s2  }
0x12: {  	s23 =	sadd.s32 s1, s13;
	s26 =	sshrl.u32 s25, $0x3;
	s0 =	sshrl.u32 s0, $0x3  }
0x13: {  	s25 =	simm.s32 $0x4;
	s13 =	simm.s32 $0x10;
	[dreg:$0x3] =	wrdreg s9  }
0x14: {  	[dreg:$0x4] =	wrdreg s5;
	s9 =	sadd.s32 $0x13880, s10;
	s10 =	sadd.s32 s6, s2  }
0x15: {  	s6 =	sshrl.u32 s21, $0x3;
	[dreg:$0x6] =	wrdreg s23;
	s5 =	sshrl.u32 s24, $0x3  }
0x16: {  	s0 =	sadd.s32 s1, s0;
	s21 =	simm.s32 $0x11350;
	s24 =	simm.s32 $0x2710  }
0x17: {  	s23 =	simm.s32 $0x8;
	s17 =	sshrl.u32 s9, $0x2;
	s22 =	sadd.s32 s1, s6  }
0x18: {  	s5 =	sadd.s32 s1, s5;
	[dreg:$0x9] =	wrdreg s0;
	s0 =	simm.s32 $0x7  }
0x19: {  	s6 =	simm.s32 $0x5;
	s9 =	sadd.s32 s17, s2;
	[dreg:$0x5] =	wrdreg s22  }
0x1a: {  	[dreg:$0x7] =	wrdreg s5;
	s5 =	sadd.s32 s1, s26;
	s17 =	smax.u32 s12, $0x1  }
0x1b: {  	s22 =	simm.s32 $0x7D;
	s26 =	simm.s32 $0x4E20;
	s1 =	simm.s32 $0x9C40  }
0x1c: {  	v0 =	vimm.f32 $0.0e+00;
	s12 =	simm.s32 $0xA;
	[dreg:$0x8] =	wrdreg s5;
	s5 =	simm.s32 $0x9  }
.LBB2_1:
0x1d: {  	s15 =	rddreg [dreg:$0x3];
	s16 =	simm.s32 $0xC350  }
0x1e: {  	[tilespmem:s16], [sflag:$0xB] =	stream.linear.gather [hbm4b:s15+s3], $0x2800, $0x38;
	[tilespmem:$0x1FDB0] =	vst v63  }
0x1f: {  	_ =	swait.ge [sflag:s19], $0x2800  }
0x20: {  	[sflag:s19] =	ssyncset.done $0x0  }
0x21: {  	s18 =	simm.s32 $0xEB50;
	s16 =	rddreg [dreg:$0x4];
	[sflag:s19] =	ssyncadd.s32 $0xFFFFD800  }
0x22: {  	[tilespmem:s18], [sflag:$0xB] =	stream.linear.gather [hbm4b:s16+s3], $0x2800, $0x38;
	[tilespmem:$0x1FDB0] =	vst v63  }
0x23: {  	_ =	swait.ge [sflag:s19], $0x2800  }
0x24: {  	[sflag:s19] =	ssyncset.done $0x0  }
0x25: {  	s15 =	simm.s32 $0x0;
	s18 =	simm.s32 $0x140;
	[sflag:s19] =	ssyncadd.s32 $0xFFFFD800  }
.LBB2_2:
0x26: {  	p0 =	sne.s32 s18, $0x9B00;
	[tilespmem:s15+$0x11390] =	vst v0;
	s16 =	smov.u32 s18;
	s18 =	sadd.s32 $0x140, s18  }
.Ltmp0:
0x27: {  	[tilespmem:s15+$0x11380] =	vst v0;
	(pc) =	sbr.rel @p0 .LBB2_2-.Ltmp0, $4  }
0x28: {  	[tilespmem:s15+$0x11370] =	vst v0  }
0x29: {  	[tilespmem:s15+$0x11350] =	vst v0  }
0x2a: {  	[tilespmem:s15+$0x11360] =	vst v0  }
0x2b: {  	s15 =	sshra.s32 s16, $0x2  }
0x2c: {  	[tilespmem:s15+$0x11390] =	vst v0  }
0x2d: {  	[tilespmem:s15+$0x11380] =	vst v0  }
0x2e: {  	[tilespmem:s15+$0x11370] =	vst v0  }
0x2f: {  	[tilespmem:s15+$0x11350] =	vst v0  }
0x30: {  	[tilespmem:s15+$0x11360] =	vst v0  }
0x31: {  	[spmem:s7] =	stream.linear.scatter [tilespmem:s21], [sflag:$0xB], $0x2710, $0x38;
	[tilespmem:$0x1FDB0] =	vst v63  }
0x32: {  	_ =	swait.ge [sflag:s19], $0x2710  }
0x33: {  	[sflag:s19] =	ssyncset.done $0x0  }
0x34: {  	[sflag:s19] =	ssyncadd.s32 $0xFFFFD8F0  }
0x35: {  	[spmem:s8] =	stream.linear.scatter [tilespmem:s21], [sflag:$0xB], $0x2710, $0x38;
	[tilespmem:$0x1FDB0] =	vst v63  }
0x36: {  	_ =	swait.ge [sflag:s19], $0x2710  }
0x37: {  	[sflag:s19] =	ssyncset.done $0x0  }
0x38: {  	[sflag:s19] =	ssyncadd.s32 $0xFFFFD8F0  }
0x39: {  	[spmem:s9] =	stream.linear.scatter [tilespmem:s21], [sflag:$0xB], $0x2710, $0x38;
	[tilespmem:$0x1FDB0] =	vst v63  }
0x3a: {  	_ =	swait.ge [sflag:s19], $0x2710  }
0x3b: {  	[sflag:s19] =	ssyncset.done $0x0  }
0x3c: {  	[sflag:s19] =	ssyncadd.s32 $0xFFFFD8F0  }
0x3d: {  	[spmem:s10] =	stream.linear.scatter [tilespmem:s21], [sflag:$0xB], $0x2710, $0x38;
	[tilespmem:$0x1FDB0] =	vst v63  }
0x3e: {  	_ =	swait.ge [sflag:s19], $0x2710  }
0x3f: {  	[sflag:s19] =	ssyncset.done $0x0  }
0x40: {  	[sflag:s19] =	ssyncadd.s32 $0xFFFFD8F0  }
0x41: {  	[spmem:s11] =	stream.linear.scatter [tilespmem:s21], [sflag:$0xB], $0x2710, $0x38;
	[tilespmem:$0x1FDB0] =	vst v63  }
0x42: {  	_ =	swait.ge [sflag:s19], $0x2710  }
0x43: {  	[sflag:s19] =	ssyncset.done $0x0  }
0x44: {  	s18 =	simm.s32 $0x0;
	s16 =	simm.s32 $0xC350;
	[sflag:s19] =	ssyncadd.s32 $0xFFFFD8F0  }
0x45: {  	[tilespmem:s18], [sflag:$0x1] =	stream.indirect.gather [hbm4b:s4+s22], $0x50, s16, s22, $0xb8;
	[tilespmem:$0x1FDB0] =	vst v63  }
0x46: {  	s18 =	simm.s32 $0xC3D0  }
0x47: {  	[tilespmem:s24], [sflag:$0x2] =	stream.indirect.gather [hbm4b:s4+s22], $0x50, s18, s22, $0xb8;
	[tilespmem:$0x1FDB0] =	vst v63  }
0x48: {  	s16 =	simm.s32 $0xC450  }
0x49: {  	[tilespmem:s26], [sflag:$0x3] =	stream.indirect.gather [hbm4b:s4+s22], $0x50, s16, s22, $0xb8;
	[tilespmem:$0x1FDB0] =	vst v63  }
0x4a: {  	[bflag:$0x0] =	sbarrier.arrive $0xFFFF  }
0x4b: {  	_ =	swait.ge [sflag:s28], $0x2710  }
0x4c: {  	[sflag:s28] =	ssyncset.done $0x0  }
0x4d: {  	s18 =	simm.s32 $0xEB50;
	[sflag:s28] =	ssyncadd.s32 $0xFFFFD8F0  }
0x4e: {  	[spmem:s2] =	stream.indirect.scatter.add.f32 [tilespmem:s3], [sflag:$0x6], $0x50, s18, s22, $0xb8;
	[tilespmem:$0x1FDB0] =	vst v63  }
0x4f: {  	_ =	swait.ge [sflag:s29], $0x2710  }
0x50: {  	[sflag:s29] =	ssyncset.done $0x0  }
0x51: {  	s16 =	simm.s32 $0xC4D0;
	[sflag:s29] =	ssyncadd.s32 $0xFFFFD8F0  }
0x52: {  	[tilespmem:s30], [sflag:$0x4] =	stream.indirect.gather [hbm4b:s4+s22], $0x50, s16, s22, $0xb8;
	[tilespmem:$0x1FDB0] =	vst v63  }
0x53: {  	_ =	swait.ge [sflag:s31], $0x2710  }
0x54: {  	[sflag:s31] =	ssyncset.done $0x0  }
0x55: {  	s18 =	simm.s32 $0xEBD0;
	[sflag:s31] =	ssyncadd.s32 $0xFFFFD8F0  }
0x56: {  	[spmem:s2] =	stream.indirect.scatter.add.f32 [tilespmem:s24], [sflag:$0x7], $0x50, s18, s22, $0xb8;
	[tilespmem:$0x1FDB0] =	vst v63  }
0x57: {  	_ =	swait.ge [sflag:s0], $0x2710  }
0x58: {  	[sflag:s0] =	ssyncset.done $0x0  }
0x59: {  	s16 =	simm.s32 $0xC550;
	[sflag:s0] =	ssyncadd.s32 $0xFFFFD8F0  }
0x5a: {  	[tilespmem:s1], [sflag:$0x5] =	stream.indirect.gather [hbm4b:s4+s22], $0x50, s16, s22, $0xb8;
	[tilespmem:$0x1FDB0] =	vst v63  }
0x5b: {  	_ =	swait.ge [sflag:s20], $0x2710  }
0x5c: {  	[sflag:s20] =	ssyncset.done $0x0  }
0x5d: {  	s18 =	simm.s32 $0xEC50;
	[sflag:s20] =	ssyncadd.s32 $0xFFFFD8F0  }
0x5e: {  	[spmem:s2] =	stream.indirect.scatter.add.f32 [tilespmem:s26], [sflag:$0x8], $0x50, s18, s22, $0xb8;
	[tilespmem:$0x1FDB0] =	vst v63  }
0x5f: {  	_ =	swait.ge [sflag:s23], $0x2710  }
0x60: {  	[sflag:s23] =	ssyncset.done $0x0  }
0x61: {  	s16 =	simm.s32 $0xC5D0;
	[sflag:s23] =	ssyncadd.s32 $0xFFFFD8F0  }
0x62: {  	[tilespmem:s3], [sflag:$0x1] =	stream.indirect.gather [hbm4b:s4+s22], $0x50, s16, s22, $0xb8;
	[tilespmem:$0x1FDB0] =	vst v63  }
0x63: {  	_ =	swait.ge [sflag:s25], $0x2710  }
0x64: {  	[sflag:s25] =	ssyncset.done $0x0  }
0x65: {  	s18 =	simm.s32 $0xECD0;
	[sflag:s25] =	ssyncadd.s32 $0xFFFFD8F0  }
0x66: {  	[spmem:s2] =	stream.indirect.scatter.add.f32 [tilespmem:s30], [sflag:$0x9], $0x50, s18, s22, $0xb8;
	[tilespmem:$0x1FDB0] =	vst v63  }
0x67: {  	_ =	swait.ge [sflag:s5], $0x2710  }
0x68: {  	[sflag:s5] =	ssyncset.done $0x0  }
0x69: {  	s16 =	simm.s32 $0xC650;
	[sflag:s5] =	ssyncadd.s32 $0xFFFFD8F0  }
0x6a: {  	[tilespmem:s24], [sflag:$0x2] =	stream.indirect.gather [hbm4b:s4+s22], $0x50, s16, s22, $0xb8;
	[tilespmem:$0x1FDB0] =	vst v63  }
0x6b: {  	_ =	swait.ge [sflag:s6], $0x2710  }
0x6c: {  	[sflag:s6] =	ssyncset.done $0x0  }
0x6d: {  	s18 =	simm.s32 $0xED50;
	[sflag:s6] =	ssyncadd.s32 $0xFFFFD8F0  }
0x6e: {  	[spmem:s2] =	stream.indirect.scatter.add.f32 [tilespmem:s1], [sflag:$0xA], $0x50, s18, s22, $0xb8;
	[tilespmem:$0x1FDB0] =	vst v63  }
0x6f: {  	_ =	swait.ge [sflag:s12], $0x2710  }
0x70: {  	[sflag:s12] =	ssyncset.done $0x0  }
0x71: {  	s15 =	simm.s32 $0xC6D0;
	s18 =	simm.s32 $0xA00;
	[sflag:s12] =	ssyncadd.s32 $0xFFFFD8F0  }
.LBB2_4:
0x72: {  	[tilespmem:s26], [sflag:$0x3] =	stream.indirect.gather [hbm4b:s4+s22], $0x50, s15, s22, $0xb8;
	[tilespmem:$0x1FDB0] =	vst v63  }
0x73: {  	s15 =	smov.u32 s18  }
0x74: {  	p0 =	sne.s32 s18, $0x8C00;
	s18 =	sadd.s32 $0xA00, s18;
	_ =	swait.ge [sflag:s28], $0x2710  }
0x75: {  	s15 =	sshra.s32 s15, $0x2;
	[sflag:s28] =	ssyncset.done $0x0  }
0x76: {  	s16 =	sadd.s32 $0xEB50, s15;
	[sflag:s28] =	ssyncadd.s32 $0xFFFFD8F0  }
0x77: {  	[spmem:s2] =	stream.indirect.scatter.add.f32 [tilespmem:s3], [sflag:$0x6], $0x50, s16, s22, $0xb8;
	[tilespmem:$0x1FDB0] =	vst v63  }
0x78: {  	_ =	swait.ge [sflag:s29], $0x2710  }
0x79: {  	[sflag:s29] =	ssyncset.done $0x0  }
0x7a: {  	s16 =	sadd.s32 $0xC4D0, s15;
	[sflag:s29] =	ssyncadd.s32 $0xFFFFD8F0  }
0x7b: {  	[tilespmem:s30], [sflag:$0x4] =	stream.indirect.gather [hbm4b:s4+s22], $0x50, s16, s22, $0xb8;
	[tilespmem:$0x1FDB0] =	vst v63  }
0x7c: {  	_ =	swait.ge [sflag:s31], $0x2710  }
0x7d: {  	[sflag:s31] =	ssyncset.done $0x0  }
0x7e: {  	s16 =	sadd.s32 $0xEBD0, s15;
	[sflag:s31] =	ssyncadd.s32 $0xFFFFD8F0  }
0x7f: {  	[spmem:s2] =	stream.indirect.scatter.add.f32 [tilespmem:s24], [sflag:$0x7], $0x50, s16, s22, $0xb8;
	[tilespmem:$0x1FDB0] =	vst v63  }
0x80: {  	_ =	swait.ge [sflag:s0], $0x2710  }
0x81: {  	[sflag:s0] =	ssyncset.done $0x0  }
0x82: {  	s16 =	sadd.s32 $0xC550, s15;
	[sflag:s0] =	ssyncadd.s32 $0xFFFFD8F0  }
0x83: {  	[tilespmem:s1], [sflag:$0x5] =	stream.indirect.gather [hbm4b:s4+s22], $0x50, s16, s22, $0xb8;
	[tilespmem:$0x1FDB0] =	vst v63  }
0x84: {  	_ =	swait.ge [sflag:s20], $0x2710  }
0x85: {  	[sflag:s20] =	ssyncset.done $0x0  }
0x86: {  	s16 =	sadd.s32 $0xEC50, s15;
	[sflag:s20] =	ssyncadd.s32 $0xFFFFD8F0  }
0x87: {  	[spmem:s2] =	stream.indirect.scatter.add.f32 [tilespmem:s26], [sflag:$0x8], $0x50, s16, s22, $0xb8;
	[tilespmem:$0x1FDB0] =	vst v63  }
0x88: {  	_ =	swait.ge [sflag:s23], $0x2710  }
0x89: {  	[sflag:s23] =	ssyncset.done $0x0  }
0x8a: {  	s16 =	sadd.s32 $0xC5D0, s15;
	[sflag:s23] =	ssyncadd.s32 $0xFFFFD8F0  }
0x8b: {  	[tilespmem:s3], [sflag:$0x1] =	stream.indirect.gather [hbm4b:s4+s22], $0x50, s16, s22, $0xb8;
	[tilespmem:$0x1FDB0] =	vst v63  }
0x8c: {  	_ =	swait.ge [sflag:s25], $0x2710  }
0x8d: {  	[sflag:s25] =	ssyncset.done $0x0  }
0x8e: {  	s16 =	sadd.s32 $0xECD0, s15;
	[sflag:s25] =	ssyncadd.s32 $0xFFFFD8F0  }
0x8f: {  	[spmem:s2] =	stream.indirect.scatter.add.f32 [tilespmem:s30], [sflag:$0x9], $0x50, s16, s22, $0xb8;
	[tilespmem:$0x1FDB0] =	vst v63  }
0x90: {  	_ =	swait.ge [sflag:s5], $0x2710  }
0x91: {  	[sflag:s5] =	ssyncset.done $0x0  }
0x92: {  	s16 =	sadd.s32 $0xC650, s15;
	[sflag:s5] =	ssyncadd.s32 $0xFFFFD8F0  }
0x93: {  	[tilespmem:s24], [sflag:$0x2] =	stream.indirect.gather [hbm4b:s4+s22], $0x50, s16, s22, $0xb8;
	[tilespmem:$0x1FDB0] =	vst v63  }
0x94: {  	_ =	swait.ge [sflag:s6], $0x2710  }
0x95: {  	[sflag:s6] =	ssyncset.done $0x0  }
.Ltmp1:
0x96: {  	s16 =	sadd.s32 $0xED50, s15;
	[sflag:s6] =	ssyncadd.s32 $0xFFFFD8F0;
	(pc) =	sbr.rel @p0 .LBB2_4-.Ltmp1, $4  }
0x97: {  	[spmem:s2] =	stream.indirect.scatter.add.f32 [tilespmem:s1], [sflag:$0xA], $0x50, s16, s22, $0xb8;
	[tilespmem:$0x1FDB0] =	vst v63  }
0x98: {  	_ =	swait.ge [sflag:s12], $0x2710  }
0x99: {  	[sflag:s12] =	ssyncset.done $0x0  }
0x9a: {  	s15 =	sadd.s32 $0xC6D0, s15;
	[sflag:s12] =	ssyncadd.s32 $0xFFFFD8F0  }
0x9b: {  	[tilespmem:s26], [sflag:$0x3] =	stream.indirect.gather [hbm4b:s4+s22], $0x50, s15, s22, $0xb8;
	[tilespmem:$0x1FDB0] =	vst v63  }
0x9c: {  	_ =	swait.ge [sflag:s28], $0x2710  }
0x9d: {  	[sflag:s28] =	ssyncset.done $0x0  }
0x9e: {  	s16 =	simm.s32 $0x110D0;
	[sflag:s28] =	ssyncadd.s32 $0xFFFFD8F0  }
0x9f: {  	[spmem:s2] =	stream.indirect.scatter.add.f32 [tilespmem:s3], [sflag:$0x6], $0x50, s16, s22, $0xb8;
	[tilespmem:$0x1FDB0] =	vst v63  }
0xa0: {  	_ =	swait.ge [sflag:s29], $0x2710  }
0xa1: {  	[sflag:s29] =	ssyncset.done $0x0  }
0xa2: {  	s18 =	simm.s32 $0xEA50;
	[sflag:s29] =	ssyncadd.s32 $0xFFFFD8F0  }
0xa3: {  	[tilespmem:s30], [sflag:$0x4] =	stream.indirect.gather [hbm4b:s4+s22], $0x50, s18, s22, $0xb8;
	[tilespmem:$0x1FDB0] =	vst v63  }
0xa4: {  	_ =	swait.ge [sflag:s31], $0x2710  }
0xa5: {  	[sflag:s31] =	ssyncset.done $0x0  }
0xa6: {  	s16 =	simm.s32 $0x11150;
	[sflag:s31] =	ssyncadd.s32 $0xFFFFD8F0  }
0xa7: {  	[spmem:s2] =	stream.indirect.scatter.add.f32 [tilespmem:s24], [sflag:$0x7], $0x50, s16, s22, $0xb8;
	[tilespmem:$0x1FDB0] =	vst v63  }
0xa8: {  	_ =	swait.ge [sflag:s0], $0x2710  }
0xa9: {  	[sflag:s0] =	ssyncset.done $0x0  }
0xaa: {  	s18 =	simm.s32 $0xEAD0;
	[sflag:s0] =	ssyncadd.s32 $0xFFFFD8F0  }
0xab: {  	[tilespmem:s1], [sflag:$0x5] =	stream.indirect.gather [hbm4b:s4+s22], $0x50, s18, s22, $0xb8;
	[tilespmem:$0x1FDB0] =	vst v63  }
0xac: {  	_ =	swait.ge [sflag:s20], $0x2710  }
0xad: {  	[sflag:s20] =	ssyncset.done $0x0  }
0xae: {  	s16 =	simm.s32 $0x111D0;
	[sflag:s20] =	ssyncadd.s32 $0xFFFFD8F0  }
0xaf: {  	[spmem:s2] =	stream.indirect.scatter.add.f32 [tilespmem:s26], [sflag:$0x8], $0x50, s16, s22, $0xb8;
	[tilespmem:$0x1FDB0] =	vst v63  }
0xb0: {  	_ =	swait.ge [sflag:s23], $0x2710  }
0xb1: {  	[sflag:s23] =	ssyncset.done $0x0  }
0xb2: {  	[sflag:s23] =	ssyncadd.s32 $0xFFFFD8F0  }
0xb3: {  	_ =	swait.ge [sflag:s25], $0x2710  }
0xb4: {  	[sflag:s25] =	ssyncset.done $0x0  }
0xb5: {  	s18 =	simm.s32 $0x11250;
	[sflag:s25] =	ssyncadd.s32 $0xFFFFD8F0  }
0xb6: {  	[spmem:s2] =	stream.indirect.scatter.add.f32 [tilespmem:s30], [sflag:$0x9], $0x50, s18, s22, $0xb8;
	[tilespmem:$0x1FDB0] =	vst v63  }
0xb7: {  	_ =	swait.ge [sflag:s5], $0x2710  }
0xb8: {  	[sflag:s5] =	ssyncset.done $0x0  }
0xb9: {  	[sflag:s5] =	ssyncadd.s32 $0xFFFFD8F0  }
0xba: {  	_ =	swait.ge [sflag:s6], $0x2710  }
0xbb: {  	[sflag:s6] =	ssyncset.done $0x0  }
0xbc: {  	s16 =	simm.s32 $0x112D0;
	[sflag:s6] =	ssyncadd.s32 $0xFFFFD8F0  }
0xbd: {  	[spmem:s2] =	stream.indirect.scatter.add.f32 [tilespmem:s1], [sflag:$0xA], $0x50, s16, s22, $0xb8;
	[tilespmem:$0x1FDB0] =	vst v63  }
0xbe: {  	_ =	swait.ge [sflag:s12], $0x2710  }
0xbf: {  	[sflag:s12] =	ssyncset.done $0x0  }
0xc0: {  	s18 =	stileid.u32;
	[sflag:s12] =	ssyncadd.s32 $0xFFFFD8F0  }
0xc1: {  	s15 =	sshll.u32 s18, $0x6;
	[bflag:$0x0] =	sbarrier.arrive $0xFFFF  }
0xc2: {  	s15 =	sor.u32 $0x1C0B, s15;
	s16 =	sshrl.u32 s7, $0x3;
	s18 =	rddreg [dreg:$0x5]  }
0xc3: {  	[hbm:s18@s13], [sflag:s15] =	dma.strided [spmem:s16@s12], $0x4E2, s28, $0xa   }
0xc4: {  	_ =	swait.ge [sflag:s19], $0x4E2  }
0xc5: {  	[sflag:s19] =	ssyncset.done $0x0  }
0xc6: {  	s16 =	sshrl.u32 s8, $0x3;
	s18 =	rddreg [dreg:$0x6];
	[sflag:s19] =	ssyncadd.s32 $0xFFFFFB1E  }
0xc7: {  	[hbm:s18@s13], [sflag:s15] =	dma.strided [spmem:s16@s12], $0x4E2, s28, $0xa   }
0xc8: {  	_ =	swait.ge [sflag:s19], $0x4E2  }
0xc9: {  	[sflag:s19] =	ssyncset.done $0x0  }
0xca: {  	s16 =	sshrl.u32 s9, $0x3;
	s18 =	rddreg [dreg:$0x7];
	[sflag:s19] =	ssyncadd.s32 $0xFFFFFB1E  }
0xcb: {  	[hbm:s18@s13], [sflag:s15] =	dma.strided [spmem:s16@s12], $0x4E2, s28, $0xa   }
0xcc: {  	_ =	swait.ge [sflag:s19], $0x4E2  }
0xcd: {  	[sflag:s19] =	ssyncset.done $0x0  }
0xce: {  	s16 =	sshrl.u32 s10, $0x3;
	s18 =	rddreg [dreg:$0x8];
	[sflag:s19] =	ssyncadd.s32 $0xFFFFFB1E  }
0xcf: {  	[hbm:s18@s13], [sflag:s15] =	dma.strided [spmem:s16@s12], $0x4E2, s28, $0xa   }
0xd0: {  	s14 =	sadd.s32 $0x1, s14;
	_ =	swait.ge [sflag:s19], $0x4E2  }
0xd1: {  	p0 =	sne.s32 s14, s17;
	s16 =	sshrl.u32 s11, $0x3;
	[sflag:s19] =	ssyncset.done $0x0  }
.Ltmp2:
0xd2: {  	s18 =	rddreg [dreg:$0x9];
	[sflag:s19] =	ssyncadd.s32 $0xFFFFFB1E;
	(pc) =	sbr.rel @p0 .LBB2_1-.Ltmp2, $4  }
0xd3: {  	[hbm:s18@s13], [sflag:s15] =	dma.strided [spmem:s16@s12], $0x4E2, s28, $0xa   }
0xd4: {  	_ =	swait.ge [sflag:s19], $0x4E2  }
0xd5: {  	[sflag:s19] =	ssyncset.done $0x0  }
0xd6: {  	[sflag:s19] =	ssyncadd.s32 $0xFFFFFB1E  }
0xd7: {  	_ =	sfence.sel $0x180000  }
0xd8: {  	[bflag:$0x0] =	sbarrier.arrive $0xFFFF  }
0xd9: {  	_ =	strace $0x90000047  }
0xda: {  	s0 =	stileid.u32;
	[bflag:$0x2] =	sbarrier.arrive $0xFFFF  }
0xdb: {  	p0 =	sne.s32 s0, $0x0;
	s0 =	rddreg [dreg:$0x2]  }
0xdc: {  	s0 =	sadd.s32 @!p0 $0x100000, s0  }
0xdd: {  	[sflag:s0] =	ssyncadd.tile.s32 @!p0 $0x1;
	_ =	shalt  }
.Lfunc_end2:
_tile_overlayer_lowered:
.L_overlay_start_2:
0xde: {  	(tag) =	ssettag $0x2  }
0xdf: {  	s0 =	rddreg [dreg:$0x0];
	s2 =	stileid.u32  }
0xe0: {  	s1 =	rddreg [dreg:$0x1];
	p0 =	sne.s32 s2, $0x0  }
0xe1: {  	s3 =	rddreg [dreg:$0x2];
	[bflag:$0x3] =	sbarrier.arrive $0xFFFF;
	s2 =	simm.s32 @!p0 $0x1C0B  }
0xe2: {  	[timem:s3], [sflag:s2] =	dma.local @!p0 [hbm:s0], s1  }
0xe3: {  	s0 =	simm.s32 @!p0 $0xB  }
0xe4: {  	_ =	swait.ge @!p0 [sflag:s0], s1  }
0xe5: {  	s1 =	ssub.s32 @!p0 $0x0, s1;
	[sflag:s0] =	ssyncset.done @!p0 $0x0  }
0xe6: {  	[sflag:s0] =	ssyncadd.s32 @!p0 s1  }
0xe7: {  	[bflag:$0x3] =	sbarrier.arrive $0xFFFF  }
0xe8: {  	_ =	shalt  }

</sc_bundles>
